<compile_context>
chip_gen: v7x
topology: tpu7x:2x2x1
jax: 0.10.2.dev20260603
libtpu: 0.0.44.dev20260713+nightly
codegen_flags: <defaults>
</compile_context>

<pallas_src>
import functools

import jax
import jax.numpy as jnp
from jax import lax
from jax.experimental import pallas as pl
from jax.experimental.pallas import tpu as pltpu
from jax.experimental.pallas import tpu_sc as plsc

_BINS = 64
_NC, _NS, _L = 2, 16, 16
_NW = _NC * _NS
_SLOTS = 6
_HIST_ROWS = _SLOTS * _BINS
_SLICE = 512 * 512
_SLAB = 32
_NSLAB = 512 // _SLAB
_VPR = 512 // _L
_UNROLL = 8
_STRIDE = 393
_MAGIC = 8388608.0
_MAGIC_BITS = 0x4B000000


def _sc_histograms(pred4d, target4d):
    mesh = plsc.VectorSubcoreMesh(core_axis_name="c", subcore_axis_name="s")

    @functools.partial(
        pl.kernel,
        out_type=jax.ShapeDtypeStruct((_SLOTS, _NW, 2 * _BINS), jnp.float32),
        mesh=mesh,
        compiler_params=pltpu.CompilerParams(needs_layout_passes=False),
        scratch_types=[
            pltpu.VMEM((2, _SLAB, 512), jnp.float32),
            pltpu.VMEM((_L * _STRIDE,), jnp.float32),
            pltpu.VMEM((_SLOTS * 2 * _BINS,), jnp.float32),
            pltpu.SemaphoreType.DMA,
            pltpu.SemaphoreType.DMA,
        ],
    )
    def hist_kernel(pred_hbm, target_hbm, out_hbm, buf, hist, red, sem0, sem1):
        wid = lax.axis_index("s") * _NC + lax.axis_index("c")
        lane = lax.iota(jnp.int32, _L)
        lane_off = lane * _STRIDE
        lane_c = lane_off - _MAGIC_BITS
        sems = (sem0, sem1)
        zero_v = jnp.zeros((_L,), jnp.float32)
        ones_v = jnp.ones((_L,), jnp.float32)

        def zero_body(i, carry):
            hist[pl.ds(i * _L, _L)] = zero_v
            return carry

        lax.fori_loop(0, (_L * _STRIDE) // _L, zero_body, 0)

        def zero_red_body(i, carry):
            red[pl.ds(i * _L, _L)] = zero_v
            return carry

        lax.fori_loop(0, (_SLOTS * 2 * _BINS) // _L, zero_red_body, 0)

        for slot in range(_SLOTS):
            src = pred_hbm if slot < 3 else target_hbm
            ch = slot % 3
            shift = 33.0 + 65.0 * slot - 0.5
            lo = _MAGIC + 65.0 * slot
            hi = _MAGIC + 65.0 * (slot + 1)

            pltpu.async_copy(src.at[wid, ch, pl.ds(0, _SLAB)], buf.at[0],
                             sem0)

            def process_pair(k, carry, ch=ch, src=src, shift=shift,
                             lo=lo, hi=hi):
                for b in range(2):
                    g = k * 2 + b
                    nb = 1 - b

                    @pl.when(g + 1 < _NSLAB)
                    def _start_next():
                        pltpu.async_copy(
                            src.at[wid, ch, pl.ds((g + 1) * _SLAB, _SLAB)],
                            buf.at[nb], sems[nb])

                    pltpu.make_async_copy(
                        src.at[wid, ch, pl.ds(g * _SLAB, _SLAB)],
                        buf.at[b], sems[b]).wait()

                    @plsc.parallel_loop(0, _SLAB * _VPR, unroll=_UNROLL)
                    def vec_body(v, b=b, shift=shift, lo=lo, hi=hi):
                        r = lax.shift_right_logical(v, 5)
                        c = lax.shift_left(jnp.bitwise_and(v, _VPR - 1), 4)
                        x = buf[b, r, pl.ds(c, _L)]
                        y = (x * 32.0 + shift) + _MAGIC
                        yc = jnp.minimum(jnp.maximum(y, lo), hi)
                        idx = plsc.bitcast(yc, jnp.int32) + lane_c
                        plsc.addupdate_scatter(hist, [idx], ones_v)
                return carry

            lax.fori_loop(0, _NSLAB // 2, process_pair, 0)

        lane0 = lane == 0

        def reduce_body(r, carry):
            s_hi = lax.shift_right_logical(r, 6)
            src_bin = 1 + s_hi * 65 + jnp.bitwise_and(r, 63)
            v = plsc.load_gather(hist, [lane_off + src_bin])
            s = jnp.sum(v, axis=0)
            out_idx = r + lax.shift_left(s_hi, 6)
            plsc.store_scatter(red, [jnp.full((_L,), out_idx, jnp.int32)],
                               jnp.broadcast_to(s, (_L,)), mask=lane0)
            return carry

        lax.fori_loop(0, _HIST_ROWS, reduce_body, 0)

        for slot in range(_SLOTS):
            pltpu.sync_copy(red.at[pl.ds(slot * 2 * _BINS, 2 * _BINS)],
                            out_hbm.at[slot, wid])

    return hist_kernel(pred4d, target4d)


def _tc_loss(partials):
    nb = 2 * _BINS

    def loss_kernel(h_ref, o_ref):
        h = h_ref[...]
        rows = []
        for slot in range(_SLOTS):
            rows.append(jnp.sum(h[slot * _NW:(slot + 1) * _NW, :], axis=0,
                                keepdims=True))
        hh = jnp.concatenate(rows, axis=0)
        ri = lax.broadcasted_iota(jnp.int32, (nb, nb), 0)
        ci = lax.broadcasted_iota(jnp.int32, (nb, nb), 1)
        tri = (ri <= ci).astype(jnp.float32)
        cum = jnp.dot(hh, tri, preferred_element_type=jnp.float32,
                      precision=lax.Precision.HIGHEST)
        tot = jnp.sum(hh, axis=1, keepdims=True)
        cn = cum / tot
        diff = jnp.abs(cn[0:3, :] - cn[3:6, :])
        loss = jnp.sum(diff) * (1.0 / (3.0 * _BINS))
        o_ref[...] = jnp.reshape(loss, (1, 1))

    return pl.pallas_call(
        loss_kernel,
        out_shape=jax.ShapeDtypeStruct((1, 1), jnp.float32),
    )(partials)


def kernel(pred, target):
    partials = _sc_histograms(pred, target)
    loss = _tc_loss(partials.reshape(_SLOTS * _NW, 2 * _BINS))
    return loss[0, 0]

# --- scband reference (transcript-rebuilt; emitter-appended) ---
"""Pipeline reference for scband-color-histogram-loss-51453708206545 (READ-ONLY COPY).

The authoritative reference and input builder live on the scoring server;
editing this copy changes nothing except your own understanding.
"""

import jax, jax.numpy as jnp
import numpy as np

BINS = 64

def _histc(x, bins):
    # Faithful translation of torch.histc(x, bins, min=0, max=1):
    # values outside [min, max] are ignored; value == max falls in the last bin.
    x = x.reshape(-1)
    w = ((x >= 0.0) & (x <= 1.0)).astype(jnp.float32)
    idx = jnp.clip(jnp.floor(x * bins).astype(jnp.int32), 0, bins - 1)
    return jnp.zeros((bins,), dtype=jnp.float32).at[idx].add(w)

def setup_inputs(seed: int = 0) -> dict:
    key = jax.random.key(seed)
    k1, k2 = jax.random.split(key)
    pred = jax.random.normal(k1, (32, 3, 512, 512), dtype=jnp.float32)
    target = jax.random.normal(k2, (32, 3, 512, 512), dtype=jnp.float32)
    return {"pred": pred, "target": target}

def reference(pred, target):
    bins = BINS
    p = pred * 0.5 + 0.5
    t = target * 0.5 + 0.5
    loss = 0.0
    for i in range(3):
        ph = _histc(p[:, i, :, :], bins)
        th = _histc(t[:, i, :, :], bins)
        ph = ph / ph.sum()
        th = th / th.sum()
        # F.l1_loss with default 'mean' reduction on cumulative histograms (EMD-style)
        loss = loss + jnp.mean(jnp.abs(jnp.cumsum(ph) - jnp.cumsum(th)))
    return loss / 3.0

if __name__ == "__main__":
    import jax
    _d = setup_inputs()
    print(jax.jit(kernel)(*tuple(_d.values())))

</pallas_src>

<mosaic_0001>
#map = affine_map<(d0, d1) -> (0, 0, 0, 0)>
#map1 = affine_map<(d0, d1) -> (0, 0, 0)>
module attributes {stable_mosaic.version = 14 : i64} {
  func.func @hist_kernel(%arg0: i32, %arg1: i32, %arg2: memref<32x3x512x512xf32, #tpu.memory_space<hbm>>, %arg3: memref<32x3x512x512xf32, #tpu.memory_space<hbm>>, %arg4: memref<6x32x128xf32, #tpu.memory_space<hbm>>, %arg5: memref<2x32x512xf32, #tpu.memory_space<vmem>>, %arg6: memref<6288xf32, #tpu.memory_space<vmem>>, %arg7: memref<768xf32, #tpu.memory_space<vmem>>, %arg8: memref<!tpu.dma_semaphore, #tpu.memory_space<semaphore_mem>>, %arg9: memref<!tpu.dma_semaphore, #tpu.memory_space<semaphore_mem>>) attributes {dimension_semantics = [#tpu.dimension_semantics<core_parallel>, #tpu.dimension_semantics<subcore_parallel>], iteration_bounds = array<i64: 2, 16>, scalar_prefetch = 0 : i64, scratch_operands = 5 : i64, tpu.core_type = #tpu.core_type<sc_vector_subcore>, window_params = [{transform_indices = #map}, {transform_indices = #map}, {transform_indices = #map1}]} {
    %mul3A = arith.constant 2 : i32
    %mul3A_0 = arith.muli %arg1, %mul3A : i32
    %add3A = arith.addi %mul3A_0, %arg0 : i32
    %iota3A = tpu.iota {dimensions = array<i32: 0>} : vector<16xi32>
    %mul3A_1 = arith.constant 393 : i32
    %mul3A_2 = vector.broadcast %mul3A_1 : i32 to vector<16xi32>
    %mul3A_3 = arith.muli %iota3A, %mul3A_2 : vector<16xi32>
    %sub3A = arith.constant 1258291200 : i32
    %sub3A_4 = vector.broadcast %sub3A : i32 to vector<16xi32>
    %sub3A_5 = arith.subi %mul3A_3, %sub3A_4 : vector<16xi32>
    %broadcast_in_dim3A = arith.constant 0.000000e+00 : f32
    %broadcast_in_dim3A_6 = vector.broadcast %broadcast_in_dim3A : f32 to vector<16xf32>
    %broadcast_in_dim3A_7 = arith.constant 1.000000e+00 : f32
    %broadcast_in_dim3A_8 = vector.broadcast %broadcast_in_dim3A_7 : f32 to vector<16xf32>
    %scan3A = arith.constant 0 : i32
    %scan3A_9 = arith.constant 0 : i32
    %scan3A_10 = arith.constant 393 : i32
    %scan3A_11 = arith.addi %scan3A_9, %scan3A_10 : i32
    %scan3A_12 = arith.constant 1 : i32
    scf.for %scan3A_176 = %scan3A_9 to %scan3A_11 step %scan3A_12  : i32 {
      %mul3A_177 = arith.constant 16 : i32
      %mul3A_178 = arith.muli %scan3A_176, %mul3A_177 : i32
      %swap3A = arith.index_cast %mul3A_178 : i32 to index
      %swap3A_179 = tpu.vector_load %arg6[%swap3A] {strides = array<i32>} : memref<6288xf32, #tpu.memory_space<vmem>>, vector<16xf32>,
      tpu.vector_store %arg6[%swap3A], %broadcast_in_dim3A_6 {strides = array<i32>} : memref<6288xf32, #tpu.memory_space<vmem>>, vector<16xf32>,
    }
    %scan3A_13 = arith.constant 393 : i32
    %scan3A_14 = arith.constant 0 : i32
    %scan3A_15 = arith.constant 0 : i32
    %scan3A_16 = arith.constant 48 : i32
    %scan3A_17 = arith.addi %scan3A_15, %scan3A_16 : i32
    %scan3A_18 = arith.constant 1 : i32
    scf.for %scan3A_176 = %scan3A_15 to %scan3A_17 step %scan3A_18  : i32 {
      %mul3A_177 = arith.constant 16 : i32
      %mul3A_178 = arith.muli %scan3A_176, %mul3A_177 : i32
      %swap3A = arith.index_cast %mul3A_178 : i32 to index
      %swap3A_179 = tpu.vector_load %arg7[%swap3A] {strides = array<i32>} : memref<768xf32, #tpu.memory_space<vmem>>, vector<16xf32>,
      tpu.vector_store %arg7[%swap3A], %broadcast_in_dim3A_6 {strides = array<i32>} : memref<768xf32, #tpu.memory_space<vmem>>, vector<16xf32>,
    }
    %scan3A_19 = arith.constant 48 : i32
    %dma_start3A = arith.constant 0 : i32
    %dma_start3A_20 = arith.constant 0 : i32
    %dma_start3A_21 = arith.constant 0 : i32
    %dma_start3A_22 = arith.constant 0 : i32
    %dma_start3A_23 = tpu.memref_slice %arg5[%dma_start3A_20, %dma_start3A_21, %dma_start3A_22] : memref<2x32x512xf32, #tpu.memory_space<vmem>> -> memref<1x32x512xf32, #tpu.memory_space<vmem>>
    %dma_start3A_24 = tpu.memref_squeeze %dma_start3A_23 : memref<1x32x512xf32, #tpu.memory_space<vmem>> -> memref<32x512xf32, #tpu.memory_space<vmem>>
    %dma_start3A_25 = arith.constant 0 : i32
    %dma_start3A_26 = arith.constant 0 : i32
    %dma_start3A_27 = tpu.memref_slice %arg2[%add3A, %dma_start3A, %dma_start3A_25, %dma_start3A_26] : memref<32x3x512x512xf32, #tpu.memory_space<hbm>> -> memref<1x1x32x512xf32, #tpu.memory_space<hbm>>
    %dma_start3A_28 = tpu.memref_squeeze %dma_start3A_27 : memref<1x1x32x512xf32, #tpu.memory_space<hbm>> -> memref<32x512xf32, #tpu.memory_space<hbm>>
    %dma_start3A_29 = arith.constant 0 : i32
    %dma_start3A_30 = arith.constant 0 : i32
    %dma_start3A_31 = tpu.memref_slice %arg5[%dma_start3A_20, %dma_start3A_29, %dma_start3A_30] : memref<2x32x512xf32, #tpu.memory_space<vmem>> -> memref<1x32x512xf32, #tpu.memory_space<vmem>>
    %dma_start3A_32 = tpu.memref_squeeze %dma_start3A_31 : memref<1x32x512xf32, #tpu.memory_space<vmem>> -> memref<32x512xf32, #tpu.memory_space<vmem>>
    %dma_start3A_33 = arith.constant 0 : i32
    %dma_start3A_34 = arith.constant 0 : i32
    %dma_start3A_35 = tpu.memref_slice %arg2[%add3A, %dma_start3A, %dma_start3A_33, %dma_start3A_34] : memref<32x3x512x512xf32, #tpu.memory_space<hbm>> -> memref<1x1x32x512xf32, #tpu.memory_space<hbm>>
    %dma_start3A_36 = tpu.memref_squeeze %dma_start3A_35 : memref<1x1x32x512xf32, #tpu.memory_space<hbm>> -> memref<32x512xf32, #tpu.memory_space<hbm>>
    tpu.enqueue_dma source(%dma_start3A_36 : memref<32x512xf32, #tpu.memory_space<hbm>>) target(%dma_start3A_32 : memref<32x512xf32, #tpu.memory_space<vmem>>) target_semaphore(%arg8 : memref<!tpu.dma_semaphore, #tpu.memory_space<semaphore_mem>>)
    %scan3A_37 = arith.constant 0 : i32
    %scan3A_38 = arith.constant 0 : i32
    %scan3A_39 = arith.constant 8 : i32
    %scan3A_40 = arith.addi %scan3A_38, %scan3A_39 : i32
    %scan3A_41 = arith.constant 1 : i32
    scf.for %scan3A_176 = %scan3A_38 to %scan3A_40 step %scan3A_41  : i32 {
      %mul3A_177 = arith.constant 2 : i32
      %mul3A_178 = arith.muli %scan3A_176, %mul3A_177 : i32
      %add3A_179 = arith.constant 0 : i32
      %add3A_180 = arith.addi %mul3A_178, %add3A_179 : i32
      %add3A_181 = arith.constant 1 : i32
      %add3A_182 = arith.addi %add3A_180, %add3A_181 : i32
      %lt3A = arith.constant 16 : i32
      %lt3A_183 = arith.cmpi slt, %add3A_182, %lt3A : i32
      %convert_element_type3A = arith.extui %lt3A_183 : i1 to i32
      %cond3A = arith.constant 0 : i32
      %cond3A_184 = arith.cmpi ne, %convert_element_type3A, %cond3A : i32
      scf.if %cond3A_184 {
        %add3A_236 = arith.constant 1 : i32
        %add3A_237 = arith.addi %add3A_180, %add3A_236 : i32
        %mul3A_238 = arith.constant 32 : i32
        %mul3A_239 = arith.muli %add3A_237, %mul3A_238 : i32
        %dma_start3A_240 = arith.constant 0 : i32
        %dma_start3A_241 = arith.constant 1 : i32
        %dma_start3A_242 = arith.constant 0 : i32
        %dma_start3A_243 = arith.constant 0 : i32
        %dma_start3A_244 = tpu.memref_slice %arg5[%dma_start3A_241, %dma_start3A_242, %dma_start3A_243] : memref<2x32x512xf32, #tpu.memory_space<vmem>> -> memref<1x32x512xf32, #tpu.memory_space<vmem>>
        %dma_start3A_245 = tpu.memref_squeeze %dma_start3A_244 : memref<1x32x512xf32, #tpu.memory_space<vmem>> -> memref<32x512xf32, #tpu.memory_space<vmem>>
        %dma_start3A_246 = arith.constant 0 : i32
        %dma_start3A_247 = tpu.memref_slice %arg2[%add3A, %dma_start3A_240, %mul3A_239, %dma_start3A_246] : memref<32x3x512x512xf32, #tpu.memory_space<hbm>> -> memref<1x1x32x512xf32, #tpu.memory_space<hbm>>
        %dma_start3A_248 = tpu.memref_squeeze %dma_start3A_247 : memref<1x1x32x512xf32, #tpu.memory_space<hbm>> -> memref<32x512xf32, #tpu.memory_space<hbm>>
        %dma_start3A_249 = arith.constant 0 : i32
        %dma_start3A_250 = arith.constant 0 : i32
        %dma_start3A_251 = tpu.memref_slice %arg5[%dma_start3A_241, %dma_start3A_249, %dma_start3A_250] : memref<2x32x512xf32, #tpu.memory_space<vmem>> -> memref<1x32x512xf32, #tpu.memory_space<vmem>>
        %dma_start3A_252 = tpu.memref_squeeze %dma_start3A_251 : memref<1x32x512xf32, #tpu.memory_space<vmem>> -> memref<32x512xf32, #tpu.memory_space<vmem>>
        %dma_start3A_253 = arith.constant 0 : i32
        %dma_start3A_254 = tpu.memref_slice %arg2[%add3A, %dma_start3A_240, %mul3A_239, %dma_start3A_253] : memref<32x3x512x512xf32, #tpu.memory_space<hbm>> -> memref<1x1x32x512xf32, #tpu.memory_space<hbm>>
        %dma_start3A_255 = tpu.memref_squeeze %dma_start3A_254 : memref<1x1x32x512xf32, #tpu.memory_space<hbm>> -> memref<32x512xf32, #tpu.memory_space<hbm>>
        tpu.enqueue_dma source(%dma_start3A_255 : memref<32x512xf32, #tpu.memory_space<hbm>>) target(%dma_start3A_252 : memref<32x512xf32, #tpu.memory_space<vmem>>) target_semaphore(%arg9 : memref<!tpu.dma_semaphore, #tpu.memory_space<semaphore_mem>>)
      } else {
      }
      %mul3A_185 = arith.constant 32 : i32
      %mul3A_186 = arith.muli %add3A_180, %mul3A_185 : i32
      %dma_wait3A = arith.constant 0 : i32
      %dma_wait3A_187 = arith.constant 0 : i32
      %dma_wait3A_188 = arith.constant 0 : i32
      %dma_wait3A_189 = arith.constant 0 : i32
      %dma_wait3A_190 = tpu.memref_slice %arg5[%dma_wait3A_187, %dma_wait3A_188, %dma_wait3A_189] : memref<2x32x512xf32, #tpu.memory_space<vmem>> -> memref<1x32x512xf32, #tpu.memory_space<vmem>>
      %dma_wait3A_191 = tpu.memref_squeeze %dma_wait3A_190 : memref<1x32x512xf32, #tpu.memory_space<vmem>> -> memref<32x512xf32, #tpu.memory_space<vmem>>
      %dma_wait3A_192 = arith.constant 0 : i32
      %dma_wait3A_193 = tpu.memref_slice %arg2[%add3A, %dma_wait3A, %mul3A_186, %dma_wait3A_192] : memref<32x3x512x512xf32, #tpu.memory_space<hbm>> -> memref<1x1x32x512xf32, #tpu.memory_space<hbm>>
      %dma_wait3A_194 = tpu.memref_squeeze %dma_wait3A_193 : memref<1x1x32x512xf32, #tpu.memory_space<hbm>> -> memref<32x512xf32, #tpu.memory_space<hbm>>
      %dma_wait3A_195 = arith.constant 0 : i32
      %dma_wait3A_196 = arith.constant 0 : i32
      %dma_wait3A_197 = tpu.memref_slice %arg5[%dma_wait3A_187, %dma_wait3A_195, %dma_wait3A_196] : memref<2x32x512xf32, #tpu.memory_space<vmem>> -> memref<1x32x512xf32, #tpu.memory_space<vmem>>
      %dma_wait3A_198 = tpu.memref_squeeze %dma_wait3A_197 : memref<1x32x512xf32, #tpu.memory_space<vmem>> -> memref<32x512xf32, #tpu.memory_space<vmem>>
      %dma_wait3A_199 = arith.constant 0 : i32
      %dma_wait3A_200 = tpu.memref_slice %arg2[%add3A, %dma_wait3A, %mul3A_186, %dma_wait3A_199] : memref<32x3x512x512xf32, #tpu.memory_space<hbm>> -> memref<1x1x32x512xf32, #tpu.memory_space<hbm>>
      %dma_wait3A_201 = tpu.memref_squeeze %dma_wait3A_200 : memref<1x1x32x512xf32, #tpu.memory_space<hbm>> -> memref<32x512xf32, #tpu.memory_space<hbm>>
      tpu.wait_dma2 semaphore(%arg8 : memref<!tpu.dma_semaphore, #tpu.memory_space<semaphore_mem>>) src(%dma_wait3A_201 : memref<32x512xf32, #tpu.memory_space<hbm>>) dst(%dma_wait3A_198 : memref<32x512xf32, #tpu.memory_space<vmem>>)
      %parallel_loop3A = arith.constant 0 : i32
      %parallel_loop3A_202 = arith.constant 1024 : i32
      %parallel_loop3A_203 = arith.constant 1 : i32
      scf.for %parallel_loop3A_236 = %parallel_loop3A to %parallel_loop3A_202 step %parallel_loop3A_203  : i32 {
        %parallel_loop3A_237 = arith.constant 5 : i32
        %parallel_loop3A_238 = arith.shrui %parallel_loop3A_236, %parallel_loop3A_237 : i32
        %parallel_loop3A_239 = arith.constant 31 : i32
        %parallel_loop3A_240 = arith.andi %parallel_loop3A_236, %parallel_loop3A_239 : i32
        %parallel_loop3A_241 = arith.constant 4 : i32
        %parallel_loop3A_242 = arith.shli %parallel_loop3A_240, %parallel_loop3A_241 : i32
        %parallel_loop3A_243 = arith.constant 0 : i32
        %parallel_loop3A_244 = arith.index_cast %parallel_loop3A_243 : i32 to index
        %parallel_loop3A_245 = arith.index_cast %parallel_loop3A_238 : i32 to index
        %parallel_loop3A_246 = arith.index_cast %parallel_loop3A_242 : i32 to index
        %parallel_loop3A_247 = tpu.vector_load %arg5[%parallel_loop3A_244, %parallel_loop3A_245, %parallel_loop3A_246] {strides = array<i32>} : memref<2x32x512xf32, #tpu.memory_space<vmem>>, vector<16xf32>,
        %parallel_loop3A_248 = arith.constant 3.200000e+01 : f32
        %parallel_loop3A_249 = vector.broadcast %parallel_loop3A_248 : f32 to vector<16xf32>
        %parallel_loop3A_250 = arith.mulf %parallel_loop3A_247, %parallel_loop3A_249 : vector<16xf32>
        %parallel_loop3A_251 = arith.constant 3.250000e+01 : f32
        %parallel_loop3A_252 = vector.broadcast %parallel_loop3A_251 : f32 to vector<16xf32>
        %parallel_loop3A_253 = arith.addf %parallel_loop3A_250, %parallel_loop3A_252 : vector<16xf32>
        %parallel_loop3A_254 = arith.constant 0x4B000000 : f32
        %parallel_loop3A_255 = vector.broadcast %parallel_loop3A_254 : f32 to vector<16xf32>
        %parallel_loop3A_256 = arith.addf %parallel_loop3A_253, %parallel_loop3A_255 : vector<16xf32>
        %parallel_loop3A_257 = arith.constant 0x4B000000 : f32
        %parallel_loop3A_258 = vector.broadcast %parallel_loop3A_257 : f32 to vector<16xf32>
        %parallel_loop3A_259 = arith.maximumf %parallel_loop3A_256, %parallel_loop3A_258 : vector<16xf32>
        %parallel_loop3A_260 = arith.constant 0x4B000041 : f32
        %parallel_loop3A_261 = vector.broadcast %parallel_loop3A_260 : f32 to vector<16xf32>
        %parallel_loop3A_262 = arith.minimumf %parallel_loop3A_259, %parallel_loop3A_261 : vector<16xf32>
        %parallel_loop3A_263 = vector.bitcast %parallel_loop3A_262 : vector<16xf32> to vector<16xi32>
        %parallel_loop3A_264 = arith.addi %parallel_loop3A_263, %sub3A_5 : vector<16xi32>
        tpu.vector_store_idx %arg6[%parallel_loop3A_264], %broadcast_in_dim3A_8 {add = true} : memref<6288xf32, #tpu.memory_space<vmem>>[vector<16xi32>], vector<16xf32>,
      } {sc.loop_unroll_factor = 8 : i64, sc.parallel_access}
      %mul3A_204 = arith.constant 2 : i32
      %mul3A_205 = arith.muli %scan3A_176, %mul3A_204 : i32
      %add3A_206 = arith.constant 1 : i32
      %add3A_207 = arith.addi %mul3A_205, %add3A_206 : i32
      %add3A_208 = arith.constant 1 : i32
      %add3A_209 = arith.addi %add3A_207, %add3A_208 : i32
      %lt3A_210 = arith.constant 16 : i32
      %lt3A_211 = arith.cmpi slt, %add3A_209, %lt3A_210 : i32
      %convert_element_type3A_212 = arith.extui %lt3A_211 : i1 to i32
      %cond3A_213 = arith.constant 0 : i32
      %cond3A_214 = arith.cmpi ne, %convert_element_type3A_212, %cond3A_213 : i32
      scf.if %cond3A_214 {
        %add3A_236 = arith.constant 1 : i32
        %add3A_237 = arith.addi %add3A_207, %add3A_236 : i32
        %mul3A_238 = arith.constant 32 : i32
        %mul3A_239 = arith.muli %add3A_237, %mul3A_238 : i32
        %dma_start3A_240 = arith.constant 0 : i32
        %dma_start3A_241 = arith.constant 0 : i32
        %dma_start3A_242 = arith.constant 0 : i32
        %dma_start3A_243 = arith.constant 0 : i32
        %dma_start3A_244 = tpu.memref_slice %arg5[%dma_start3A_241, %dma_start3A_242, %dma_start3A_243] : memref<2x32x512xf32, #tpu.memory_space<vmem>> -> memref<1x32x512xf32, #tpu.memory_space<vmem>>
        %dma_start3A_245 = tpu.memref_squeeze %dma_start3A_244 : memref<1x32x512xf32, #tpu.memory_space<vmem>> -> memref<32x512xf32, #tpu.memory_space<vmem>>
        %dma_start3A_246 = arith.constant 0 : i32
        %dma_start3A_247 = tpu.memref_slice %arg2[%add3A, %dma_start3A_240, %mul3A_239, %dma_start3A_246] : memref<32x3x512x512xf32, #tpu.memory_space<hbm>> -> memref<1x1x32x512xf32, #tpu.memory_space<hbm>>
        %dma_start3A_248 = tpu.memref_squeeze %dma_start3A_247 : memref<1x1x32x512xf32, #tpu.memory_space<hbm>> -> memref<32x512xf32, #tpu.memory_space<hbm>>
        %dma_start3A_249 = arith.constant 0 : i32
        %dma_start3A_250 = arith.constant 0 : i32
        %dma_start3A_251 = tpu.memref_slice %arg5[%dma_start3A_241, %dma_start3A_249, %dma_start3A_250] : memref<2x32x512xf32, #tpu.memory_space<vmem>> -> memref<1x32x512xf32, #tpu.memory_space<vmem>>
        %dma_start3A_252 = tpu.memref_squeeze %dma_start3A_251 : memref<1x32x512xf32, #tpu.memory_space<vmem>> -> memref<32x512xf32, #tpu.memory_space<vmem>>
        %dma_start3A_253 = arith.constant 0 : i32
        %dma_start3A_254 = tpu.memref_slice %arg2[%add3A, %dma_start3A_240, %mul3A_239, %dma_start3A_253] : memref<32x3x512x512xf32, #tpu.memory_space<hbm>> -> memref<1x1x32x512xf32, #tpu.memory_space<hbm>>
        %dma_start3A_255 = tpu.memref_squeeze %dma_start3A_254 : memref<1x1x32x512xf32, #tpu.memory_space<hbm>> -> memref<32x512xf32, #tpu.memory_space<hbm>>
        tpu.enqueue_dma source(%dma_start3A_255 : memref<32x512xf32, #tpu.memory_space<hbm>>) target(%dma_start3A_252 : memref<32x512xf32, #tpu.memory_space<vmem>>) target_semaphore(%arg8 : memref<!tpu.dma_semaphore, #tpu.memory_space<semaphore_mem>>)
      } else {
      }
      %mul3A_215 = arith.constant 32 : i32
      %mul3A_216 = arith.muli %add3A_207, %mul3A_215 : i32
      %dma_wait3A_217 = arith.constant 0 : i32
      %dma_wait3A_218 = arith.constant 1 : i32
      %dma_wait3A_219 = arith.constant 0 : i32
      %dma_wait3A_220 = arith.constant 0 : i32
      %dma_wait3A_221 = tpu.memref_slice %arg5[%dma_wait3A_218, %dma_wait3A_219, %dma_wait3A_220] : memref<2x32x512xf32, #tpu.memory_space<vmem>> -> memref<1x32x512xf32, #tpu.memory_space<vmem>>
      %dma_wait3A_222 = tpu.memref_squeeze %dma_wait3A_221 : memref<1x32x512xf32, #tpu.memory_space<vmem>> -> memref<32x512xf32, #tpu.memory_space<vmem>>
      %dma_wait3A_223 = arith.constant 0 : i32
      %dma_wait3A_224 = tpu.memref_slice %arg2[%add3A, %dma_wait3A_217, %mul3A_216, %dma_wait3A_223] : memref<32x3x512x512xf32, #tpu.memory_space<hbm>> -> memref<1x1x32x512xf32, #tpu.memory_space<hbm>>
      %dma_wait3A_225 = tpu.memref_squeeze %dma_wait3A_224 : memref<1x1x32x512xf32, #tpu.memory_space<hbm>> -> memref<32x512xf32, #tpu.memory_space<hbm>>
      %dma_wait3A_226 = arith.constant 0 : i32
      %dma_wait3A_227 = arith.constant 0 : i32
      %dma_wait3A_228 = tpu.memref_slice %arg5[%dma_wait3A_218, %dma_wait3A_226, %dma_wait3A_227] : memref<2x32x512xf32, #tpu.memory_space<vmem>> -> memref<1x32x512xf32, #tpu.memory_space<vmem>>
      %dma_wait3A_229 = tpu.memref_squeeze %dma_wait3A_228 : memref<1x32x512xf32, #tpu.memory_space<vmem>> -> memref<32x512xf32, #tpu.memory_space<vmem>>
      %dma_wait3A_230 = arith.constant 0 : i32
      %dma_wait3A_231 = tpu.memref_slice %arg2[%add3A, %dma_wait3A_217, %mul3A_216, %dma_wait3A_230] : memref<32x3x512x512xf32, #tpu.memory_space<hbm>> -> memref<1x1x32x512xf32, #tpu.memory_space<hbm>>
      %dma_wait3A_232 = tpu.memref_squeeze %dma_wait3A_231 : memref<1x1x32x512xf32, #tpu.memory_space<hbm>> -> memref<32x512xf32, #tpu.memory_space<hbm>>
      tpu.wait_dma2 semaphore(%arg9 : memref<!tpu.dma_semaphore, #tpu.memory_space<semaphore_mem>>) src(%dma_wait3A_232 : memref<32x512xf32, #tpu.memory_space<hbm>>) dst(%dma_wait3A_229 : memref<32x512xf32, #tpu.memory_space<vmem>>)
      %parallel_loop3A_233 = arith.constant 0 : i32
      %parallel_loop3A_234 = arith.constant 1024 : i32
      %parallel_loop3A_235 = arith.constant 1 : i32
      scf.for %parallel_loop3A_236 = %parallel_loop3A_233 to %parallel_loop3A_234 step %parallel_loop3A_235  : i32 {
        %parallel_loop3A_237 = arith.constant 5 : i32
        %parallel_loop3A_238 = arith.shrui %parallel_loop3A_236, %parallel_loop3A_237 : i32
        %parallel_loop3A_239 = arith.constant 31 : i32
        %parallel_loop3A_240 = arith.andi %parallel_loop3A_236, %parallel_loop3A_239 : i32
        %parallel_loop3A_241 = arith.constant 4 : i32
        %parallel_loop3A_242 = arith.shli %parallel_loop3A_240, %parallel_loop3A_241 : i32
        %parallel_loop3A_243 = arith.constant 1 : i32
        %parallel_loop3A_244 = arith.index_cast %parallel_loop3A_243 : i32 to index
        %parallel_loop3A_245 = arith.index_cast %parallel_loop3A_238 : i32 to index
        %parallel_loop3A_246 = arith.index_cast %parallel_loop3A_242 : i32 to index
        %parallel_loop3A_247 = tpu.vector_load %arg5[%parallel_loop3A_244, %parallel_loop3A_245, %parallel_loop3A_246] {strides = array<i32>} : memref<2x32x512xf32, #tpu.memory_space<vmem>>, vector<16xf32>,
        %parallel_loop3A_248 = arith.constant 3.200000e+01 : f32
        %parallel_loop3A_249 = vector.broadcast %parallel_loop3A_248 : f32 to vector<16xf32>
        %parallel_loop3A_250 = arith.mulf %parallel_loop3A_247, %parallel_loop3A_249 : vector<16xf32>
        %parallel_loop3A_251 = arith.constant 3.250000e+01 : f32
        %parallel_loop3A_252 = vector.broadcast %parallel_loop3A_251 : f32 to vector<16xf32>
        %parallel_loop3A_253 = arith.addf %parallel_loop3A_250, %parallel_loop3A_252 : vector<16xf32>
        %parallel_loop3A_254 = arith.constant 0x4B000000 : f32
        %parallel_loop3A_255 = vector.broadcast %parallel_loop3A_254 : f32 to vector<16xf32>
        %parallel_loop3A_256 = arith.addf %parallel_loop3A_253, %parallel_loop3A_255 : vector<16xf32>
        %parallel_loop3A_257 = arith.constant 0x4B000000 : f32
        %parallel_loop3A_258 = vector.broadcast %parallel_loop3A_257 : f32 to vector<16xf32>
        %parallel_loop3A_259 = arith.maximumf %parallel_loop3A_256, %parallel_loop3A_258 : vector<16xf32>
        %parallel_loop3A_260 = arith.constant 0x4B000041 : f32
        %parallel_loop3A_261 = vector.broadcast %parallel_loop3A_260 : f32 to vector<16xf32>
        %parallel_loop3A_262 = arith.minimumf %parallel_loop3A_259, %parallel_loop3A_261 : vector<16xf32>
        %parallel_loop3A_263 = vector.bitcast %parallel_loop3A_262 : vector<16xf32> to vector<16xi32>
        %parallel_loop3A_264 = arith.addi %parallel_loop3A_263, %sub3A_5 : vector<16xi32>
        tpu.vector_store_idx %arg6[%parallel_loop3A_264], %broadcast_in_dim3A_8 {add = true} : memref<6288xf32, #tpu.memory_space<vmem>>[vector<16xi32>], vector<16xf32>,
      } {sc.loop_unroll_factor = 8 : i64, sc.parallel_access}
    }
    %scan3A_42 = arith.constant 8 : i32
    %dma_start3A_43 = arith.constant 1 : i32
    %dma_start3A_44 = arith.constant 0 : i32
    %dma_start3A_45 = arith.constant 0 : i32
    %dma_start3A_46 = arith.constant 0 : i32
    %dma_start3A_47 = tpu.memref_slice %arg5[%dma_start3A_44, %dma_start3A_45, %dma_start3A_46] : memref<2x32x512xf32, #tpu.memory_space<vmem>> -> memref<1x32x512xf32, #tpu.memory_space<vmem>>
    %dma_start3A_48 = tpu.memref_squeeze %dma_start3A_47 : memref<1x32x512xf32, #tpu.memory_space<vmem>> -> memref<32x512xf32, #tpu.memory_space<vmem>>
    %dma_start3A_49 = arith.constant 0 : i32
    %dma_start3A_50 = arith.constant 0 : i32
    %dma_start3A_51 = tpu.memref_slice %arg2[%add3A, %dma_start3A_43, %dma_start3A_49, %dma_start3A_50] : memref<32x3x512x512xf32, #tpu.memory_space<hbm>> -> memref<1x1x32x512xf32, #tpu.memory_space<hbm>>
    %dma_start3A_52 = tpu.memref_squeeze %dma_start3A_51 : memref<1x1x32x512xf32, #tpu.memory_space<hbm>> -> memref<32x512xf32, #tpu.memory_space<hbm>>
    %dma_start3A_53 = arith.constant 0 : i32
    %dma_start3A_54 = arith.constant 0 : i32
    %dma_start3A_55 = tpu.memref_slice %arg5[%dma_start3A_44, %dma_start3A_53, %dma_start3A_54] : memref<2x32x512xf32, #tpu.memory_space<vmem>> -> memref<1x32x512xf32, #tpu.memory_space<vmem>>
    %dma_start3A_56 = tpu.memref_squeeze %dma_start3A_55 : memref<1x32x512xf32, #tpu.memory_space<vmem>> -> memref<32x512xf32, #tpu.memory_space<vmem>>
    %dma_start3A_57 = arith.constant 0 : i32
    %dma_start3A_58 = arith.constant 0 : i32
    %dma_start3A_59 = tpu.memref_slice %arg2[%add3A, %dma_start3A_43, %dma_start3A_57, %dma_start3A_58] : memref<32x3x512x512xf32, #tpu.memory_space<hbm>> -> memref<1x1x32x512xf32, #tpu.memory_space<hbm>>
    %dma_start3A_60 = tpu.memref_squeeze %dma_start3A_59 : memref<1x1x32x512xf32, #tpu.memory_space<hbm>> -> memref<32x512xf32, #tpu.memory_space<hbm>>
    tpu.enqueue_dma source(%dma_start3A_60 : memref<32x512xf32, #tpu.memory_space<hbm>>) target(%dma_start3A_56 : memref<32x512xf32, #tpu.memory_space<vmem>>) target_semaphore(%arg8 : memref<!tpu.dma_semaphore, #tpu.memory_space<semaphore_mem>>)
    %scan3A_61 = arith.constant 0 : i32
    %scan3A_62 = arith.constant 0 : i32
    %scan3A_63 = arith.constant 8 : i32
    %scan3A_64 = arith.addi %scan3A_62, %scan3A_63 : i32
    %scan3A_65 = arith.constant 1 : i32
    scf.for %scan3A_176 = %scan3A_62 to %scan3A_64 step %scan3A_65  : i32 {
      %mul3A_177 = arith.constant 2 : i32
      %mul3A_178 = arith.muli %scan3A_176, %mul3A_177 : i32
      %add3A_179 = arith.constant 0 : i32
      %add3A_180 = arith.addi %mul3A_178, %add3A_179 : i32
      %add3A_181 = arith.constant 1 : i32
      %add3A_182 = arith.addi %add3A_180, %add3A_181 : i32
      %lt3A = arith.constant 16 : i32
      %lt3A_183 = arith.cmpi slt, %add3A_182, %lt3A : i32
      %convert_element_type3A = arith.extui %lt3A_183 : i1 to i32
      %cond3A = arith.constant 0 : i32
      %cond3A_184 = arith.cmpi ne, %convert_element_type3A, %cond3A : i32
      scf.if %cond3A_184 {
        %add3A_236 = arith.constant 1 : i32
        %add3A_237 = arith.addi %add3A_180, %add3A_236 : i32
        %mul3A_238 = arith.constant 32 : i32
        %mul3A_239 = arith.muli %add3A_237, %mul3A_238 : i32
        %dma_start3A_240 = arith.constant 1 : i32
        %dma_start3A_241 = arith.constant 1 : i32
        %dma_start3A_242 = arith.constant 0 : i32
        %dma_start3A_243 = arith.constant 0 : i32
        %dma_start3A_244 = tpu.memref_slice %arg5[%dma_start3A_241, %dma_start3A_242, %dma_start3A_243] : memref<2x32x512xf32, #tpu.memory_space<vmem>> -> memref<1x32x512xf32, #tpu.memory_space<vmem>>
        %dma_start3A_245 = tpu.memref_squeeze %dma_start3A_244 : memref<1x32x512xf32, #tpu.memory_space<vmem>> -> memref<32x512xf32, #tpu.memory_space<vmem>>
        %dma_start3A_246 = arith.constant 0 : i32
        %dma_start3A_247 = tpu.memref_slice %arg2[%add3A, %dma_start3A_240, %mul3A_239, %dma_start3A_246] : memref<32x3x512x512xf32, #tpu.memory_space<hbm>> -> memref<1x1x32x512xf32, #tpu.memory_space<hbm>>
        %dma_start3A_248 = tpu.memref_squeeze %dma_start3A_247 : memref<1x1x32x512xf32, #tpu.memory_space<hbm>> -> memref<32x512xf32, #tpu.memory_space<hbm>>
        %dma_start3A_249 = arith.constant 0 : i32
        %dma_start3A_250 = arith.constant 0 : i32
        %dma_start3A_251 = tpu.memref_slice %arg5[%dma_start3A_241, %dma_start3A_249, %dma_start3A_250] : memref<2x32x512xf32, #tpu.memory_space<vmem>> -> memref<1x32x512xf32, #tpu.memory_space<vmem>>
        %dma_start3A_252 = tpu.memref_squeeze %dma_start3A_251 : memref<1x32x512xf32, #tpu.memory_space<vmem>> -> memref<32x512xf32, #tpu.memory_space<vmem>>
        %dma_start3A_253 = arith.constant 0 : i32
        %dma_start3A_254 = tpu.memref_slice %arg2[%add3A, %dma_start3A_240, %mul3A_239, %dma_start3A_253] : memref<32x3x512x512xf32, #tpu.memory_space<hbm>> -> memref<1x1x32x512xf32, #tpu.memory_space<hbm>>
        %dma_start3A_255 = tpu.memref_squeeze %dma_start3A_254 : memref<1x1x32x512xf32, #tpu.memory_space<hbm>> -> memref<32x512xf32, #tpu.memory_space<hbm>>
        tpu.enqueue_dma source(%dma_start3A_255 : memref<32x512xf32, #tpu.memory_space<hbm>>) target(%dma_start3A_252 : memref<32x512xf32, #tpu.memory_space<vmem>>) target_semaphore(%arg9 : memref<!tpu.dma_semaphore, #tpu.memory_space<semaphore_mem>>)
      } else {
      }
      %mul3A_185 = arith.constant 32 : i32
      %mul3A_186 = arith.muli %add3A_180, %mul3A_185 : i32
      %dma_wait3A = arith.constant 1 : i32
      %dma_wait3A_187 = arith.constant 0 : i32
      %dma_wait3A_188 = arith.constant 0 : i32
      %dma_wait3A_189 = arith.constant 0 : i32
      %dma_wait3A_190 = tpu.memref_slice %arg5[%dma_wait3A_187, %dma_wait3A_188, %dma_wait3A_189] : memref<2x32x512xf32, #tpu.memory_space<vmem>> -> memref<1x32x512xf32, #tpu.memory_space<vmem>>
      %dma_wait3A_191 = tpu.memref_squeeze %dma_wait3A_190 : memref<1x32x512xf32, #tpu.memory_space<vmem>> -> memref<32x512xf32, #tpu.memory_space<vmem>>
      %dma_wait3A_192 = arith.constant 0 : i32
      %dma_wait3A_193 = tpu.memref_slice %arg2[%add3A, %dma_wait3A, %mul3A_186, %dma_wait3A_192] : memref<32x3x512x512xf32, #tpu.memory_space<hbm>> -> memref<1x1x32x512xf32, #tpu.memory_space<hbm>>
      %dma_wait3A_194 = tpu.memref_squeeze %dma_wait3A_193 : memref<1x1x32x512xf32, #tpu.memory_space<hbm>> -> memref<32x512xf32, #tpu.memory_space<hbm>>
      %dma_wait3A_195 = arith.constant 0 : i32
      %dma_wait3A_196 = arith.constant 0 : i32
      %dma_wait3A_197 = tpu.memref_slice %arg5[%dma_wait3A_187, %dma_wait3A_195, %dma_wait3A_196] : memref<2x32x512xf32, #tpu.memory_space<vmem>> -> memref<1x32x512xf32, #tpu.memory_space<vmem>>
      %dma_wait3A_198 = tpu.memref_squeeze %dma_wait3A_197 : memref<1x32x512xf32, #tpu.memory_space<vmem>> -> memref<32x512xf32, #tpu.memory_space<vmem>>
      %dma_wait3A_199 = arith.constant 0 : i32
      %dma_wait3A_200 = tpu.memref_slice %arg2[%add3A, %dma_wait3A, %mul3A_186, %dma_wait3A_199] : memref<32x3x512x512xf32, #tpu.memory_space<hbm>> -> memref<1x1x32x512xf32, #tpu.memory_space<hbm>>
      %dma_wait3A_201 = tpu.memref_squeeze %dma_wait3A_200 : memref<1x1x32x512xf32, #tpu.memory_space<hbm>> -> memref<32x512xf32, #tpu.memory_space<hbm>>
      tpu.wait_dma2 semaphore(%arg8 : memref<!tpu.dma_semaphore, #tpu.memory_space<semaphore_mem>>) src(%dma_wait3A_201 : memref<32x512xf32, #tpu.memory_space<hbm>>) dst(%dma_wait3A_198 : memref<32x512xf32, #tpu.memory_space<vmem>>)
      %parallel_loop3A = arith.constant 0 : i32
      %parallel_loop3A_202 = arith.constant 1024 : i32
      %parallel_loop3A_203 = arith.constant 1 : i32
      scf.for %parallel_loop3A_236 = %parallel_loop3A to %parallel_loop3A_202 step %parallel_loop3A_203  : i32 {
        %parallel_loop3A_237 = arith.constant 5 : i32
        %parallel_loop3A_238 = arith.shrui %parallel_loop3A_236, %parallel_loop3A_237 : i32
        %parallel_loop3A_239 = arith.constant 31 : i32
        %parallel_loop3A_240 = arith.andi %parallel_loop3A_236, %parallel_loop3A_239 : i32
        %parallel_loop3A_241 = arith.constant 4 : i32
        %parallel_loop3A_242 = arith.shli %parallel_loop3A_240, %parallel_loop3A_241 : i32
        %parallel_loop3A_243 = arith.constant 0 : i32
        %parallel_loop3A_244 = arith.index_cast %parallel_loop3A_243 : i32 to index
        %parallel_loop3A_245 = arith.index_cast %parallel_loop3A_238 : i32 to index
        %parallel_loop3A_246 = arith.index_cast %parallel_loop3A_242 : i32 to index
        %parallel_loop3A_247 = tpu.vector_load %arg5[%parallel_loop3A_244, %parallel_loop3A_245, %parallel_loop3A_246] {strides = array<i32>} : memref<2x32x512xf32, #tpu.memory_space<vmem>>, vector<16xf32>,
        %parallel_loop3A_248 = arith.constant 3.200000e+01 : f32
        %parallel_loop3A_249 = vector.broadcast %parallel_loop3A_248 : f32 to vector<16xf32>
        %parallel_loop3A_250 = arith.mulf %parallel_loop3A_247, %parallel_loop3A_249 : vector<16xf32>
        %parallel_loop3A_251 = arith.constant 9.750000e+01 : f32
        %parallel_loop3A_252 = vector.broadcast %parallel_loop3A_251 : f32 to vector<16xf32>
        %parallel_loop3A_253 = arith.addf %parallel_loop3A_250, %parallel_loop3A_252 : vector<16xf32>
        %parallel_loop3A_254 = arith.constant 0x4B000000 : f32
        %parallel_loop3A_255 = vector.broadcast %parallel_loop3A_254 : f32 to vector<16xf32>
        %parallel_loop3A_256 = arith.addf %parallel_loop3A_253, %parallel_loop3A_255 : vector<16xf32>
        %parallel_loop3A_257 = arith.constant 0x4B000041 : f32
        %parallel_loop3A_258 = vector.broadcast %parallel_loop3A_257 : f32 to vector<16xf32>
        %parallel_loop3A_259 = arith.maximumf %parallel_loop3A_256, %parallel_loop3A_258 : vector<16xf32>
        %parallel_loop3A_260 = arith.constant 0x4B000082 : f32
        %parallel_loop3A_261 = vector.broadcast %parallel_loop3A_260 : f32 to vector<16xf32>
        %parallel_loop3A_262 = arith.minimumf %parallel_loop3A_259, %parallel_loop3A_261 : vector<16xf32>
        %parallel_loop3A_263 = vector.bitcast %parallel_loop3A_262 : vector<16xf32> to vector<16xi32>
        %parallel_loop3A_264 = arith.addi %parallel_loop3A_263, %sub3A_5 : vector<16xi32>
        tpu.vector_store_idx %arg6[%parallel_loop3A_264], %broadcast_in_dim3A_8 {add = true} : memref<6288xf32, #tpu.memory_space<vmem>>[vector<16xi32>], vector<16xf32>,
      } {sc.loop_unroll_factor = 8 : i64, sc.parallel_access}
      %mul3A_204 = arith.constant 2 : i32
      %mul3A_205 = arith.muli %scan3A_176, %mul3A_204 : i32
      %add3A_206 = arith.constant 1 : i32
      %add3A_207 = arith.addi %mul3A_205, %add3A_206 : i32
      %add3A_208 = arith.constant 1 : i32
      %add3A_209 = arith.addi %add3A_207, %add3A_208 : i32
      %lt3A_210 = arith.constant 16 : i32
      %lt3A_211 = arith.cmpi slt, %add3A_209, %lt3A_210 : i32
      %convert_element_type3A_212 = arith.extui %lt3A_211 : i1 to i32
      %cond3A_213 = arith.constant 0 : i32
      %cond3A_214 = arith.cmpi ne, %convert_element_type3A_212, %cond3A_213 : i32
      scf.if %cond3A_214 {
        %add3A_236 = arith.constant 1 : i32
        %add3A_237 = arith.addi %add3A_207, %add3A_236 : i32
        %mul3A_238 = arith.constant 32 : i32
        %mul3A_239 = arith.muli %add3A_237, %mul3A_238 : i32
        %dma_start3A_240 = arith.constant 1 : i32
        %dma_start3A_241 = arith.constant 0 : i32
        %dma_start3A_242 = arith.constant 0 : i32
        %dma_start3A_243 = arith.constant 0 : i32
        %dma_start3A_244 = tpu.memref_slice %arg5[%dma_start3A_241, %dma_start3A_242, %dma_start3A_243] : memref<2x32x512xf32, #tpu.memory_space<vmem>> -> memref<1x32x512xf32, #tpu.memory_space<vmem>>
        %dma_start3A_245 = tpu.memref_squeeze %dma_start3A_244 : memref<1x32x512xf32, #tpu.memory_space<vmem>> -> memref<32x512xf32, #tpu.memory_space<vmem>>
        %dma_start3A_246 = arith.constant 0 : i32
        %dma_start3A_247 = tpu.memref_slice %arg2[%add3A, %dma_start3A_240, %mul3A_239, %dma_start3A_246] : memref<32x3x512x512xf32, #tpu.memory_space<hbm>> -> memref<1x1x32x512xf32, #tpu.memory_space<hbm>>
        %dma_start3A_248 = tpu.memref_squeeze %dma_start3A_247 : memref<1x1x32x512xf32, #tpu.memory_space<hbm>> -> memref<32x512xf32, #tpu.memory_space<hbm>>
        %dma_start3A_249 = arith.constant 0 : i32
        %dma_start3A_250 = arith.constant 0 : i32
        %dma_start3A_251 = tpu.memref_slice %arg5[%dma_start3A_241, %dma_start3A_249, %dma_start3A_250] : memref<2x32x512xf32, #tpu.memory_space<vmem>> -> memref<1x32x512xf32, #tpu.memory_space<vmem>>
        %dma_start3A_252 = tpu.memref_squeeze %dma_start3A_251 : memref<1x32x512xf32, #tpu.memory_space<vmem>> -> memref<32x512xf32, #tpu.memory_space<vmem>>
        %dma_start3A_253 = arith.constant 0 : i32
        %dma_start3A_254 = tpu.memref_slice %arg2[%add3A, %dma_start3A_240, %mul3A_239, %dma_start3A_253] : memref<32x3x512x512xf32, #tpu.memory_space<hbm>> -> memref<1x1x32x512xf32, #tpu.memory_space<hbm>>
        %dma_start3A_255 = tpu.memref_squeeze %dma_start3A_254 : memref<1x1x32x512xf32, #tpu.memory_space<hbm>> -> memref<32x512xf32, #tpu.memory_space<hbm>>
        tpu.enqueue_dma source(%dma_start3A_255 : memref<32x512xf32, #tpu.memory_space<hbm>>) target(%dma_start3A_252 : memref<32x512xf32, #tpu.memory_space<vmem>>) target_semaphore(%arg8 : memref<!tpu.dma_semaphore, #tpu.memory_space<semaphore_mem>>)
      } else {
      }
      %mul3A_215 = arith.constant 32 : i32
      %mul3A_216 = arith.muli %add3A_207, %mul3A_215 : i32
      %dma_wait3A_217 = arith.constant 1 : i32
      %dma_wait3A_218 = arith.constant 1 : i32
      %dma_wait3A_219 = arith.constant 0 : i32
      %dma_wait3A_220 = arith.constant 0 : i32
      %dma_wait3A_221 = tpu.memref_slice %arg5[%dma_wait3A_218, %dma_wait3A_219, %dma_wait3A_220] : memref<2x32x512xf32, #tpu.memory_space<vmem>> -> memref<1x32x512xf32, #tpu.memory_space<vmem>>
      %dma_wait3A_222 = tpu.memref_squeeze %dma_wait3A_221 : memref<1x32x512xf32, #tpu.memory_space<vmem>> -> memref<32x512xf32, #tpu.memory_space<vmem>>
      %dma_wait3A_223 = arith.constant 0 : i32
      %dma_wait3A_224 = tpu.memref_slice %arg2[%add3A, %dma_wait3A_217, %mul3A_216, %dma_wait3A_223] : memref<32x3x512x512xf32, #tpu.memory_space<hbm>> -> memref<1x1x32x512xf32, #tpu.memory_space<hbm>>
      %dma_wait3A_225 = tpu.memref_squeeze %dma_wait3A_224 : memref<1x1x32x512xf32, #tpu.memory_space<hbm>> -> memref<32x512xf32, #tpu.memory_space<hbm>>
      %dma_wait3A_226 = arith.constant 0 : i32
      %dma_wait3A_227 = arith.constant 0 : i32
      %dma_wait3A_228 = tpu.memref_slice %arg5[%dma_wait3A_218, %dma_wait3A_226, %dma_wait3A_227] : memref<2x32x512xf32, #tpu.memory_space<vmem>> -> memref<1x32x512xf32, #tpu.memory_space<vmem>>
      %dma_wait3A_229 = tpu.memref_squeeze %dma_wait3A_228 : memref<1x32x512xf32, #tpu.memory_space<vmem>> -> memref<32x512xf32, #tpu.memory_space<vmem>>
      %dma_wait3A_230 = arith.constant 0 : i32
      %dma_wait3A_231 = tpu.memref_slice %arg2[%add3A, %dma_wait3A_217, %mul3A_216, %dma_wait3A_230] : memref<32x3x512x512xf32, #tpu.memory_space<hbm>> -> memref<1x1x32x512xf32, #tpu.memory_space<hbm>>
      %dma_wait3A_232 = tpu.memref_squeeze %dma_wait3A_231 : memref<1x1x32x512xf32, #tpu.memory_space<hbm>> -> memref<32x512xf32, #tpu.memory_space<hbm>>
      tpu.wait_dma2 semaphore(%arg9 : memref<!tpu.dma_semaphore, #tpu.memory_space<semaphore_mem>>) src(%dma_wait3A_232 : memref<32x512xf32, #tpu.memory_space<hbm>>) dst(%dma_wait3A_229 : memref<32x512xf32, #tpu.memory_space<vmem>>)
      %parallel_loop3A_233 = arith.constant 0 : i32
      %parallel_loop3A_234 = arith.constant 1024 : i32
      %parallel_loop3A_235 = arith.constant 1 : i32
      scf.for %parallel_loop3A_236 = %parallel_loop3A_233 to %parallel_loop3A_234 step %parallel_loop3A_235  : i32 {
        %parallel_loop3A_237 = arith.constant 5 : i32
        %parallel_loop3A_238 = arith.shrui %parallel_loop3A_236, %parallel_loop3A_237 : i32
        %parallel_loop3A_239 = arith.constant 31 : i32
        %parallel_loop3A_240 = arith.andi %parallel_loop3A_236, %parallel_loop3A_239 : i32
        %parallel_loop3A_241 = arith.constant 4 : i32
        %parallel_loop3A_242 = arith.shli %parallel_loop3A_240, %parallel_loop3A_241 : i32
        %parallel_loop3A_243 = arith.constant 1 : i32
        %parallel_loop3A_244 = arith.index_cast %parallel_loop3A_243 : i32 to index
        %parallel_loop3A_245 = arith.index_cast %parallel_loop3A_238 : i32 to index
        %parallel_loop3A_246 = arith.index_cast %parallel_loop3A_242 : i32 to index
        %parallel_loop3A_247 = tpu.vector_load %arg5[%parallel_loop3A_244, %parallel_loop3A_245, %parallel_loop3A_246] {strides = array<i32>} : memref<2x32x512xf32, #tpu.memory_space<vmem>>, vector<16xf32>,
        %parallel_loop3A_248 = arith.constant 3.200000e+01 : f32
        %parallel_loop3A_249 = vector.broadcast %parallel_loop3A_248 : f32 to vector<16xf32>
        %parallel_loop3A_250 = arith.mulf %parallel_loop3A_247, %parallel_loop3A_249 : vector<16xf32>
        %parallel_loop3A_251 = arith.constant 9.750000e+01 : f32
        %parallel_loop3A_252 = vector.broadcast %parallel_loop3A_251 : f32 to vector<16xf32>
        %parallel_loop3A_253 = arith.addf %parallel_loop3A_250, %parallel_loop3A_252 : vector<16xf32>
        %parallel_loop3A_254 = arith.constant 0x4B000000 : f32
        %parallel_loop3A_255 = vector.broadcast %parallel_loop3A_254 : f32 to vector<16xf32>
        %parallel_loop3A_256 = arith.addf %parallel_loop3A_253, %parallel_loop3A_255 : vector<16xf32>
        %parallel_loop3A_257 = arith.constant 0x4B000041 : f32
        %parallel_loop3A_258 = vector.broadcast %parallel_loop3A_257 : f32 to vector<16xf32>
        %parallel_loop3A_259 = arith.maximumf %parallel_loop3A_256, %parallel_loop3A_258 : vector<16xf32>
        %parallel_loop3A_260 = arith.constant 0x4B000082 : f32
        %parallel_loop3A_261 = vector.broadcast %parallel_loop3A_260 : f32 to vector<16xf32>
        %parallel_loop3A_262 = arith.minimumf %parallel_loop3A_259, %parallel_loop3A_261 : vector<16xf32>
        %parallel_loop3A_263 = vector.bitcast %parallel_loop3A_262 : vector<16xf32> to vector<16xi32>
        %parallel_loop3A_264 = arith.addi %parallel_loop3A_263, %sub3A_5 : vector<16xi32>
        tpu.vector_store_idx %arg6[%parallel_loop3A_264], %broadcast_in_dim3A_8 {add = true} : memref<6288xf32, #tpu.memory_space<vmem>>[vector<16xi32>], vector<16xf32>,
      } {sc.loop_unroll_factor = 8 : i64, sc.parallel_access}
    }
    %scan3A_66 = arith.constant 8 : i32
    %dma_start3A_67 = arith.constant 2 : i32
    %dma_start3A_68 = arith.constant 0 : i32
    %dma_start3A_69 = arith.constant 0 : i32
    %dma_start3A_70 = arith.constant 0 : i32
    %dma_start3A_71 = tpu.memref_slice %arg5[%dma_start3A_68, %dma_start3A_69, %dma_start3A_70] : memref<2x32x512xf32, #tpu.memory_space<vmem>> -> memref<1x32x512xf32, #tpu.memory_space<vmem>>
    %dma_start3A_72 = tpu.memref_squeeze %dma_start3A_71 : memref<1x32x512xf32, #tpu.memory_space<vmem>> -> memref<32x512xf32, #tpu.memory_space<vmem>>
    %dma_start3A_73 = arith.constant 0 : i32
    %dma_start3A_74 = arith.constant 0 : i32
    %dma_start3A_75 = tpu.memref_slice %arg2[%add3A, %dma_start3A_67, %dma_start3A_73, %dma_start3A_74] : memref<32x3x512x512xf32, #tpu.memory_space<hbm>> -> memref<1x1x32x512xf32, #tpu.memory_space<hbm>>
    %dma_start3A_76 = tpu.memref_squeeze %dma_start3A_75 : memref<1x1x32x512xf32, #tpu.memory_space<hbm>> -> memref<32x512xf32, #tpu.memory_space<hbm>>
    %dma_start3A_77 = arith.constant 0 : i32
    %dma_start3A_78 = arith.constant 0 : i32
    %dma_start3A_79 = tpu.memref_slice %arg5[%dma_start3A_68, %dma_start3A_77, %dma_start3A_78] : memref<2x32x512xf32, #tpu.memory_space<vmem>> -> memref<1x32x512xf32, #tpu.memory_space<vmem>>
    %dma_start3A_80 = tpu.memref_squeeze %dma_start3A_79 : memref<1x32x512xf32, #tpu.memory_space<vmem>> -> memref<32x512xf32, #tpu.memory_space<vmem>>
    %dma_start3A_81 = arith.constant 0 : i32
    %dma_start3A_82 = arith.constant 0 : i32
    %dma_start3A_83 = tpu.memref_slice %arg2[%add3A, %dma_start3A_67, %dma_start3A_81, %dma_start3A_82] : memref<32x3x512x512xf32, #tpu.memory_space<hbm>> -> memref<1x1x32x512xf32, #tpu.memory_space<hbm>>
    %dma_start3A_84 = tpu.memref_squeeze %dma_start3A_83 : memref<1x1x32x512xf32, #tpu.memory_space<hbm>> -> memref<32x512xf32, #tpu.memory_space<hbm>>
    tpu.enqueue_dma source(%dma_start3A_84 : memref<32x512xf32, #tpu.memory_space<hbm>>) target(%dma_start3A_80 : memref<32x512xf32, #tpu.memory_space<vmem>>) target_semaphore(%arg8 : memref<!tpu.dma_semaphore, #tpu.memory_space<semaphore_mem>>)
    %scan3A_85 = arith.constant 0 : i32
    %scan3A_86 = arith.constant 0 : i32
    %scan3A_87 = arith.constant 8 : i32
    %scan3A_88 = arith.addi %scan3A_86, %scan3A_87 : i32
    %scan3A_89 = arith.constant 1 : i32
    scf.for %scan3A_176 = %scan3A_86 to %scan3A_88 step %scan3A_89  : i32 {
      %mul3A_177 = arith.constant 2 : i32
      %mul3A_178 = arith.muli %scan3A_176, %mul3A_177 : i32
      %add3A_179 = arith.constant 0 : i32
      %add3A_180 = arith.addi %mul3A_178, %add3A_179 : i32
      %add3A_181 = arith.constant 1 : i32
      %add3A_182 = arith.addi %add3A_180, %add3A_181 : i32
      %lt3A = arith.constant 16 : i32
      %lt3A_183 = arith.cmpi slt, %add3A_182, %lt3A : i32
      %convert_element_type3A = arith.extui %lt3A_183 : i1 to i32
      %cond3A = arith.constant 0 : i32
      %cond3A_184 = arith.cmpi ne, %convert_element_type3A, %cond3A : i32
      scf.if %cond3A_184 {
        %add3A_236 = arith.constant 1 : i32
        %add3A_237 = arith.addi %add3A_180, %add3A_236 : i32
        %mul3A_238 = arith.constant 32 : i32
        %mul3A_239 = arith.muli %add3A_237, %mul3A_238 : i32
        %dma_start3A_240 = arith.constant 2 : i32
        %dma_start3A_241 = arith.constant 1 : i32
        %dma_start3A_242 = arith.constant 0 : i32
        %dma_start3A_243 = arith.constant 0 : i32
        %dma_start3A_244 = tpu.memref_slice %arg5[%dma_start3A_241, %dma_start3A_242, %dma_start3A_243] : memref<2x32x512xf32, #tpu.memory_space<vmem>> -> memref<1x32x512xf32, #tpu.memory_space<vmem>>
        %dma_start3A_245 = tpu.memref_squeeze %dma_start3A_244 : memref<1x32x512xf32, #tpu.memory_space<vmem>> -> memref<32x512xf32, #tpu.memory_space<vmem>>
        %dma_start3A_246 = arith.constant 0 : i32
        %dma_start3A_247 = tpu.memref_slice %arg2[%add3A, %dma_start3A_240, %mul3A_239, %dma_start3A_246] : memref<32x3x512x512xf32, #tpu.memory_space<hbm>> -> memref<1x1x32x512xf32, #tpu.memory_space<hbm>>
        %dma_start3A_248 = tpu.memref_squeeze %dma_start3A_247 : memref<1x1x32x512xf32, #tpu.memory_space<hbm>> -> memref<32x512xf32, #tpu.memory_space<hbm>>
        %dma_start3A_249 = arith.constant 0 : i32
        %dma_start3A_250 = arith.constant 0 : i32
        %dma_start3A_251 = tpu.memref_slice %arg5[%dma_start3A_241, %dma_start3A_249, %dma_start3A_250] : memref<2x32x512xf32, #tpu.memory_space<vmem>> -> memref<1x32x512xf32, #tpu.memory_space<vmem>>
        %dma_start3A_252 = tpu.memref_squeeze %dma_start3A_251 : memref<1x32x512xf32, #tpu.memory_space<vmem>> -> memref<32x512xf32, #tpu.memory_space<vmem>>
        %dma_start3A_253 = arith.constant 0 : i32
        %dma_start3A_254 = tpu.memref_slice %arg2[%add3A, %dma_start3A_240, %mul3A_239, %dma_start3A_253] : memref<32x3x512x512xf32, #tpu.memory_space<hbm>> -> memref<1x1x32x512xf32, #tpu.memory_space<hbm>>
        %dma_start3A_255 = tpu.memref_squeeze %dma_start3A_254 : memref<1x1x32x512xf32, #tpu.memory_space<hbm>> -> memref<32x512xf32, #tpu.memory_space<hbm>>
        tpu.enqueue_dma source(%dma_start3A_255 : memref<32x512xf32, #tpu.memory_space<hbm>>) target(%dma_start3A_252 : memref<32x512xf32, #tpu.memory_space<vmem>>) target_semaphore(%arg9 : memref<!tpu.dma_semaphore, #tpu.memory_space<semaphore_mem>>)
      } else {
      }
      %mul3A_185 = arith.constant 32 : i32
      %mul3A_186 = arith.muli %add3A_180, %mul3A_185 : i32
      %dma_wait3A = arith.constant 2 : i32
      %dma_wait3A_187 = arith.constant 0 : i32
      %dma_wait3A_188 = arith.constant 0 : i32
      %dma_wait3A_189 = arith.constant 0 : i32
      %dma_wait3A_190 = tpu.memref_slice %arg5[%dma_wait3A_187, %dma_wait3A_188, %dma_wait3A_189] : memref<2x32x512xf32, #tpu.memory_space<vmem>> -> memref<1x32x512xf32, #tpu.memory_space<vmem>>
      %dma_wait3A_191 = tpu.memref_squeeze %dma_wait3A_190 : memref<1x32x512xf32, #tpu.memory_space<vmem>> -> memref<32x512xf32, #tpu.memory_space<vmem>>
      %dma_wait3A_192 = arith.constant 0 : i32
      %dma_wait3A_193 = tpu.memref_slice %arg2[%add3A, %dma_wait3A, %mul3A_186, %dma_wait3A_192] : memref<32x3x512x512xf32, #tpu.memory_space<hbm>> -> memref<1x1x32x512xf32, #tpu.memory_space<hbm>>
      %dma_wait3A_194 = tpu.memref_squeeze %dma_wait3A_193 : memref<1x1x32x512xf32, #tpu.memory_space<hbm>> -> memref<32x512xf32, #tpu.memory_space<hbm>>
      %dma_wait3A_195 = arith.constant 0 : i32
      %dma_wait3A_196 = arith.constant 0 : i32
      %dma_wait3A_197 = tpu.memref_slice %arg5[%dma_wait3A_187, %dma_wait3A_195, %dma_wait3A_196] : memref<2x32x512xf32, #tpu.memory_space<vmem>> -> memref<1x32x512xf32, #tpu.memory_space<vmem>>
      %dma_wait3A_198 = tpu.memref_squeeze %dma_wait3A_197 : memref<1x32x512xf32, #tpu.memory_space<vmem>> -> memref<32x512xf32, #tpu.memory_space<vmem>>
      %dma_wait3A_199 = arith.constant 0 : i32
      %dma_wait3A_200 = tpu.memref_slice %arg2[%add3A, %dma_wait3A, %mul3A_186, %dma_wait3A_199] : memref<32x3x512x512xf32, #tpu.memory_space<hbm>> -> memref<1x1x32x512xf32, #tpu.memory_space<hbm>>
      %dma_wait3A_201 = tpu.memref_squeeze %dma_wait3A_200 : memref<1x1x32x512xf32, #tpu.memory_space<hbm>> -> memref<32x512xf32, #tpu.memory_space<hbm>>
      tpu.wait_dma2 semaphore(%arg8 : memref<!tpu.dma_semaphore, #tpu.memory_space<semaphore_mem>>) src(%dma_wait3A_201 : memref<32x512xf32, #tpu.memory_space<hbm>>) dst(%dma_wait3A_198 : memref<32x512xf32, #tpu.memory_space<vmem>>)
      %parallel_loop3A = arith.constant 0 : i32
      %parallel_loop3A_202 = arith.constant 1024 : i32
      %parallel_loop3A_203 = arith.constant 1 : i32
      scf.for %parallel_loop3A_236 = %parallel_loop3A to %parallel_loop3A_202 step %parallel_loop3A_203  : i32 {
        %parallel_loop3A_237 = arith.constant 5 : i32
        %parallel_loop3A_238 = arith.shrui %parallel_loop3A_236, %parallel_loop3A_237 : i32
        %parallel_loop3A_239 = arith.constant 31 : i32
        %parallel_loop3A_240 = arith.andi %parallel_loop3A_236, %parallel_loop3A_239 : i32
        %parallel_loop3A_241 = arith.constant 4 : i32
        %parallel_loop3A_242 = arith.shli %parallel_loop3A_240, %parallel_loop3A_241 : i32
        %parallel_loop3A_243 = arith.constant 0 : i32
        %parallel_loop3A_244 = arith.index_cast %parallel_loop3A_243 : i32 to index
        %parallel_loop3A_245 = arith.index_cast %parallel_loop3A_238 : i32 to index
        %parallel_loop3A_246 = arith.index_cast %parallel_loop3A_242 : i32 to index
        %parallel_loop3A_247 = tpu.vector_load %arg5[%parallel_loop3A_244, %parallel_loop3A_245, %parallel_loop3A_246] {strides = array<i32>} : memref<2x32x512xf32, #tpu.memory_space<vmem>>, vector<16xf32>,
        %parallel_loop3A_248 = arith.constant 3.200000e+01 : f32
        %parallel_loop3A_249 = vector.broadcast %parallel_loop3A_248 : f32 to vector<16xf32>
        %parallel_loop3A_250 = arith.mulf %parallel_loop3A_247, %parallel_loop3A_249 : vector<16xf32>
        %parallel_loop3A_251 = arith.constant 1.625000e+02 : f32
        %parallel_loop3A_252 = vector.broadcast %parallel_loop3A_251 : f32 to vector<16xf32>
        %parallel_loop3A_253 = arith.addf %parallel_loop3A_250, %parallel_loop3A_252 : vector<16xf32>
        %parallel_loop3A_254 = arith.constant 0x4B000000 : f32
        %parallel_loop3A_255 = vector.broadcast %parallel_loop3A_254 : f32 to vector<16xf32>
        %parallel_loop3A_256 = arith.addf %parallel_loop3A_253, %parallel_loop3A_255 : vector<16xf32>
        %parallel_loop3A_257 = arith.constant 0x4B000082 : f32
        %parallel_loop3A_258 = vector.broadcast %parallel_loop3A_257 : f32 to vector<16xf32>
        %parallel_loop3A_259 = arith.maximumf %parallel_loop3A_256, %parallel_loop3A_258 : vector<16xf32>
        %parallel_loop3A_260 = arith.constant 0x4B0000C3 : f32
        %parallel_loop3A_261 = vector.broadcast %parallel_loop3A_260 : f32 to vector<16xf32>
        %parallel_loop3A_262 = arith.minimumf %parallel_loop3A_259, %parallel_loop3A_261 : vector<16xf32>
        %parallel_loop3A_263 = vector.bitcast %parallel_loop3A_262 : vector<16xf32> to vector<16xi32>
        %parallel_loop3A_264 = arith.addi %parallel_loop3A_263, %sub3A_5 : vector<16xi32>
        tpu.vector_store_idx %arg6[%parallel_loop3A_264], %broadcast_in_dim3A_8 {add = true} : memref<6288xf32, #tpu.memory_space<vmem>>[vector<16xi32>], vector<16xf32>,
      } {sc.loop_unroll_factor = 8 : i64, sc.parallel_access}
      %mul3A_204 = arith.constant 2 : i32
      %mul3A_205 = arith.muli %scan3A_176, %mul3A_204 : i32
      %add3A_206 = arith.constant 1 : i32
      %add3A_207 = arith.addi %mul3A_205, %add3A_206 : i32
      %add3A_208 = arith.constant 1 : i32
      %add3A_209 = arith.addi %add3A_207, %add3A_208 : i32
      %lt3A_210 = arith.constant 16 : i32
      %lt3A_211 = arith.cmpi slt, %add3A_209, %lt3A_210 : i32
      %convert_element_type3A_212 = arith.extui %lt3A_211 : i1 to i32
      %cond3A_213 = arith.constant 0 : i32
      %cond3A_214 = arith.cmpi ne, %convert_element_type3A_212, %cond3A_213 : i32
      scf.if %cond3A_214 {
        %add3A_236 = arith.constant 1 : i32
        %add3A_237 = arith.addi %add3A_207, %add3A_236 : i32
        %mul3A_238 = arith.constant 32 : i32
        %mul3A_239 = arith.muli %add3A_237, %mul3A_238 : i32
        %dma_start3A_240 = arith.constant 2 : i32
        %dma_start3A_241 = arith.constant 0 : i32
        %dma_start3A_242 = arith.constant 0 : i32
        %dma_start3A_243 = arith.constant 0 : i32
        %dma_start3A_244 = tpu.memref_slice %arg5[%dma_start3A_241, %dma_start3A_242, %dma_start3A_243] : memref<2x32x512xf32, #tpu.memory_space<vmem>> -> memref<1x32x512xf32, #tpu.memory_space<vmem>>
        %dma_start3A_245 = tpu.memref_squeeze %dma_start3A_244 : memref<1x32x512xf32, #tpu.memory_space<vmem>> -> memref<32x512xf32, #tpu.memory_space<vmem>>
        %dma_start3A_246 = arith.constant 0 : i32
        %dma_start3A_247 = tpu.memref_slice %arg2[%add3A, %dma_start3A_240, %mul3A_239, %dma_start3A_246] : memref<32x3x512x512xf32, #tpu.memory_space<hbm>> -> memref<1x1x32x512xf32, #tpu.memory_space<hbm>>
        %dma_start3A_248 = tpu.memref_squeeze %dma_start3A_247 : memref<1x1x32x512xf32, #tpu.memory_space<hbm>> -> memref<32x512xf32, #tpu.memory_space<hbm>>
        %dma_start3A_249 = arith.constant 0 : i32
        %dma_start3A_250 = arith.constant 0 : i32
        %dma_start3A_251 = tpu.memref_slice %arg5[%dma_start3A_241, %dma_start3A_249, %dma_start3A_250] : memref<2x32x512xf32, #tpu.memory_space<vmem>> -> memref<1x32x512xf32, #tpu.memory_space<vmem>>
        %dma_start3A_252 = tpu.memref_squeeze %dma_start3A_251 : memref<1x32x512xf32, #tpu.memory_space<vmem>> -> memref<32x512xf32, #tpu.memory_space<vmem>>
        %dma_start3A_253 = arith.constant 0 : i32
        %dma_start3A_254 = tpu.memref_slice %arg2[%add3A, %dma_start3A_240, %mul3A_239, %dma_start3A_253] : memref<32x3x512x512xf32, #tpu.memory_space<hbm>> -> memref<1x1x32x512xf32, #tpu.memory_space<hbm>>
        %dma_start3A_255 = tpu.memref_squeeze %dma_start3A_254 : memref<1x1x32x512xf32, #tpu.memory_space<hbm>> -> memref<32x512xf32, #tpu.memory_space<hbm>>
        tpu.enqueue_dma source(%dma_start3A_255 : memref<32x512xf32, #tpu.memory_space<hbm>>) target(%dma_start3A_252 : memref<32x512xf32, #tpu.memory_space<vmem>>) target_semaphore(%arg8 : memref<!tpu.dma_semaphore, #tpu.memory_space<semaphore_mem>>)
      } else {
      }
      %mul3A_215 = arith.constant 32 : i32
      %mul3A_216 = arith.muli %add3A_207, %mul3A_215 : i32
      %dma_wait3A_217 = arith.constant 2 : i32
      %dma_wait3A_218 = arith.constant 1 : i32
      %dma_wait3A_219 = arith.constant 0 : i32
      %dma_wait3A_220 = arith.constant 0 : i32
      %dma_wait3A_221 = tpu.memref_slice %arg5[%dma_wait3A_218, %dma_wait3A_219, %dma_wait3A_220] : memref<2x32x512xf32, #tpu.memory_space<vmem>> -> memref<1x32x512xf32, #tpu.memory_space<vmem>>
      %dma_wait3A_222 = tpu.memref_squeeze %dma_wait3A_221 : memref<1x32x512xf32, #tpu.memory_space<vmem>> -> memref<32x512xf32, #tpu.memory_space<vmem>>
      %dma_wait3A_223 = arith.constant 0 : i32
      %dma_wait3A_224 = tpu.memref_slice %arg2[%add3A, %dma_wait3A_217, %mul3A_216, %dma_wait3A_223] : memref<32x3x512x512xf32, #tpu.memory_space<hbm>> -> memref<1x1x32x512xf32, #tpu.memory_space<hbm>>
      %dma_wait3A_225 = tpu.memref_squeeze %dma_wait3A_224 : memref<1x1x32x512xf32, #tpu.memory_space<hbm>> -> memref<32x512xf32, #tpu.memory_space<hbm>>
      %dma_wait3A_226 = arith.constant 0 : i32
      %dma_wait3A_227 = arith.constant 0 : i32
      %dma_wait3A_228 = tpu.memref_slice %arg5[%dma_wait3A_218, %dma_wait3A_226, %dma_wait3A_227] : memref<2x32x512xf32, #tpu.memory_space<vmem>> -> memref<1x32x512xf32, #tpu.memory_space<vmem>>
      %dma_wait3A_229 = tpu.memref_squeeze %dma_wait3A_228 : memref<1x32x512xf32, #tpu.memory_space<vmem>> -> memref<32x512xf32, #tpu.memory_space<vmem>>
      %dma_wait3A_230 = arith.constant 0 : i32
      %dma_wait3A_231 = tpu.memref_slice %arg2[%add3A, %dma_wait3A_217, %mul3A_216, %dma_wait3A_230] : memref<32x3x512x512xf32, #tpu.memory_space<hbm>> -> memref<1x1x32x512xf32, #tpu.memory_space<hbm>>
      %dma_wait3A_232 = tpu.memref_squeeze %dma_wait3A_231 : memref<1x1x32x512xf32, #tpu.memory_space<hbm>> -> memref<32x512xf32, #tpu.memory_space<hbm>>
      tpu.wait_dma2 semaphore(%arg9 : memref<!tpu.dma_semaphore, #tpu.memory_space<semaphore_mem>>) src(%dma_wait3A_232 : memref<32x512xf32, #tpu.memory_space<hbm>>) dst(%dma_wait3A_229 : memref<32x512xf32, #tpu.memory_space<vmem>>)
      %parallel_loop3A_233 = arith.constant 0 : i32
      %parallel_loop3A_234 = arith.constant 1024 : i32
      %parallel_loop3A_235 = arith.constant 1 : i32
      scf.for %parallel_loop3A_236 = %parallel_loop3A_233 to %parallel_loop3A_234 step %parallel_loop3A_235  : i32 {
        %parallel_loop3A_237 = arith.constant 5 : i32
        %parallel_loop3A_238 = arith.shrui %parallel_loop3A_236, %parallel_loop3A_237 : i32
        %parallel_loop3A_239 = arith.constant 31 : i32
        %parallel_loop3A_240 = arith.andi %parallel_loop3A_236, %parallel_loop3A_239 : i32
        %parallel_loop3A_241 = arith.constant 4 : i32
        %parallel_loop3A_242 = arith.shli %parallel_loop3A_240, %parallel_loop3A_241 : i32
        %parallel_loop3A_243 = arith.constant 1 : i32
        %parallel_loop3A_244 = arith.index_cast %parallel_loop3A_243 : i32 to index
        %parallel_loop3A_245 = arith.index_cast %parallel_loop3A_238 : i32 to index
        %parallel_loop3A_246 = arith.index_cast %parallel_loop3A_242 : i32 to index
        %parallel_loop3A_247 = tpu.vector_load %arg5[%parallel_loop3A_244, %parallel_loop3A_245, %parallel_loop3A_246] {strides = array<i32>} : memref<2x32x512xf32, #tpu.memory_space<vmem>>, vector<16xf32>,
        %parallel_loop3A_248 = arith.constant 3.200000e+01 : f32
        %parallel_loop3A_249 = vector.broadcast %parallel_loop3A_248 : f32 to vector<16xf32>
        %parallel_loop3A_250 = arith.mulf %parallel_loop3A_247, %parallel_loop3A_249 : vector<16xf32>
        %parallel_loop3A_251 = arith.constant 1.625000e+02 : f32
        %parallel_loop3A_252 = vector.broadcast %parallel_loop3A_251 : f32 to vector<16xf32>
        %parallel_loop3A_253 = arith.addf %parallel_loop3A_250, %parallel_loop3A_252 : vector<16xf32>
        %parallel_loop3A_254 = arith.constant 0x4B000000 : f32
        %parallel_loop3A_255 = vector.broadcast %parallel_loop3A_254 : f32 to vector<16xf32>
        %parallel_loop3A_256 = arith.addf %parallel_loop3A_253, %parallel_loop3A_255 : vector<16xf32>
        %parallel_loop3A_257 = arith.constant 0x4B000082 : f32
        %parallel_loop3A_258 = vector.broadcast %parallel_loop3A_257 : f32 to vector<16xf32>
        %parallel_loop3A_259 = arith.maximumf %parallel_loop3A_256, %parallel_loop3A_258 : vector<16xf32>
        %parallel_loop3A_260 = arith.constant 0x4B0000C3 : f32
        %parallel_loop3A_261 = vector.broadcast %parallel_loop3A_260 : f32 to vector<16xf32>
        %parallel_loop3A_262 = arith.minimumf %parallel_loop3A_259, %parallel_loop3A_261 : vector<16xf32>
        %parallel_loop3A_263 = vector.bitcast %parallel_loop3A_262 : vector<16xf32> to vector<16xi32>
        %parallel_loop3A_264 = arith.addi %parallel_loop3A_263, %sub3A_5 : vector<16xi32>
        tpu.vector_store_idx %arg6[%parallel_loop3A_264], %broadcast_in_dim3A_8 {add = true} : memref<6288xf32, #tpu.memory_space<vmem>>[vector<16xi32>], vector<16xf32>,
      } {sc.loop_unroll_factor = 8 : i64, sc.parallel_access}
    }
    %scan3A_90 = arith.constant 8 : i32
    %dma_start3A_91 = arith.constant 0 : i32
    %dma_start3A_92 = arith.constant 0 : i32
    %dma_start3A_93 = arith.constant 0 : i32
    %dma_start3A_94 = arith.constant 0 : i32
    %dma_start3A_95 = tpu.memref_slice %arg5[%dma_start3A_92, %dma_start3A_93, %dma_start3A_94] : memref<2x32x512xf32, #tpu.memory_space<vmem>> -> memref<1x32x512xf32, #tpu.memory_space<vmem>>
    %dma_start3A_96 = tpu.memref_squeeze %dma_start3A_95 : memref<1x32x512xf32, #tpu.memory_space<vmem>> -> memref<32x512xf32, #tpu.memory_space<vmem>>
    %dma_start3A_97 = arith.constant 0 : i32
    %dma_start3A_98 = arith.constant 0 : i32
    %dma_start3A_99 = tpu.memref_slice %arg3[%add3A, %dma_start3A_91, %dma_start3A_97, %dma_start3A_98] : memref<32x3x512x512xf32, #tpu.memory_space<hbm>> -> memref<1x1x32x512xf32, #tpu.memory_space<hbm>>
    %dma_start3A_100 = tpu.memref_squeeze %dma_start3A_99 : memref<1x1x32x512xf32, #tpu.memory_space<hbm>> -> memref<32x512xf32, #tpu.memory_space<hbm>>
    %dma_start3A_101 = arith.constant 0 : i32
    %dma_start3A_102 = arith.constant 0 : i32
    %dma_start3A_103 = tpu.memref_slice %arg5[%dma_start3A_92, %dma_start3A_101, %dma_start3A_102] : memref<2x32x512xf32, #tpu.memory_space<vmem>> -> memref<1x32x512xf32, #tpu.memory_space<vmem>>
    %dma_start3A_104 = tpu.memref_squeeze %dma_start3A_103 : memref<1x32x512xf32, #tpu.memory_space<vmem>> -> memref<32x512xf32, #tpu.memory_space<vmem>>
    %dma_start3A_105 = arith.constant 0 : i32
    %dma_start3A_106 = arith.constant 0 : i32
    %dma_start3A_107 = tpu.memref_slice %arg3[%add3A, %dma_start3A_91, %dma_start3A_105, %dma_start3A_106] : memref<32x3x512x512xf32, #tpu.memory_space<hbm>> -> memref<1x1x32x512xf32, #tpu.memory_space<hbm>>
    %dma_start3A_108 = tpu.memref_squeeze %dma_start3A_107 : memref<1x1x32x512xf32, #tpu.memory_space<hbm>> -> memref<32x512xf32, #tpu.memory_space<hbm>>
    tpu.enqueue_dma source(%dma_start3A_108 : memref<32x512xf32, #tpu.memory_space<hbm>>) target(%dma_start3A_104 : memref<32x512xf32, #tpu.memory_space<vmem>>) target_semaphore(%arg8 : memref<!tpu.dma_semaphore, #tpu.memory_space<semaphore_mem>>)
    %scan3A_109 = arith.constant 0 : i32
    %scan3A_110 = arith.constant 0 : i32
    %scan3A_111 = arith.constant 8 : i32
    %scan3A_112 = arith.addi %scan3A_110, %scan3A_111 : i32
    %scan3A_113 = arith.constant 1 : i32
    scf.for %scan3A_176 = %scan3A_110 to %scan3A_112 step %scan3A_113  : i32 {
      %mul3A_177 = arith.constant 2 : i32
      %mul3A_178 = arith.muli %scan3A_176, %mul3A_177 : i32
      %add3A_179 = arith.constant 0 : i32
      %add3A_180 = arith.addi %mul3A_178, %add3A_179 : i32
      %add3A_181 = arith.constant 1 : i32
      %add3A_182 = arith.addi %add3A_180, %add3A_181 : i32
      %lt3A = arith.constant 16 : i32
      %lt3A_183 = arith.cmpi slt, %add3A_182, %lt3A : i32
      %convert_element_type3A = arith.extui %lt3A_183 : i1 to i32
      %cond3A = arith.constant 0 : i32
      %cond3A_184 = arith.cmpi ne, %convert_element_type3A, %cond3A : i32
      scf.if %cond3A_184 {
        %add3A_236 = arith.constant 1 : i32
        %add3A_237 = arith.addi %add3A_180, %add3A_236 : i32
        %mul3A_238 = arith.constant 32 : i32
        %mul3A_239 = arith.muli %add3A_237, %mul3A_238 : i32
        %dma_start3A_240 = arith.constant 0 : i32
        %dma_start3A_241 = arith.constant 1 : i32
        %dma_start3A_242 = arith.constant 0 : i32
        %dma_start3A_243 = arith.constant 0 : i32
        %dma_start3A_244 = tpu.memref_slice %arg5[%dma_start3A_241, %dma_start3A_242, %dma_start3A_243] : memref<2x32x512xf32, #tpu.memory_space<vmem>> -> memref<1x32x512xf32, #tpu.memory_space<vmem>>
        %dma_start3A_245 = tpu.memref_squeeze %dma_start3A_244 : memref<1x32x512xf32, #tpu.memory_space<vmem>> -> memref<32x512xf32, #tpu.memory_space<vmem>>
        %dma_start3A_246 = arith.constant 0 : i32
        %dma_start3A_247 = tpu.memref_slice %arg3[%add3A, %dma_start3A_240, %mul3A_239, %dma_start3A_246] : memref<32x3x512x512xf32, #tpu.memory_space<hbm>> -> memref<1x1x32x512xf32, #tpu.memory_space<hbm>>
        %dma_start3A_248 = tpu.memref_squeeze %dma_start3A_247 : memref<1x1x32x512xf32, #tpu.memory_space<hbm>> -> memref<32x512xf32, #tpu.memory_space<hbm>>
        %dma_start3A_249 = arith.constant 0 : i32
        %dma_start3A_250 = arith.constant 0 : i32
        %dma_start3A_251 = tpu.memref_slice %arg5[%dma_start3A_241, %dma_start3A_249, %dma_start3A_250] : memref<2x32x512xf32, #tpu.memory_space<vmem>> -> memref<1x32x512xf32, #tpu.memory_space<vmem>>
        %dma_start3A_252 = tpu.memref_squeeze %dma_start3A_251 : memref<1x32x512xf32, #tpu.memory_space<vmem>> -> memref<32x512xf32, #tpu.memory_space<vmem>>
        %dma_start3A_253 = arith.constant 0 : i32
        %dma_start3A_254 = tpu.memref_slice %arg3[%add3A, %dma_start3A_240, %mul3A_239, %dma_start3A_253] : memref<32x3x512x512xf32, #tpu.memory_space<hbm>> -> memref<1x1x32x512xf32, #tpu.memory_space<hbm>>
        %dma_start3A_255 = tpu.memref_squeeze %dma_start3A_254 : memref<1x1x32x512xf32, #tpu.memory_space<hbm>> -> memref<32x512xf32, #tpu.memory_space<hbm>>
        tpu.enqueue_dma source(%dma_start3A_255 : memref<32x512xf32, #tpu.memory_space<hbm>>) target(%dma_start3A_252 : memref<32x512xf32, #tpu.memory_space<vmem>>) target_semaphore(%arg9 : memref<!tpu.dma_semaphore, #tpu.memory_space<semaphore_mem>>)
      } else {
      }
      %mul3A_185 = arith.constant 32 : i32
      %mul3A_186 = arith.muli %add3A_180, %mul3A_185 : i32
      %dma_wait3A = arith.constant 0 : i32
      %dma_wait3A_187 = arith.constant 0 : i32
      %dma_wait3A_188 = arith.constant 0 : i32
      %dma_wait3A_189 = arith.constant 0 : i32
      %dma_wait3A_190 = tpu.memref_slice %arg5[%dma_wait3A_187, %dma_wait3A_188, %dma_wait3A_189] : memref<2x32x512xf32, #tpu.memory_space<vmem>> -> memref<1x32x512xf32, #tpu.memory_space<vmem>>
      %dma_wait3A_191 = tpu.memref_squeeze %dma_wait3A_190 : memref<1x32x512xf32, #tpu.memory_space<vmem>> -> memref<32x512xf32, #tpu.memory_space<vmem>>
      %dma_wait3A_192 = arith.constant 0 : i32
      %dma_wait3A_193 = tpu.memref_slice %arg3[%add3A, %dma_wait3A, %mul3A_186, %dma_wait3A_192] : memref<32x3x512x512xf32, #tpu.memory_space<hbm>> -> memref<1x1x32x512xf32, #tpu.memory_space<hbm>>
      %dma_wait3A_194 = tpu.memref_squeeze %dma_wait3A_193 : memref<1x1x32x512xf32, #tpu.memory_space<hbm>> -> memref<32x512xf32, #tpu.memory_space<hbm>>
      %dma_wait3A_195 = arith.constant 0 : i32
      %dma_wait3A_196 = arith.constant 0 : i32
      %dma_wait3A_197 = tpu.memref_slice %arg5[%dma_wait3A_187, %dma_wait3A_195, %dma_wait3A_196] : memref<2x32x512xf32, #tpu.memory_space<vmem>> -> memref<1x32x512xf32, #tpu.memory_space<vmem>>
      %dma_wait3A_198 = tpu.memref_squeeze %dma_wait3A_197 : memref<1x32x512xf32, #tpu.memory_space<vmem>> -> memref<32x512xf32, #tpu.memory_space<vmem>>
      %dma_wait3A_199 = arith.constant 0 : i32
      %dma_wait3A_200 = tpu.memref_slice %arg3[%add3A, %dma_wait3A, %mul3A_186, %dma_wait3A_199] : memref<32x3x512x512xf32, #tpu.memory_space<hbm>> -> memref<1x1x32x512xf32, #tpu.memory_space<hbm>>
      %dma_wait3A_201 = tpu.memref_squeeze %dma_wait3A_200 : memref<1x1x32x512xf32, #tpu.memory_space<hbm>> -> memref<32x512xf32, #tpu.memory_space<hbm>>
      tpu.wait_dma2 semaphore(%arg8 : memref<!tpu.dma_semaphore, #tpu.memory_space<semaphore_mem>>) src(%dma_wait3A_201 : memref<32x512xf32, #tpu.memory_space<hbm>>) dst(%dma_wait3A_198 : memref<32x512xf32, #tpu.memory_space<vmem>>)
      %parallel_loop3A = arith.constant 0 : i32
      %parallel_loop3A_202 = arith.constant 1024 : i32
      %parallel_loop3A_203 = arith.constant 1 : i32
      scf.for %parallel_loop3A_236 = %parallel_loop3A to %parallel_loop3A_202 step %parallel_loop3A_203  : i32 {
        %parallel_loop3A_237 = arith.constant 5 : i32
        %parallel_loop3A_238 = arith.shrui %parallel_loop3A_236, %parallel_loop3A_237 : i32
        %parallel_loop3A_239 = arith.constant 31 : i32
        %parallel_loop3A_240 = arith.andi %parallel_loop3A_236, %parallel_loop3A_239 : i32
        %parallel_loop3A_241 = arith.constant 4 : i32
        %parallel_loop3A_242 = arith.shli %parallel_loop3A_240, %parallel_loop3A_241 : i32
        %parallel_loop3A_243 = arith.constant 0 : i32
        %parallel_loop3A_244 = arith.index_cast %parallel_loop3A_243 : i32 to index
        %parallel_loop3A_245 = arith.index_cast %parallel_loop3A_238 : i32 to index
        %parallel_loop3A_246 = arith.index_cast %parallel_loop3A_242 : i32 to index
        %parallel_loop3A_247 = tpu.vector_load %arg5[%parallel_loop3A_244, %parallel_loop3A_245, %parallel_loop3A_246] {strides = array<i32>} : memref<2x32x512xf32, #tpu.memory_space<vmem>>, vector<16xf32>,
        %parallel_loop3A_248 = arith.constant 3.200000e+01 : f32
        %parallel_loop3A_249 = vector.broadcast %parallel_loop3A_248 : f32 to vector<16xf32>
        %parallel_loop3A_250 = arith.mulf %parallel_loop3A_247, %parallel_loop3A_249 : vector<16xf32>
        %parallel_loop3A_251 = arith.constant 2.275000e+02 : f32
        %parallel_loop3A_252 = vector.broadcast %parallel_loop3A_251 : f32 to vector<16xf32>
        %parallel_loop3A_253 = arith.addf %parallel_loop3A_250, %parallel_loop3A_252 : vector<16xf32>
        %parallel_loop3A_254 = arith.constant 0x4B000000 : f32
        %parallel_loop3A_255 = vector.broadcast %parallel_loop3A_254 : f32 to vector<16xf32>
        %parallel_loop3A_256 = arith.addf %parallel_loop3A_253, %parallel_loop3A_255 : vector<16xf32>
        %parallel_loop3A_257 = arith.constant 0x4B0000C3 : f32
        %parallel_loop3A_258 = vector.broadcast %parallel_loop3A_257 : f32 to vector<16xf32>
        %parallel_loop3A_259 = arith.maximumf %parallel_loop3A_256, %parallel_loop3A_258 : vector<16xf32>
        %parallel_loop3A_260 = arith.constant 0x4B000104 : f32
        %parallel_loop3A_261 = vector.broadcast %parallel_loop3A_260 : f32 to vector<16xf32>
        %parallel_loop3A_262 = arith.minimumf %parallel_loop3A_259, %parallel_loop3A_261 : vector<16xf32>
        %parallel_loop3A_263 = vector.bitcast %parallel_loop3A_262 : vector<16xf32> to vector<16xi32>
        %parallel_loop3A_264 = arith.addi %parallel_loop3A_263, %sub3A_5 : vector<16xi32>
        tpu.vector_store_idx %arg6[%parallel_loop3A_264], %broadcast_in_dim3A_8 {add = true} : memref<6288xf32, #tpu.memory_space<vmem>>[vector<16xi32>], vector<16xf32>,
      } {sc.loop_unroll_factor = 8 : i64, sc.parallel_access}
      %mul3A_204 = arith.constant 2 : i32
      %mul3A_205 = arith.muli %scan3A_176, %mul3A_204 : i32
      %add3A_206 = arith.constant 1 : i32
      %add3A_207 = arith.addi %mul3A_205, %add3A_206 : i32
      %add3A_208 = arith.constant 1 : i32
      %add3A_209 = arith.addi %add3A_207, %add3A_208 : i32
      %lt3A_210 = arith.constant 16 : i32
      %lt3A_211 = arith.cmpi slt, %add3A_209, %lt3A_210 : i32
      %convert_element_type3A_212 = arith.extui %lt3A_211 : i1 to i32
      %cond3A_213 = arith.constant 0 : i32
      %cond3A_214 = arith.cmpi ne, %convert_element_type3A_212, %cond3A_213 : i32
      scf.if %cond3A_214 {
        %add3A_236 = arith.constant 1 : i32
        %add3A_237 = arith.addi %add3A_207, %add3A_236 : i32
        %mul3A_238 = arith.constant 32 : i32
        %mul3A_239 = arith.muli %add3A_237, %mul3A_238 : i32
        %dma_start3A_240 = arith.constant 0 : i32
        %dma_start3A_241 = arith.constant 0 : i32
        %dma_start3A_242 = arith.constant 0 : i32
        %dma_start3A_243 = arith.constant 0 : i32
        %dma_start3A_244 = tpu.memref_slice %arg5[%dma_start3A_241, %dma_start3A_242, %dma_start3A_243] : memref<2x32x512xf32, #tpu.memory_space<vmem>> -> memref<1x32x512xf32, #tpu.memory_space<vmem>>
        %dma_start3A_245 = tpu.memref_squeeze %dma_start3A_244 : memref<1x32x512xf32, #tpu.memory_space<vmem>> -> memref<32x512xf32, #tpu.memory_space<vmem>>
        %dma_start3A_246 = arith.constant 0 : i32
        %dma_start3A_247 = tpu.memref_slice %arg3[%add3A, %dma_start3A_240, %mul3A_239, %dma_start3A_246] : memref<32x3x512x512xf32, #tpu.memory_space<hbm>> -> memref<1x1x32x512xf32, #tpu.memory_space<hbm>>
        %dma_start3A_248 = tpu.memref_squeeze %dma_start3A_247 : memref<1x1x32x512xf32, #tpu.memory_space<hbm>> -> memref<32x512xf32, #tpu.memory_space<hbm>>
        %dma_start3A_249 = arith.constant 0 : i32
        %dma_start3A_250 = arith.constant 0 : i32
        %dma_start3A_251 = tpu.memref_slice %arg5[%dma_start3A_241, %dma_start3A_249, %dma_start3A_250] : memref<2x32x512xf32, #tpu.memory_space<vmem>> -> memref<1x32x512xf32, #tpu.memory_space<vmem>>
        %dma_start3A_252 = tpu.memref_squeeze %dma_start3A_251 : memref<1x32x512xf32, #tpu.memory_space<vmem>> -> memref<32x512xf32, #tpu.memory_space<vmem>>
        %dma_start3A_253 = arith.constant 0 : i32
        %dma_start3A_254 = tpu.memref_slice %arg3[%add3A, %dma_start3A_240, %mul3A_239, %dma_start3A_253] : memref<32x3x512x512xf32, #tpu.memory_space<hbm>> -> memref<1x1x32x512xf32, #tpu.memory_space<hbm>>
        %dma_start3A_255 = tpu.memref_squeeze %dma_start3A_254 : memref<1x1x32x512xf32, #tpu.memory_space<hbm>> -> memref<32x512xf32, #tpu.memory_space<hbm>>
        tpu.enqueue_dma source(%dma_start3A_255 : memref<32x512xf32, #tpu.memory_space<hbm>>) target(%dma_start3A_252 : memref<32x512xf32, #tpu.memory_space<vmem>>) target_semaphore(%arg8 : memref<!tpu.dma_semaphore, #tpu.memory_space<semaphore_mem>>)
      } else {
      }
      %mul3A_215 = arith.constant 32 : i32
      %mul3A_216 = arith.muli %add3A_207, %mul3A_215 : i32
      %dma_wait3A_217 = arith.constant 0 : i32
      %dma_wait3A_218 = arith.constant 1 : i32
      %dma_wait3A_219 = arith.constant 0 : i32
      %dma_wait3A_220 = arith.constant 0 : i32
      %dma_wait3A_221 = tpu.memref_slice %arg5[%dma_wait3A_218, %dma_wait3A_219, %dma_wait3A_220] : memref<2x32x512xf32, #tpu.memory_space<vmem>> -> memref<1x32x512xf32, #tpu.memory_space<vmem>>
      %dma_wait3A_222 = tpu.memref_squeeze %dma_wait3A_221 : memref<1x32x512xf32, #tpu.memory_space<vmem>> -> memref<32x512xf32, #tpu.memory_space<vmem>>
      %dma_wait3A_223 = arith.constant 0 : i32
      %dma_wait3A_224 = tpu.memref_slice %arg3[%add3A, %dma_wait3A_217, %mul3A_216, %dma_wait3A_223] : memref<32x3x512x512xf32, #tpu.memory_space<hbm>> -> memref<1x1x32x512xf32, #tpu.memory_space<hbm>>
      %dma_wait3A_225 = tpu.memref_squeeze %dma_wait3A_224 : memref<1x1x32x512xf32, #tpu.memory_space<hbm>> -> memref<32x512xf32, #tpu.memory_space<hbm>>
      %dma_wait3A_226 = arith.constant 0 : i32
      %dma_wait3A_227 = arith.constant 0 : i32
      %dma_wait3A_228 = tpu.memref_slice %arg5[%dma_wait3A_218, %dma_wait3A_226, %dma_wait3A_227] : memref<2x32x512xf32, #tpu.memory_space<vmem>> -> memref<1x32x512xf32, #tpu.memory_space<vmem>>
      %dma_wait3A_229 = tpu.memref_squeeze %dma_wait3A_228 : memref<1x32x512xf32, #tpu.memory_space<vmem>> -> memref<32x512xf32, #tpu.memory_space<vmem>>
      %dma_wait3A_230 = arith.constant 0 : i32
      %dma_wait3A_231 = tpu.memref_slice %arg3[%add3A, %dma_wait3A_217, %mul3A_216, %dma_wait3A_230] : memref<32x3x512x512xf32, #tpu.memory_space<hbm>> -> memref<1x1x32x512xf32, #tpu.memory_space<hbm>>
      %dma_wait3A_232 = tpu.memref_squeeze %dma_wait3A_231 : memref<1x1x32x512xf32, #tpu.memory_space<hbm>> -> memref<32x512xf32, #tpu.memory_space<hbm>>
      tpu.wait_dma2 semaphore(%arg9 : memref<!tpu.dma_semaphore, #tpu.memory_space<semaphore_mem>>) src(%dma_wait3A_232 : memref<32x512xf32, #tpu.memory_space<hbm>>) dst(%dma_wait3A_229 : memref<32x512xf32, #tpu.memory_space<vmem>>)
      %parallel_loop3A_233 = arith.constant 0 : i32
      %parallel_loop3A_234 = arith.constant 1024 : i32
      %parallel_loop3A_235 = arith.constant 1 : i32
      scf.for %parallel_loop3A_236 = %parallel_loop3A_233 to %parallel_loop3A_234 step %parallel_loop3A_235  : i32 {
        %parallel_loop3A_237 = arith.constant 5 : i32
        %parallel_loop3A_238 = arith.shrui %parallel_loop3A_236, %parallel_loop3A_237 : i32
        %parallel_loop3A_239 = arith.constant 31 : i32
        %parallel_loop3A_240 = arith.andi %parallel_loop3A_236, %parallel_loop3A_239 : i32
        %parallel_loop3A_241 = arith.constant 4 : i32
        %parallel_loop3A_242 = arith.shli %parallel_loop3A_240, %parallel_loop3A_241 : i32
        %parallel_loop3A_243 = arith.constant 1 : i32
        %parallel_loop3A_244 = arith.index_cast %parallel_loop3A_243 : i32 to index
        %parallel_loop3A_245 = arith.index_cast %parallel_loop3A_238 : i32 to index
        %parallel_loop3A_246 = arith.index_cast %parallel_loop3A_242 : i32 to index
        %parallel_loop3A_247 = tpu.vector_load %arg5[%parallel_loop3A_244, %parallel_loop3A_245, %parallel_loop3A_246] {strides = array<i32>} : memref<2x32x512xf32, #tpu.memory_space<vmem>>, vector<16xf32>,
        %parallel_loop3A_248 = arith.constant 3.200000e+01 : f32
        %parallel_loop3A_249 = vector.broadcast %parallel_loop3A_248 : f32 to vector<16xf32>
        %parallel_loop3A_250 = arith.mulf %parallel_loop3A_247, %parallel_loop3A_249 : vector<16xf32>
        %parallel_loop3A_251 = arith.constant 2.275000e+02 : f32
        %parallel_loop3A_252 = vector.broadcast %parallel_loop3A_251 : f32 to vector<16xf32>
        %parallel_loop3A_253 = arith.addf %parallel_loop3A_250, %parallel_loop3A_252 : vector<16xf32>
        %parallel_loop3A_254 = arith.constant 0x4B000000 : f32
        %parallel_loop3A_255 = vector.broadcast %parallel_loop3A_254 : f32 to vector<16xf32>
        %parallel_loop3A_256 = arith.addf %parallel_loop3A_253, %parallel_loop3A_255 : vector<16xf32>
        %parallel_loop3A_257 = arith.constant 0x4B0000C3 : f32
        %parallel_loop3A_258 = vector.broadcast %parallel_loop3A_257 : f32 to vector<16xf32>
        %parallel_loop3A_259 = arith.maximumf %parallel_loop3A_256, %parallel_loop3A_258 : vector<16xf32>
        %parallel_loop3A_260 = arith.constant 0x4B000104 : f32
        %parallel_loop3A_261 = vector.broadcast %parallel_loop3A_260 : f32 to vector<16xf32>
        %parallel_loop3A_262 = arith.minimumf %parallel_loop3A_259, %parallel_loop3A_261 : vector<16xf32>
        %parallel_loop3A_263 = vector.bitcast %parallel_loop3A_262 : vector<16xf32> to vector<16xi32>
        %parallel_loop3A_264 = arith.addi %parallel_loop3A_263, %sub3A_5 : vector<16xi32>
        tpu.vector_store_idx %arg6[%parallel_loop3A_264], %broadcast_in_dim3A_8 {add = true} : memref<6288xf32, #tpu.memory_space<vmem>>[vector<16xi32>], vector<16xf32>,
      } {sc.loop_unroll_factor = 8 : i64, sc.parallel_access}
    }
    %scan3A_114 = arith.constant 8 : i32
    %dma_start3A_115 = arith.constant 1 : i32
    %dma_start3A_116 = arith.constant 0 : i32
    %dma_start3A_117 = arith.constant 0 : i32
    %dma_start3A_118 = arith.constant 0 : i32
    %dma_start3A_119 = tpu.memref_slice %arg5[%dma_start3A_116, %dma_start3A_117, %dma_start3A_118] : memref<2x32x512xf32, #tpu.memory_space<vmem>> -> memref<1x32x512xf32, #tpu.memory_space<vmem>>
    %dma_start3A_120 = tpu.memref_squeeze %dma_start3A_119 : memref<1x32x512xf32, #tpu.memory_space<vmem>> -> memref<32x512xf32, #tpu.memory_space<vmem>>
    %dma_start3A_121 = arith.constant 0 : i32
    %dma_start3A_122 = arith.constant 0 : i32
    %dma_start3A_123 = tpu.memref_slice %arg3[%add3A, %dma_start3A_115, %dma_start3A_121, %dma_start3A_122] : memref<32x3x512x512xf32, #tpu.memory_space<hbm>> -> memref<1x1x32x512xf32, #tpu.memory_space<hbm>>
    %dma_start3A_124 = tpu.memref_squeeze %dma_start3A_123 : memref<1x1x32x512xf32, #tpu.memory_space<hbm>> -> memref<32x512xf32, #tpu.memory_space<hbm>>
    %dma_start3A_125 = arith.constant 0 : i32
    %dma_start3A_126 = arith.constant 0 : i32
    %dma_start3A_127 = tpu.memref_slice %arg5[%dma_start3A_116, %dma_start3A_125, %dma_start3A_126] : memref<2x32x512xf32, #tpu.memory_space<vmem>> -> memref<1x32x512xf32, #tpu.memory_space<vmem>>
    %dma_start3A_128 = tpu.memref_squeeze %dma_start3A_127 : memref<1x32x512xf32, #tpu.memory_space<vmem>> -> memref<32x512xf32, #tpu.memory_space<vmem>>
    %dma_start3A_129 = arith.constant 0 : i32
    %dma_start3A_130 = arith.constant 0 : i32
    %dma_start3A_131 = tpu.memref_slice %arg3[%add3A, %dma_start3A_115, %dma_start3A_129, %dma_start3A_130] : memref<32x3x512x512xf32, #tpu.memory_space<hbm>> -> memref<1x1x32x512xf32, #tpu.memory_space<hbm>>
    %dma_start3A_132 = tpu.memref_squeeze %dma_start3A_131 : memref<1x1x32x512xf32, #tpu.memory_space<hbm>> -> memref<32x512xf32, #tpu.memory_space<hbm>>
    tpu.enqueue_dma source(%dma_start3A_132 : memref<32x512xf32, #tpu.memory_space<hbm>>) target(%dma_start3A_128 : memref<32x512xf32, #tpu.memory_space<vmem>>) target_semaphore(%arg8 : memref<!tpu.dma_semaphore, #tpu.memory_space<semaphore_mem>>)
    %scan3A_133 = arith.constant 0 : i32
    %scan3A_134 = arith.constant 0 : i32
    %scan3A_135 = arith.constant 8 : i32
    %scan3A_136 = arith.addi %scan3A_134, %scan3A_135 : i32
    %scan3A_137 = arith.constant 1 : i32
    scf.for %scan3A_176 = %scan3A_134 to %scan3A_136 step %scan3A_137  : i32 {
      %mul3A_177 = arith.constant 2 : i32
      %mul3A_178 = arith.muli %scan3A_176, %mul3A_177 : i32
      %add3A_179 = arith.constant 0 : i32
      %add3A_180 = arith.addi %mul3A_178, %add3A_179 : i32
      %add3A_181 = arith.constant 1 : i32
      %add3A_182 = arith.addi %add3A_180, %add3A_181 : i32
      %lt3A = arith.constant 16 : i32
      %lt3A_183 = arith.cmpi slt, %add3A_182, %lt3A : i32
      %convert_element_type3A = arith.extui %lt3A_183 : i1 to i32
      %cond3A = arith.constant 0 : i32
      %cond3A_184 = arith.cmpi ne, %convert_element_type3A, %cond3A : i32
      scf.if %cond3A_184 {
        %add3A_236 = arith.constant 1 : i32
        %add3A_237 = arith.addi %add3A_180, %add3A_236 : i32
        %mul3A_238 = arith.constant 32 : i32
        %mul3A_239 = arith.muli %add3A_237, %mul3A_238 : i32
        %dma_start3A_240 = arith.constant 1 : i32
        %dma_start3A_241 = arith.constant 1 : i32
        %dma_start3A_242 = arith.constant 0 : i32
        %dma_start3A_243 = arith.constant 0 : i32
        %dma_start3A_244 = tpu.memref_slice %arg5[%dma_start3A_241, %dma_start3A_242, %dma_start3A_243] : memref<2x32x512xf32, #tpu.memory_space<vmem>> -> memref<1x32x512xf32, #tpu.memory_space<vmem>>
        %dma_start3A_245 = tpu.memref_squeeze %dma_start3A_244 : memref<1x32x512xf32, #tpu.memory_space<vmem>> -> memref<32x512xf32, #tpu.memory_space<vmem>>
        %dma_start3A_246 = arith.constant 0 : i32
        %dma_start3A_247 = tpu.memref_slice %arg3[%add3A, %dma_start3A_240, %mul3A_239, %dma_start3A_246] : memref<32x3x512x512xf32, #tpu.memory_space<hbm>> -> memref<1x1x32x512xf32, #tpu.memory_space<hbm>>
        %dma_start3A_248 = tpu.memref_squeeze %dma_start3A_247 : memref<1x1x32x512xf32, #tpu.memory_space<hbm>> -> memref<32x512xf32, #tpu.memory_space<hbm>>
        %dma_start3A_249 = arith.constant 0 : i32
        %dma_start3A_250 = arith.constant 0 : i32
        %dma_start3A_251 = tpu.memref_slice %arg5[%dma_start3A_241, %dma_start3A_249, %dma_start3A_250] : memref<2x32x512xf32, #tpu.memory_space<vmem>> -> memref<1x32x512xf32, #tpu.memory_space<vmem>>
        %dma_start3A_252 = tpu.memref_squeeze %dma_start3A_251 : memref<1x32x512xf32, #tpu.memory_space<vmem>> -> memref<32x512xf32, #tpu.memory_space<vmem>>
        %dma_start3A_253 = arith.constant 0 : i32
        %dma_start3A_254 = tpu.memref_slice %arg3[%add3A, %dma_start3A_240, %mul3A_239, %dma_start3A_253] : memref<32x3x512x512xf32, #tpu.memory_space<hbm>> -> memref<1x1x32x512xf32, #tpu.memory_space<hbm>>
        %dma_start3A_255 = tpu.memref_squeeze %dma_start3A_254 : memref<1x1x32x512xf32, #tpu.memory_space<hbm>> -> memref<32x512xf32, #tpu.memory_space<hbm>>
        tpu.enqueue_dma source(%dma_start3A_255 : memref<32x512xf32, #tpu.memory_space<hbm>>) target(%dma_start3A_252 : memref<32x512xf32, #tpu.memory_space<vmem>>) target_semaphore(%arg9 : memref<!tpu.dma_semaphore, #tpu.memory_space<semaphore_mem>>)
      } else {
      }
      %mul3A_185 = arith.constant 32 : i32
      %mul3A_186 = arith.muli %add3A_180, %mul3A_185 : i32
      %dma_wait3A = arith.constant 1 : i32
      %dma_wait3A_187 = arith.constant 0 : i32
      %dma_wait3A_188 = arith.constant 0 : i32
      %dma_wait3A_189 = arith.constant 0 : i32
      %dma_wait3A_190 = tpu.memref_slice %arg5[%dma_wait3A_187, %dma_wait3A_188, %dma_wait3A_189] : memref<2x32x512xf32, #tpu.memory_space<vmem>> -> memref<1x32x512xf32, #tpu.memory_space<vmem>>
      %dma_wait3A_191 = tpu.memref_squeeze %dma_wait3A_190 : memref<1x32x512xf32, #tpu.memory_space<vmem>> -> memref<32x512xf32, #tpu.memory_space<vmem>>
      %dma_wait3A_192 = arith.constant 0 : i32
      %dma_wait3A_193 = tpu.memref_slice %arg3[%add3A, %dma_wait3A, %mul3A_186, %dma_wait3A_192] : memref<32x3x512x512xf32, #tpu.memory_space<hbm>> -> memref<1x1x32x512xf32, #tpu.memory_space<hbm>>
      %dma_wait3A_194 = tpu.memref_squeeze %dma_wait3A_193 : memref<1x1x32x512xf32, #tpu.memory_space<hbm>> -> memref<32x512xf32, #tpu.memory_space<hbm>>
      %dma_wait3A_195 = arith.constant 0 : i32
      %dma_wait3A_196 = arith.constant 0 : i32
      %dma_wait3A_197 = tpu.memref_slice %arg5[%dma_wait3A_187, %dma_wait3A_195, %dma_wait3A_196] : memref<2x32x512xf32, #tpu.memory_space<vmem>> -> memref<1x32x512xf32, #tpu.memory_space<vmem>>
      %dma_wait3A_198 = tpu.memref_squeeze %dma_wait3A_197 : memref<1x32x512xf32, #tpu.memory_space<vmem>> -> memref<32x512xf32, #tpu.memory_space<vmem>>
      %dma_wait3A_199 = arith.constant 0 : i32
      %dma_wait3A_200 = tpu.memref_slice %arg3[%add3A, %dma_wait3A, %mul3A_186, %dma_wait3A_199] : memref<32x3x512x512xf32, #tpu.memory_space<hbm>> -> memref<1x1x32x512xf32, #tpu.memory_space<hbm>>
      %dma_wait3A_201 = tpu.memref_squeeze %dma_wait3A_200 : memref<1x1x32x512xf32, #tpu.memory_space<hbm>> -> memref<32x512xf32, #tpu.memory_space<hbm>>
      tpu.wait_dma2 semaphore(%arg8 : memref<!tpu.dma_semaphore, #tpu.memory_space<semaphore_mem>>) src(%dma_wait3A_201 : memref<32x512xf32, #tpu.memory_space<hbm>>) dst(%dma_wait3A_198 : memref<32x512xf32, #tpu.memory_space<vmem>>)
      %parallel_loop3A = arith.constant 0 : i32
      %parallel_loop3A_202 = arith.constant 1024 : i32
      %parallel_loop3A_203 = arith.constant 1 : i32
      scf.for %parallel_loop3A_236 = %parallel_loop3A to %parallel_loop3A_202 step %parallel_loop3A_203  : i32 {
        %parallel_loop3A_237 = arith.constant 5 : i32
        %parallel_loop3A_238 = arith.shrui %parallel_loop3A_236, %parallel_loop3A_237 : i32
        %parallel_loop3A_239 = arith.constant 31 : i32
        %parallel_loop3A_240 = arith.andi %parallel_loop3A_236, %parallel_loop3A_239 : i32
        %parallel_loop3A_241 = arith.constant 4 : i32
        %parallel_loop3A_242 = arith.shli %parallel_loop3A_240, %parallel_loop3A_241 : i32
        %parallel_loop3A_243 = arith.constant 0 : i32
        %parallel_loop3A_244 = arith.index_cast %parallel_loop3A_243 : i32 to index
        %parallel_loop3A_245 = arith.index_cast %parallel_loop3A_238 : i32 to index
        %parallel_loop3A_246 = arith.index_cast %parallel_loop3A_242 : i32 to index
        %parallel_loop3A_247 = tpu.vector_load %arg5[%parallel_loop3A_244, %parallel_loop3A_245, %parallel_loop3A_246] {strides = array<i32>} : memref<2x32x512xf32, #tpu.memory_space<vmem>>, vector<16xf32>,
        %parallel_loop3A_248 = arith.constant 3.200000e+01 : f32
        %parallel_loop3A_249 = vector.broadcast %parallel_loop3A_248 : f32 to vector<16xf32>
        %parallel_loop3A_250 = arith.mulf %parallel_loop3A_247, %parallel_loop3A_249 : vector<16xf32>
        %parallel_loop3A_251 = arith.constant 2.925000e+02 : f32
        %parallel_loop3A_252 = vector.broadcast %parallel_loop3A_251 : f32 to vector<16xf32>
        %parallel_loop3A_253 = arith.addf %parallel_loop3A_250, %parallel_loop3A_252 : vector<16xf32>
        %parallel_loop3A_254 = arith.constant 0x4B000000 : f32
        %parallel_loop3A_255 = vector.broadcast %parallel_loop3A_254 : f32 to vector<16xf32>
        %parallel_loop3A_256 = arith.addf %parallel_loop3A_253, %parallel_loop3A_255 : vector<16xf32>
        %parallel_loop3A_257 = arith.constant 0x4B000104 : f32
        %parallel_loop3A_258 = vector.broadcast %parallel_loop3A_257 : f32 to vector<16xf32>
        %parallel_loop3A_259 = arith.maximumf %parallel_loop3A_256, %parallel_loop3A_258 : vector<16xf32>
        %parallel_loop3A_260 = arith.constant 0x4B000145 : f32
        %parallel_loop3A_261 = vector.broadcast %parallel_loop3A_260 : f32 to vector<16xf32>
        %parallel_loop3A_262 = arith.minimumf %parallel_loop3A_259, %parallel_loop3A_261 : vector<16xf32>
        %parallel_loop3A_263 = vector.bitcast %parallel_loop3A_262 : vector<16xf32> to vector<16xi32>
        %parallel_loop3A_264 = arith.addi %parallel_loop3A_263, %sub3A_5 : vector<16xi32>
        tpu.vector_store_idx %arg6[%parallel_loop3A_264], %broadcast_in_dim3A_8 {add = true} : memref<6288xf32, #tpu.memory_space<vmem>>[vector<16xi32>], vector<16xf32>,
      } {sc.loop_unroll_factor = 8 : i64, sc.parallel_access}
      %mul3A_204 = arith.constant 2 : i32
      %mul3A_205 = arith.muli %scan3A_176, %mul3A_204 : i32
      %add3A_206 = arith.constant 1 : i32
      %add3A_207 = arith.addi %mul3A_205, %add3A_206 : i32
      %add3A_208 = arith.constant 1 : i32
      %add3A_209 = arith.addi %add3A_207, %add3A_208 : i32
      %lt3A_210 = arith.constant 16 : i32
      %lt3A_211 = arith.cmpi slt, %add3A_209, %lt3A_210 : i32
      %convert_element_type3A_212 = arith.extui %lt3A_211 : i1 to i32
      %cond3A_213 = arith.constant 0 : i32
      %cond3A_214 = arith.cmpi ne, %convert_element_type3A_212, %cond3A_213 : i32
      scf.if %cond3A_214 {
        %add3A_236 = arith.constant 1 : i32
        %add3A_237 = arith.addi %add3A_207, %add3A_236 : i32
        %mul3A_238 = arith.constant 32 : i32
        %mul3A_239 = arith.muli %add3A_237, %mul3A_238 : i32
        %dma_start3A_240 = arith.constant 1 : i32
        %dma_start3A_241 = arith.constant 0 : i32
        %dma_start3A_242 = arith.constant 0 : i32
        %dma_start3A_243 = arith.constant 0 : i32
        %dma_start3A_244 = tpu.memref_slice %arg5[%dma_start3A_241, %dma_start3A_242, %dma_start3A_243] : memref<2x32x512xf32, #tpu.memory_space<vmem>> -> memref<1x32x512xf32, #tpu.memory_space<vmem>>
        %dma_start3A_245 = tpu.memref_squeeze %dma_start3A_244 : memref<1x32x512xf32, #tpu.memory_space<vmem>> -> memref<32x512xf32, #tpu.memory_space<vmem>>
        %dma_start3A_246 = arith.constant 0 : i32
        %dma_start3A_247 = tpu.memref_slice %arg3[%add3A, %dma_start3A_240, %mul3A_239, %dma_start3A_246] : memref<32x3x512x512xf32, #tpu.memory_space<hbm>> -> memref<1x1x32x512xf32, #tpu.memory_space<hbm>>
        %dma_start3A_248 = tpu.memref_squeeze %dma_start3A_247 : memref<1x1x32x512xf32, #tpu.memory_space<hbm>> -> memref<32x512xf32, #tpu.memory_space<hbm>>
        %dma_start3A_249 = arith.constant 0 : i32
        %dma_start3A_250 = arith.constant 0 : i32
        %dma_start3A_251 = tpu.memref_slice %arg5[%dma_start3A_241, %dma_start3A_249, %dma_start3A_250] : memref<2x32x512xf32, #tpu.memory_space<vmem>> -> memref<1x32x512xf32, #tpu.memory_space<vmem>>
        %dma_start3A_252 = tpu.memref_squeeze %dma_start3A_251 : memref<1x32x512xf32, #tpu.memory_space<vmem>> -> memref<32x512xf32, #tpu.memory_space<vmem>>
        %dma_start3A_253 = arith.constant 0 : i32
        %dma_start3A_254 = tpu.memref_slice %arg3[%add3A, %dma_start3A_240, %mul3A_239, %dma_start3A_253] : memref<32x3x512x512xf32, #tpu.memory_space<hbm>> -> memref<1x1x32x512xf32, #tpu.memory_space<hbm>>
        %dma_start3A_255 = tpu.memref_squeeze %dma_start3A_254 : memref<1x1x32x512xf32, #tpu.memory_space<hbm>> -> memref<32x512xf32, #tpu.memory_space<hbm>>
        tpu.enqueue_dma source(%dma_start3A_255 : memref<32x512xf32, #tpu.memory_space<hbm>>) target(%dma_start3A_252 : memref<32x512xf32, #tpu.memory_space<vmem>>) target_semaphore(%arg8 : memref<!tpu.dma_semaphore, #tpu.memory_space<semaphore_mem>>)
      } else {
      }
      %mul3A_215 = arith.constant 32 : i32
      %mul3A_216 = arith.muli %add3A_207, %mul3A_215 : i32
      %dma_wait3A_217 = arith.constant 1 : i32
      %dma_wait3A_218 = arith.constant 1 : i32
      %dma_wait3A_219 = arith.constant 0 : i32
      %dma_wait3A_220 = arith.constant 0 : i32
      %dma_wait3A_221 = tpu.memref_slice %arg5[%dma_wait3A_218, %dma_wait3A_219, %dma_wait3A_220] : memref<2x32x512xf32, #tpu.memory_space<vmem>> -> memref<1x32x512xf32, #tpu.memory_space<vmem>>
      %dma_wait3A_222 = tpu.memref_squeeze %dma_wait3A_221 : memref<1x32x512xf32, #tpu.memory_space<vmem>> -> memref<32x512xf32, #tpu.memory_space<vmem>>
      %dma_wait3A_223 = arith.constant 0 : i32
      %dma_wait3A_224 = tpu.memref_slice %arg3[%add3A, %dma_wait3A_217, %mul3A_216, %dma_wait3A_223] : memref<32x3x512x512xf32, #tpu.memory_space<hbm>> -> memref<1x1x32x512xf32, #tpu.memory_space<hbm>>
      %dma_wait3A_225 = tpu.memref_squeeze %dma_wait3A_224 : memref<1x1x32x512xf32, #tpu.memory_space<hbm>> -> memref<32x512xf32, #tpu.memory_space<hbm>>
      %dma_wait3A_226 = arith.constant 0 : i32
      %dma_wait3A_227 = arith.constant 0 : i32
      %dma_wait3A_228 = tpu.memref_slice %arg5[%dma_wait3A_218, %dma_wait3A_226, %dma_wait3A_227] : memref<2x32x512xf32, #tpu.memory_space<vmem>> -> memref<1x32x512xf32, #tpu.memory_space<vmem>>
      %dma_wait3A_229 = tpu.memref_squeeze %dma_wait3A_228 : memref<1x32x512xf32, #tpu.memory_space<vmem>> -> memref<32x512xf32, #tpu.memory_space<vmem>>
      %dma_wait3A_230 = arith.constant 0 : i32
      %dma_wait3A_231 = tpu.memref_slice %arg3[%add3A, %dma_wait3A_217, %mul3A_216, %dma_wait3A_230] : memref<32x3x512x512xf32, #tpu.memory_space<hbm>> -> memref<1x1x32x512xf32, #tpu.memory_space<hbm>>
      %dma_wait3A_232 = tpu.memref_squeeze %dma_wait3A_231 : memref<1x1x32x512xf32, #tpu.memory_space<hbm>> -> memref<32x512xf32, #tpu.memory_space<hbm>>
      tpu.wait_dma2 semaphore(%arg9 : memref<!tpu.dma_semaphore, #tpu.memory_space<semaphore_mem>>) src(%dma_wait3A_232 : memref<32x512xf32, #tpu.memory_space<hbm>>) dst(%dma_wait3A_229 : memref<32x512xf32, #tpu.memory_space<vmem>>)
      %parallel_loop3A_233 = arith.constant 0 : i32
      %parallel_loop3A_234 = arith.constant 1024 : i32
      %parallel_loop3A_235 = arith.constant 1 : i32
      scf.for %parallel_loop3A_236 = %parallel_loop3A_233 to %parallel_loop3A_234 step %parallel_loop3A_235  : i32 {
        %parallel_loop3A_237 = arith.constant 5 : i32
        %parallel_loop3A_238 = arith.shrui %parallel_loop3A_236, %parallel_loop3A_237 : i32
        %parallel_loop3A_239 = arith.constant 31 : i32
        %parallel_loop3A_240 = arith.andi %parallel_loop3A_236, %parallel_loop3A_239 : i32
        %parallel_loop3A_241 = arith.constant 4 : i32
        %parallel_loop3A_242 = arith.shli %parallel_loop3A_240, %parallel_loop3A_241 : i32
        %parallel_loop3A_243 = arith.constant 1 : i32
        %parallel_loop3A_244 = arith.index_cast %parallel_loop3A_243 : i32 to index
        %parallel_loop3A_245 = arith.index_cast %parallel_loop3A_238 : i32 to index
        %parallel_loop3A_246 = arith.index_cast %parallel_loop3A_242 : i32 to index
        %parallel_loop3A_247 = tpu.vector_load %arg5[%parallel_loop3A_244, %parallel_loop3A_245, %parallel_loop3A_246] {strides = array<i32>} : memref<2x32x512xf32, #tpu.memory_space<vmem>>, vector<16xf32>,
        %parallel_loop3A_248 = arith.constant 3.200000e+01 : f32
        %parallel_loop3A_249 = vector.broadcast %parallel_loop3A_248 : f32 to vector<16xf32>
        %parallel_loop3A_250 = arith.mulf %parallel_loop3A_247, %parallel_loop3A_249 : vector<16xf32>
        %parallel_loop3A_251 = arith.constant 2.925000e+02 : f32
        %parallel_loop3A_252 = vector.broadcast %parallel_loop3A_251 : f32 to vector<16xf32>
        %parallel_loop3A_253 = arith.addf %parallel_loop3A_250, %parallel_loop3A_252 : vector<16xf32>
        %parallel_loop3A_254 = arith.constant 0x4B000000 : f32
        %parallel_loop3A_255 = vector.broadcast %parallel_loop3A_254 : f32 to vector<16xf32>
        %parallel_loop3A_256 = arith.addf %parallel_loop3A_253, %parallel_loop3A_255 : vector<16xf32>
        %parallel_loop3A_257 = arith.constant 0x4B000104 : f32
        %parallel_loop3A_258 = vector.broadcast %parallel_loop3A_257 : f32 to vector<16xf32>
        %parallel_loop3A_259 = arith.maximumf %parallel_loop3A_256, %parallel_loop3A_258 : vector<16xf32>
        %parallel_loop3A_260 = arith.constant 0x4B000145 : f32
        %parallel_loop3A_261 = vector.broadcast %parallel_loop3A_260 : f32 to vector<16xf32>
        %parallel_loop3A_262 = arith.minimumf %parallel_loop3A_259, %parallel_loop3A_261 : vector<16xf32>
        %parallel_loop3A_263 = vector.bitcast %parallel_loop3A_262 : vector<16xf32> to vector<16xi32>
        %parallel_loop3A_264 = arith.addi %parallel_loop3A_263, %sub3A_5 : vector<16xi32>
        tpu.vector_store_idx %arg6[%parallel_loop3A_264], %broadcast_in_dim3A_8 {add = true} : memref<6288xf32, #tpu.memory_space<vmem>>[vector<16xi32>], vector<16xf32>,
      } {sc.loop_unroll_factor = 8 : i64, sc.parallel_access}
    }
    %scan3A_138 = arith.constant 8 : i32
    %dma_start3A_139 = arith.constant 2 : i32
    %dma_start3A_140 = arith.constant 0 : i32
    %dma_start3A_141 = arith.constant 0 : i32
    %dma_start3A_142 = arith.constant 0 : i32
    %dma_start3A_143 = tpu.memref_slice %arg5[%dma_start3A_140, %dma_start3A_141, %dma_start3A_142] : memref<2x32x512xf32, #tpu.memory_space<vmem>> -> memref<1x32x512xf32, #tpu.memory_space<vmem>>
    %dma_start3A_144 = tpu.memref_squeeze %dma_start3A_143 : memref<1x32x512xf32, #tpu.memory_space<vmem>> -> memref<32x512xf32, #tpu.memory_space<vmem>>
    %dma_start3A_145 = arith.constant 0 : i32
    %dma_start3A_146 = arith.constant 0 : i32
    %dma_start3A_147 = tpu.memref_slice %arg3[%add3A, %dma_start3A_139, %dma_start3A_145, %dma_start3A_146] : memref<32x3x512x512xf32, #tpu.memory_space<hbm>> -> memref<1x1x32x512xf32, #tpu.memory_space<hbm>>
    %dma_start3A_148 = tpu.memref_squeeze %dma_start3A_147 : memref<1x1x32x512xf32, #tpu.memory_space<hbm>> -> memref<32x512xf32, #tpu.memory_space<hbm>>
    %dma_start3A_149 = arith.constant 0 : i32
    %dma_start3A_150 = arith.constant 0 : i32
    %dma_start3A_151 = tpu.memref_slice %arg5[%dma_start3A_140, %dma_start3A_149, %dma_start3A_150] : memref<2x32x512xf32, #tpu.memory_space<vmem>> -> memref<1x32x512xf32, #tpu.memory_space<vmem>>
    %dma_start3A_152 = tpu.memref_squeeze %dma_start3A_151 : memref<1x32x512xf32, #tpu.memory_space<vmem>> -> memref<32x512xf32, #tpu.memory_space<vmem>>
    %dma_start3A_153 = arith.constant 0 : i32
    %dma_start3A_154 = arith.constant 0 : i32
    %dma_start3A_155 = tpu.memref_slice %arg3[%add3A, %dma_start3A_139, %dma_start3A_153, %dma_start3A_154] : memref<32x3x512x512xf32, #tpu.memory_space<hbm>> -> memref<1x1x32x512xf32, #tpu.memory_space<hbm>>
    %dma_start3A_156 = tpu.memref_squeeze %dma_start3A_155 : memref<1x1x32x512xf32, #tpu.memory_space<hbm>> -> memref<32x512xf32, #tpu.memory_space<hbm>>
    tpu.enqueue_dma source(%dma_start3A_156 : memref<32x512xf32, #tpu.memory_space<hbm>>) target(%dma_start3A_152 : memref<32x512xf32, #tpu.memory_space<vmem>>) target_semaphore(%arg8 : memref<!tpu.dma_semaphore, #tpu.memory_space<semaphore_mem>>)
    %scan3A_157 = arith.constant 0 : i32
    %scan3A_158 = arith.constant 0 : i32
    %scan3A_159 = arith.constant 8 : i32
    %scan3A_160 = arith.addi %scan3A_158, %scan3A_159 : i32
    %scan3A_161 = arith.constant 1 : i32
    scf.for %scan3A_176 = %scan3A_158 to %scan3A_160 step %scan3A_161  : i32 {
      %mul3A_177 = arith.constant 2 : i32
      %mul3A_178 = arith.muli %scan3A_176, %mul3A_177 : i32
      %add3A_179 = arith.constant 0 : i32
      %add3A_180 = arith.addi %mul3A_178, %add3A_179 : i32
      %add3A_181 = arith.constant 1 : i32
      %add3A_182 = arith.addi %add3A_180, %add3A_181 : i32
      %lt3A = arith.constant 16 : i32
      %lt3A_183 = arith.cmpi slt, %add3A_182, %lt3A : i32
      %convert_element_type3A = arith.extui %lt3A_183 : i1 to i32
      %cond3A = arith.constant 0 : i32
      %cond3A_184 = arith.cmpi ne, %convert_element_type3A, %cond3A : i32
      scf.if %cond3A_184 {
        %add3A_236 = arith.constant 1 : i32
        %add3A_237 = arith.addi %add3A_180, %add3A_236 : i32
        %mul3A_238 = arith.constant 32 : i32
        %mul3A_239 = arith.muli %add3A_237, %mul3A_238 : i32
        %dma_start3A_240 = arith.constant 2 : i32
        %dma_start3A_241 = arith.constant 1 : i32
        %dma_start3A_242 = arith.constant 0 : i32
        %dma_start3A_243 = arith.constant 0 : i32
        %dma_start3A_244 = tpu.memref_slice %arg5[%dma_start3A_241, %dma_start3A_242, %dma_start3A_243] : memref<2x32x512xf32, #tpu.memory_space<vmem>> -> memref<1x32x512xf32, #tpu.memory_space<vmem>>
        %dma_start3A_245 = tpu.memref_squeeze %dma_start3A_244 : memref<1x32x512xf32, #tpu.memory_space<vmem>> -> memref<32x512xf32, #tpu.memory_space<vmem>>
        %dma_start3A_246 = arith.constant 0 : i32
        %dma_start3A_247 = tpu.memref_slice %arg3[%add3A, %dma_start3A_240, %mul3A_239, %dma_start3A_246] : memref<32x3x512x512xf32, #tpu.memory_space<hbm>> -> memref<1x1x32x512xf32, #tpu.memory_space<hbm>>
        %dma_start3A_248 = tpu.memref_squeeze %dma_start3A_247 : memref<1x1x32x512xf32, #tpu.memory_space<hbm>> -> memref<32x512xf32, #tpu.memory_space<hbm>>
        %dma_start3A_249 = arith.constant 0 : i32
        %dma_start3A_250 = arith.constant 0 : i32
        %dma_start3A_251 = tpu.memref_slice %arg5[%dma_start3A_241, %dma_start3A_249, %dma_start3A_250] : memref<2x32x512xf32, #tpu.memory_space<vmem>> -> memref<1x32x512xf32, #tpu.memory_space<vmem>>
        %dma_start3A_252 = tpu.memref_squeeze %dma_start3A_251 : memref<1x32x512xf32, #tpu.memory_space<vmem>> -> memref<32x512xf32, #tpu.memory_space<vmem>>
        %dma_start3A_253 = arith.constant 0 : i32
        %dma_start3A_254 = tpu.memref_slice %arg3[%add3A, %dma_start3A_240, %mul3A_239, %dma_start3A_253] : memref<32x3x512x512xf32, #tpu.memory_space<hbm>> -> memref<1x1x32x512xf32, #tpu.memory_space<hbm>>
        %dma_start3A_255 = tpu.memref_squeeze %dma_start3A_254 : memref<1x1x32x512xf32, #tpu.memory_space<hbm>> -> memref<32x512xf32, #tpu.memory_space<hbm>>
        tpu.enqueue_dma source(%dma_start3A_255 : memref<32x512xf32, #tpu.memory_space<hbm>>) target(%dma_start3A_252 : memref<32x512xf32, #tpu.memory_space<vmem>>) target_semaphore(%arg9 : memref<!tpu.dma_semaphore, #tpu.memory_space<semaphore_mem>>)
      } else {
      }
      %mul3A_185 = arith.constant 32 : i32
      %mul3A_186 = arith.muli %add3A_180, %mul3A_185 : i32
      %dma_wait3A = arith.constant 2 : i32
      %dma_wait3A_187 = arith.constant 0 : i32
      %dma_wait3A_188 = arith.constant 0 : i32
      %dma_wait3A_189 = arith.constant 0 : i32
      %dma_wait3A_190 = tpu.memref_slice %arg5[%dma_wait3A_187, %dma_wait3A_188, %dma_wait3A_189] : memref<2x32x512xf32, #tpu.memory_space<vmem>> -> memref<1x32x512xf32, #tpu.memory_space<vmem>>
      %dma_wait3A_191 = tpu.memref_squeeze %dma_wait3A_190 : memref<1x32x512xf32, #tpu.memory_space<vmem>> -> memref<32x512xf32, #tpu.memory_space<vmem>>
      %dma_wait3A_192 = arith.constant 0 : i32
      %dma_wait3A_193 = tpu.memref_slice %arg3[%add3A, %dma_wait3A, %mul3A_186, %dma_wait3A_192] : memref<32x3x512x512xf32, #tpu.memory_space<hbm>> -> memref<1x1x32x512xf32, #tpu.memory_space<hbm>>
      %dma_wait3A_194 = tpu.memref_squeeze %dma_wait3A_193 : memref<1x1x32x512xf32, #tpu.memory_space<hbm>> -> memref<32x512xf32, #tpu.memory_space<hbm>>
      %dma_wait3A_195 = arith.constant 0 : i32
      %dma_wait3A_196 = arith.constant 0 : i32
      %dma_wait3A_197 = tpu.memref_slice %arg5[%dma_wait3A_187, %dma_wait3A_195, %dma_wait3A_196] : memref<2x32x512xf32, #tpu.memory_space<vmem>> -> memref<1x32x512xf32, #tpu.memory_space<vmem>>
      %dma_wait3A_198 = tpu.memref_squeeze %dma_wait3A_197 : memref<1x32x512xf32, #tpu.memory_space<vmem>> -> memref<32x512xf32, #tpu.memory_space<vmem>>
      %dma_wait3A_199 = arith.constant 0 : i32
      %dma_wait3A_200 = tpu.memref_slice %arg3[%add3A, %dma_wait3A, %mul3A_186, %dma_wait3A_199] : memref<32x3x512x512xf32, #tpu.memory_space<hbm>> -> memref<1x1x32x512xf32, #tpu.memory_space<hbm>>
      %dma_wait3A_201 = tpu.memref_squeeze %dma_wait3A_200 : memref<1x1x32x512xf32, #tpu.memory_space<hbm>> -> memref<32x512xf32, #tpu.memory_space<hbm>>
      tpu.wait_dma2 semaphore(%arg8 : memref<!tpu.dma_semaphore, #tpu.memory_space<semaphore_mem>>) src(%dma_wait3A_201 : memref<32x512xf32, #tpu.memory_space<hbm>>) dst(%dma_wait3A_198 : memref<32x512xf32, #tpu.memory_space<vmem>>)
      %parallel_loop3A = arith.constant 0 : i32
      %parallel_loop3A_202 = arith.constant 1024 : i32
      %parallel_loop3A_203 = arith.constant 1 : i32
      scf.for %parallel_loop3A_236 = %parallel_loop3A to %parallel_loop3A_202 step %parallel_loop3A_203  : i32 {
        %parallel_loop3A_237 = arith.constant 5 : i32
        %parallel_loop3A_238 = arith.shrui %parallel_loop3A_236, %parallel_loop3A_237 : i32
        %parallel_loop3A_239 = arith.constant 31 : i32
        %parallel_loop3A_240 = arith.andi %parallel_loop3A_236, %parallel_loop3A_239 : i32
        %parallel_loop3A_241 = arith.constant 4 : i32
        %parallel_loop3A_242 = arith.shli %parallel_loop3A_240, %parallel_loop3A_241 : i32
        %parallel_loop3A_243 = arith.constant 0 : i32
        %parallel_loop3A_244 = arith.index_cast %parallel_loop3A_243 : i32 to index
        %parallel_loop3A_245 = arith.index_cast %parallel_loop3A_238 : i32 to index
        %parallel_loop3A_246 = arith.index_cast %parallel_loop3A_242 : i32 to index
        %parallel_loop3A_247 = tpu.vector_load %arg5[%parallel_loop3A_244, %parallel_loop3A_245, %parallel_loop3A_246] {strides = array<i32>} : memref<2x32x512xf32, #tpu.memory_space<vmem>>, vector<16xf32>,
        %parallel_loop3A_248 = arith.constant 3.200000e+01 : f32
        %parallel_loop3A_249 = vector.broadcast %parallel_loop3A_248 : f32 to vector<16xf32>
        %parallel_loop3A_250 = arith.mulf %parallel_loop3A_247, %parallel_loop3A_249 : vector<16xf32>
        %parallel_loop3A_251 = arith.constant 3.575000e+02 : f32
        %parallel_loop3A_252 = vector.broadcast %parallel_loop3A_251 : f32 to vector<16xf32>
        %parallel_loop3A_253 = arith.addf %parallel_loop3A_250, %parallel_loop3A_252 : vector<16xf32>
        %parallel_loop3A_254 = arith.constant 0x4B000000 : f32
        %parallel_loop3A_255 = vector.broadcast %parallel_loop3A_254 : f32 to vector<16xf32>
        %parallel_loop3A_256 = arith.addf %parallel_loop3A_253, %parallel_loop3A_255 : vector<16xf32>
        %parallel_loop3A_257 = arith.constant 0x4B000145 : f32
        %parallel_loop3A_258 = vector.broadcast %parallel_loop3A_257 : f32 to vector<16xf32>
        %parallel_loop3A_259 = arith.maximumf %parallel_loop3A_256, %parallel_loop3A_258 : vector<16xf32>
        %parallel_loop3A_260 = arith.constant 0x4B000186 : f32
        %parallel_loop3A_261 = vector.broadcast %parallel_loop3A_260 : f32 to vector<16xf32>
        %parallel_loop3A_262 = arith.minimumf %parallel_loop3A_259, %parallel_loop3A_261 : vector<16xf32>
        %parallel_loop3A_263 = vector.bitcast %parallel_loop3A_262 : vector<16xf32> to vector<16xi32>
        %parallel_loop3A_264 = arith.addi %parallel_loop3A_263, %sub3A_5 : vector<16xi32>
        tpu.vector_store_idx %arg6[%parallel_loop3A_264], %broadcast_in_dim3A_8 {add = true} : memref<6288xf32, #tpu.memory_space<vmem>>[vector<16xi32>], vector<16xf32>,
      } {sc.loop_unroll_factor = 8 : i64, sc.parallel_access}
      %mul3A_204 = arith.constant 2 : i32
      %mul3A_205 = arith.muli %scan3A_176, %mul3A_204 : i32
      %add3A_206 = arith.constant 1 : i32
      %add3A_207 = arith.addi %mul3A_205, %add3A_206 : i32
      %add3A_208 = arith.constant 1 : i32
      %add3A_209 = arith.addi %add3A_207, %add3A_208 : i32
      %lt3A_210 = arith.constant 16 : i32
      %lt3A_211 = arith.cmpi slt, %add3A_209, %lt3A_210 : i32
      %convert_element_type3A_212 = arith.extui %lt3A_211 : i1 to i32
      %cond3A_213 = arith.constant 0 : i32
      %cond3A_214 = arith.cmpi ne, %convert_element_type3A_212, %cond3A_213 : i32
      scf.if %cond3A_214 {
        %add3A_236 = arith.constant 1 : i32
        %add3A_237 = arith.addi %add3A_207, %add3A_236 : i32
        %mul3A_238 = arith.constant 32 : i32
        %mul3A_239 = arith.muli %add3A_237, %mul3A_238 : i32
        %dma_start3A_240 = arith.constant 2 : i32
        %dma_start3A_241 = arith.constant 0 : i32
        %dma_start3A_242 = arith.constant 0 : i32
        %dma_start3A_243 = arith.constant 0 : i32
        %dma_start3A_244 = tpu.memref_slice %arg5[%dma_start3A_241, %dma_start3A_242, %dma_start3A_243] : memref<2x32x512xf32, #tpu.memory_space<vmem>> -> memref<1x32x512xf32, #tpu.memory_space<vmem>>
        %dma_start3A_245 = tpu.memref_squeeze %dma_start3A_244 : memref<1x32x512xf32, #tpu.memory_space<vmem>> -> memref<32x512xf32, #tpu.memory_space<vmem>>
        %dma_start3A_246 = arith.constant 0 : i32
        %dma_start3A_247 = tpu.memref_slice %arg3[%add3A, %dma_start3A_240, %mul3A_239, %dma_start3A_246] : memref<32x3x512x512xf32, #tpu.memory_space<hbm>> -> memref<1x1x32x512xf32, #tpu.memory_space<hbm>>
        %dma_start3A_248 = tpu.memref_squeeze %dma_start3A_247 : memref<1x1x32x512xf32, #tpu.memory_space<hbm>> -> memref<32x512xf32, #tpu.memory_space<hbm>>
        %dma_start3A_249 = arith.constant 0 : i32
        %dma_start3A_250 = arith.constant 0 : i32
        %dma_start3A_251 = tpu.memref_slice %arg5[%dma_start3A_241, %dma_start3A_249, %dma_start3A_250] : memref<2x32x512xf32, #tpu.memory_space<vmem>> -> memref<1x32x512xf32, #tpu.memory_space<vmem>>
        %dma_start3A_252 = tpu.memref_squeeze %dma_start3A_251 : memref<1x32x512xf32, #tpu.memory_space<vmem>> -> memref<32x512xf32, #tpu.memory_space<vmem>>
        %dma_start3A_253 = arith.constant 0 : i32
        %dma_start3A_254 = tpu.memref_slice %arg3[%add3A, %dma_start3A_240, %mul3A_239, %dma_start3A_253] : memref<32x3x512x512xf32, #tpu.memory_space<hbm>> -> memref<1x1x32x512xf32, #tpu.memory_space<hbm>>
        %dma_start3A_255 = tpu.memref_squeeze %dma_start3A_254 : memref<1x1x32x512xf32, #tpu.memory_space<hbm>> -> memref<32x512xf32, #tpu.memory_space<hbm>>
        tpu.enqueue_dma source(%dma_start3A_255 : memref<32x512xf32, #tpu.memory_space<hbm>>) target(%dma_start3A_252 : memref<32x512xf32, #tpu.memory_space<vmem>>) target_semaphore(%arg8 : memref<!tpu.dma_semaphore, #tpu.memory_space<semaphore_mem>>)
      } else {
      }
      %mul3A_215 = arith.constant 32 : i32
      %mul3A_216 = arith.muli %add3A_207, %mul3A_215 : i32
      %dma_wait3A_217 = arith.constant 2 : i32
      %dma_wait3A_218 = arith.constant 1 : i32
      %dma_wait3A_219 = arith.constant 0 : i32
      %dma_wait3A_220 = arith.constant 0 : i32
      %dma_wait3A_221 = tpu.memref_slice %arg5[%dma_wait3A_218, %dma_wait3A_219, %dma_wait3A_220] : memref<2x32x512xf32, #tpu.memory_space<vmem>> -> memref<1x32x512xf32, #tpu.memory_space<vmem>>
      %dma_wait3A_222 = tpu.memref_squeeze %dma_wait3A_221 : memref<1x32x512xf32, #tpu.memory_space<vmem>> -> memref<32x512xf32, #tpu.memory_space<vmem>>
      %dma_wait3A_223 = arith.constant 0 : i32
      %dma_wait3A_224 = tpu.memref_slice %arg3[%add3A, %dma_wait3A_217, %mul3A_216, %dma_wait3A_223] : memref<32x3x512x512xf32, #tpu.memory_space<hbm>> -> memref<1x1x32x512xf32, #tpu.memory_space<hbm>>
      %dma_wait3A_225 = tpu.memref_squeeze %dma_wait3A_224 : memref<1x1x32x512xf32, #tpu.memory_space<hbm>> -> memref<32x512xf32, #tpu.memory_space<hbm>>
      %dma_wait3A_226 = arith.constant 0 : i32
      %dma_wait3A_227 = arith.constant 0 : i32
      %dma_wait3A_228 = tpu.memref_slice %arg5[%dma_wait3A_218, %dma_wait3A_226, %dma_wait3A_227] : memref<2x32x512xf32, #tpu.memory_space<vmem>> -> memref<1x32x512xf32, #tpu.memory_space<vmem>>
      %dma_wait3A_229 = tpu.memref_squeeze %dma_wait3A_228 : memref<1x32x512xf32, #tpu.memory_space<vmem>> -> memref<32x512xf32, #tpu.memory_space<vmem>>
      %dma_wait3A_230 = arith.constant 0 : i32
      %dma_wait3A_231 = tpu.memref_slice %arg3[%add3A, %dma_wait3A_217, %mul3A_216, %dma_wait3A_230] : memref<32x3x512x512xf32, #tpu.memory_space<hbm>> -> memref<1x1x32x512xf32, #tpu.memory_space<hbm>>
      %dma_wait3A_232 = tpu.memref_squeeze %dma_wait3A_231 : memref<1x1x32x512xf32, #tpu.memory_space<hbm>> -> memref<32x512xf32, #tpu.memory_space<hbm>>
      tpu.wait_dma2 semaphore(%arg9 : memref<!tpu.dma_semaphore, #tpu.memory_space<semaphore_mem>>) src(%dma_wait3A_232 : memref<32x512xf32, #tpu.memory_space<hbm>>) dst(%dma_wait3A_229 : memref<32x512xf32, #tpu.memory_space<vmem>>)
      %parallel_loop3A_233 = arith.constant 0 : i32
      %parallel_loop3A_234 = arith.constant 1024 : i32
      %parallel_loop3A_235 = arith.constant 1 : i32
      scf.for %parallel_loop3A_236 = %parallel_loop3A_233 to %parallel_loop3A_234 step %parallel_loop3A_235  : i32 {
        %parallel_loop3A_237 = arith.constant 5 : i32
        %parallel_loop3A_238 = arith.shrui %parallel_loop3A_236, %parallel_loop3A_237 : i32
        %parallel_loop3A_239 = arith.constant 31 : i32
        %parallel_loop3A_240 = arith.andi %parallel_loop3A_236, %parallel_loop3A_239 : i32
        %parallel_loop3A_241 = arith.constant 4 : i32
        %parallel_loop3A_242 = arith.shli %parallel_loop3A_240, %parallel_loop3A_241 : i32
        %parallel_loop3A_243 = arith.constant 1 : i32
        %parallel_loop3A_244 = arith.index_cast %parallel_loop3A_243 : i32 to index
        %parallel_loop3A_245 = arith.index_cast %parallel_loop3A_238 : i32 to index
        %parallel_loop3A_246 = arith.index_cast %parallel_loop3A_242 : i32 to index
        %parallel_loop3A_247 = tpu.vector_load %arg5[%parallel_loop3A_244, %parallel_loop3A_245, %parallel_loop3A_246] {strides = array<i32>} : memref<2x32x512xf32, #tpu.memory_space<vmem>>, vector<16xf32>,
        %parallel_loop3A_248 = arith.constant 3.200000e+01 : f32
        %parallel_loop3A_249 = vector.broadcast %parallel_loop3A_248 : f32 to vector<16xf32>
        %parallel_loop3A_250 = arith.mulf %parallel_loop3A_247, %parallel_loop3A_249 : vector<16xf32>
        %parallel_loop3A_251 = arith.constant 3.575000e+02 : f32
        %parallel_loop3A_252 = vector.broadcast %parallel_loop3A_251 : f32 to vector<16xf32>
        %parallel_loop3A_253 = arith.addf %parallel_loop3A_250, %parallel_loop3A_252 : vector<16xf32>
        %parallel_loop3A_254 = arith.constant 0x4B000000 : f32
        %parallel_loop3A_255 = vector.broadcast %parallel_loop3A_254 : f32 to vector<16xf32>
        %parallel_loop3A_256 = arith.addf %parallel_loop3A_253, %parallel_loop3A_255 : vector<16xf32>
        %parallel_loop3A_257 = arith.constant 0x4B000145 : f32
        %parallel_loop3A_258 = vector.broadcast %parallel_loop3A_257 : f32 to vector<16xf32>
        %parallel_loop3A_259 = arith.maximumf %parallel_loop3A_256, %parallel_loop3A_258 : vector<16xf32>
        %parallel_loop3A_260 = arith.constant 0x4B000186 : f32
        %parallel_loop3A_261 = vector.broadcast %parallel_loop3A_260 : f32 to vector<16xf32>
        %parallel_loop3A_262 = arith.minimumf %parallel_loop3A_259, %parallel_loop3A_261 : vector<16xf32>
        %parallel_loop3A_263 = vector.bitcast %parallel_loop3A_262 : vector<16xf32> to vector<16xi32>
        %parallel_loop3A_264 = arith.addi %parallel_loop3A_263, %sub3A_5 : vector<16xi32>
        tpu.vector_store_idx %arg6[%parallel_loop3A_264], %broadcast_in_dim3A_8 {add = true} : memref<6288xf32, #tpu.memory_space<vmem>>[vector<16xi32>], vector<16xf32>,
      } {sc.loop_unroll_factor = 8 : i64, sc.parallel_access}
    }
    %scan3A_162 = arith.constant 8 : i32
    %eq3A = arith.constant 0 : i32
    %eq3A_163 = vector.broadcast %eq3A : i32 to vector<16xi32>
    %eq3A_164 = arith.cmpi eq, %iota3A, %eq3A_163 : vector<16xi32>
    %scan3A_165 = arith.constant 0 : i32
    %scan3A_166 = arith.constant 0 : i32
    %scan3A_167 = arith.constant 384 : i32
    %scan3A_168 = arith.addi %scan3A_166, %scan3A_167 : i32
    %scan3A_169 = arith.constant 1 : i32
    scf.for %scan3A_176 = %scan3A_166 to %scan3A_168 step %scan3A_169  : i32 {
      %shift_right_logical3A = arith.constant 6 : i32
      %shift_right_logical3A_177 = arith.shrui %scan3A_176, %shift_right_logical3A : i32
      %mul3A_178 = arith.constant 65 : i32
      %mul3A_179 = arith.muli %shift_right_logical3A_177, %mul3A_178 : i32
      %add3A_180 = arith.constant 1 : i32
      %add3A_181 = arith.addi %add3A_180, %mul3A_179 : i32
      %and3A = arith.constant 63 : i32
      %and3A_182 = arith.andi %scan3A_176, %and3A : i32
      %add3A_183 = arith.addi %add3A_181, %and3A_182 : i32
      %add3A_184 = vector.broadcast %add3A_183 : i32 to vector<16xi32>
      %add3A_185 = arith.addi %mul3A_3, %add3A_184 : vector<16xi32>
      %gather3A = tpu.vector_load_idx %arg6[%add3A_185] : memref<6288xf32, #tpu.memory_space<vmem>>[vector<16xi32>], vector<16xf32>,
      %reduce_sum3A = arith.constant true
      %reduce_sum3A_186 = vector.broadcast %reduce_sum3A : i1 to vector<16xi1>
      %reduce_sum3A_187 = tpu.scan <sum>, %gather3A masked %reduce_sum3A_186 : vector<16xf32>, vector<16xi1> -> vector<16xf32>
      %reduce_sum3A_188 = vector.extract %reduce_sum3A_187[15] : f32 from vector<16xf32>
      %shift_left3A = arith.constant 6 : i32
      %shift_left3A_189 = arith.shli %shift_right_logical3A_177, %shift_left3A : i32
      %add3A_190 = arith.addi %scan3A_176, %shift_left3A_189 : i32
      %broadcast_in_dim3A_191 = vector.broadcast %add3A_190 : i32 to vector<16xi32>
      %broadcast_in_dim3A_192 = vector.broadcast %reduce_sum3A_188 : f32 to vector<16xf32>
      tpu.vector_store_idx %arg7[%broadcast_in_dim3A_191], %broadcast_in_dim3A_192 masked %eq3A_164 : memref<768xf32, #tpu.memory_space<vmem>>[vector<16xi32>], vector<16xf32>, vector<16xi1>
    }
    %scan3A_170 = arith.constant 384 : i32
    %run_scoped3A = arith.constant 0 : i32
    "tpu.region"() ({
      %run_scoped3A_176 = tpu.sem_alloc : memref<!tpu.dma_semaphore, #tpu.memory_space<semaphore_mem>>
      %dma_start3A_177 = arith.constant 0 : i32
      %dma_start3A_178 = tpu.memref_slice %arg7[%dma_start3A_177] : memref<768xf32, #tpu.memory_space<vmem>> -> memref<128xf32, #tpu.memory_space<vmem>>
      %dma_start3A_179 = arith.constant 0 : i32
      %dma_start3A_180 = tpu.memref_slice %arg4[%run_scoped3A, %add3A, %dma_start3A_179] : memref<6x32x128xf32, #tpu.memory_space<hbm>> -> memref<1x1x128xf32, #tpu.memory_space<hbm>>
      %dma_start3A_181 = tpu.memref_squeeze %dma_start3A_180 : memref<1x1x128xf32, #tpu.memory_space<hbm>> -> memref<128xf32, #tpu.memory_space<hbm>>
      %dma_start3A_182 = arith.constant 0 : i32
      %dma_start3A_183 = tpu.memref_slice %arg4[%run_scoped3A, %add3A, %dma_start3A_182] : memref<6x32x128xf32, #tpu.memory_space<hbm>> -> memref<1x1x128xf32, #tpu.memory_space<hbm>>
      %dma_start3A_184 = tpu.memref_squeeze %dma_start3A_183 : memref<1x1x128xf32, #tpu.memory_space<hbm>> -> memref<128xf32, #tpu.memory_space<hbm>>
      %dma_start3A_185 = arith.constant 0 : i32
      %dma_start3A_186 = tpu.memref_slice %arg7[%dma_start3A_185] : memref<768xf32, #tpu.memory_space<vmem>> -> memref<128xf32, #tpu.memory_space<vmem>>
      tpu.enqueue_dma source(%dma_start3A_186 : memref<128xf32, #tpu.memory_space<vmem>>) target(%dma_start3A_184 : memref<128xf32, #tpu.memory_space<hbm>>) target_semaphore(%run_scoped3A_176 : memref<!tpu.dma_semaphore, #tpu.memory_space<semaphore_mem>>)
      %dma_wait3A = arith.constant 0 : i32
      %dma_wait3A_187 = tpu.memref_slice %arg7[%dma_wait3A] : memref<768xf32, #tpu.memory_space<vmem>> -> memref<128xf32, #tpu.memory_space<vmem>>
      %dma_wait3A_188 = arith.constant 0 : i32
      %dma_wait3A_189 = tpu.memref_slice %arg4[%run_scoped3A, %add3A, %dma_wait3A_188] : memref<6x32x128xf32, #tpu.memory_space<hbm>> -> memref<1x1x128xf32, #tpu.memory_space<hbm>>
      %dma_wait3A_190 = tpu.memref_squeeze %dma_wait3A_189 : memref<1x1x128xf32, #tpu.memory_space<hbm>> -> memref<128xf32, #tpu.memory_space<hbm>>
      %dma_wait3A_191 = arith.constant 0 : i32
      %dma_wait3A_192 = tpu.memref_slice %arg4[%run_scoped3A, %add3A, %dma_wait3A_191] : memref<6x32x128xf32, #tpu.memory_space<hbm>> -> memref<1x1x128xf32, #tpu.memory_space<hbm>>
      %dma_wait3A_193 = tpu.memref_squeeze %dma_wait3A_192 : memref<1x1x128xf32, #tpu.memory_space<hbm>> -> memref<128xf32, #tpu.memory_space<hbm>>
      %dma_wait3A_194 = arith.constant 0 : i32
      %dma_wait3A_195 = tpu.memref_slice %arg7[%dma_wait3A_194] : memref<768xf32, #tpu.memory_space<vmem>> -> memref<128xf32, #tpu.memory_space<vmem>>
      tpu.wait_dma2 semaphore(%run_scoped3A_176 : memref<!tpu.dma_semaphore, #tpu.memory_space<semaphore_mem>>) src(%dma_wait3A_195 : memref<128xf32, #tpu.memory_space<vmem>>) dst(%dma_wait3A_193 : memref<128xf32, #tpu.memory_space<hbm>>)
      tpu.yield
    }) : () -> ()
    %run_scoped3A_171 = arith.constant 1 : i32
    "tpu.region"() ({
      %run_scoped3A_176 = tpu.sem_alloc : memref<!tpu.dma_semaphore, #tpu.memory_space<semaphore_mem>>
      %dma_start3A_177 = arith.constant 128 : i32
      %dma_start3A_178 = tpu.memref_slice %arg7[%dma_start3A_177] : memref<768xf32, #tpu.memory_space<vmem>> -> memref<128xf32, #tpu.memory_space<vmem>>
      %dma_start3A_179 = arith.constant 0 : i32
      %dma_start3A_180 = tpu.memref_slice %arg4[%run_scoped3A_171, %add3A, %dma_start3A_179] : memref<6x32x128xf32, #tpu.memory_space<hbm>> -> memref<1x1x128xf32, #tpu.memory_space<hbm>>
      %dma_start3A_181 = tpu.memref_squeeze %dma_start3A_180 : memref<1x1x128xf32, #tpu.memory_space<hbm>> -> memref<128xf32, #tpu.memory_space<hbm>>
      %dma_start3A_182 = arith.constant 0 : i32
      %dma_start3A_183 = tpu.memref_slice %arg4[%run_scoped3A_171, %add3A, %dma_start3A_182] : memref<6x32x128xf32, #tpu.memory_space<hbm>> -> memref<1x1x128xf32, #tpu.memory_space<hbm>>
      %dma_start3A_184 = tpu.memref_squeeze %dma_start3A_183 : memref<1x1x128xf32, #tpu.memory_space<hbm>> -> memref<128xf32, #tpu.memory_space<hbm>>
      %dma_start3A_185 = arith.constant 128 : i32
      %dma_start3A_186 = tpu.memref_slice %arg7[%dma_start3A_185] : memref<768xf32, #tpu.memory_space<vmem>> -> memref<128xf32, #tpu.memory_space<vmem>>
      tpu.enqueue_dma source(%dma_start3A_186 : memref<128xf32, #tpu.memory_space<vmem>>) target(%dma_start3A_184 : memref<128xf32, #tpu.memory_space<hbm>>) target_semaphore(%run_scoped3A_176 : memref<!tpu.dma_semaphore, #tpu.memory_space<semaphore_mem>>)
      %dma_wait3A = arith.constant 128 : i32
      %dma_wait3A_187 = tpu.memref_slice %arg7[%dma_wait3A] : memref<768xf32, #tpu.memory_space<vmem>> -> memref<128xf32, #tpu.memory_space<vmem>>
      %dma_wait3A_188 = arith.constant 0 : i32
      %dma_wait3A_189 = tpu.memref_slice %arg4[%run_scoped3A_171, %add3A, %dma_wait3A_188] : memref<6x32x128xf32, #tpu.memory_space<hbm>> -> memref<1x1x128xf32, #tpu.memory_space<hbm>>
      %dma_wait3A_190 = tpu.memref_squeeze %dma_wait3A_189 : memref<1x1x128xf32, #tpu.memory_space<hbm>> -> memref<128xf32, #tpu.memory_space<hbm>>
      %dma_wait3A_191 = arith.constant 0 : i32
      %dma_wait3A_192 = tpu.memref_slice %arg4[%run_scoped3A_171, %add3A, %dma_wait3A_191] : memref<6x32x128xf32, #tpu.memory_space<hbm>> -> memref<1x1x128xf32, #tpu.memory_space<hbm>>
      %dma_wait3A_193 = tpu.memref_squeeze %dma_wait3A_192 : memref<1x1x128xf32, #tpu.memory_space<hbm>> -> memref<128xf32, #tpu.memory_space<hbm>>
      %dma_wait3A_194 = arith.constant 128 : i32
      %dma_wait3A_195 = tpu.memref_slice %arg7[%dma_wait3A_194] : memref<768xf32, #tpu.memory_space<vmem>> -> memref<128xf32, #tpu.memory_space<vmem>>
      tpu.wait_dma2 semaphore(%run_scoped3A_176 : memref<!tpu.dma_semaphore, #tpu.memory_space<semaphore_mem>>) src(%dma_wait3A_195 : memref<128xf32, #tpu.memory_space<vmem>>) dst(%dma_wait3A_193 : memref<128xf32, #tpu.memory_space<hbm>>)
      tpu.yield
    }) : () -> ()
    %run_scoped3A_172 = arith.constant 2 : i32
    "tpu.region"() ({
      %run_scoped3A_176 = tpu.sem_alloc : memref<!tpu.dma_semaphore, #tpu.memory_space<semaphore_mem>>
      %dma_start3A_177 = arith.constant 256 : i32
      %dma_start3A_178 = tpu.memref_slice %arg7[%dma_start3A_177] : memref<768xf32, #tpu.memory_space<vmem>> -> memref<128xf32, #tpu.memory_space<vmem>>
      %dma_start3A_179 = arith.constant 0 : i32
      %dma_start3A_180 = tpu.memref_slice %arg4[%run_scoped3A_172, %add3A, %dma_start3A_179] : memref<6x32x128xf32, #tpu.memory_space<hbm>> -> memref<1x1x128xf32, #tpu.memory_space<hbm>>
      %dma_start3A_181 = tpu.memref_squeeze %dma_start3A_180 : memref<1x1x128xf32, #tpu.memory_space<hbm>> -> memref<128xf32, #tpu.memory_space<hbm>>
      %dma_start3A_182 = arith.constant 0 : i32
      %dma_start3A_183 = tpu.memref_slice %arg4[%run_scoped3A_172, %add3A, %dma_start3A_182] : memref<6x32x128xf32, #tpu.memory_space<hbm>> -> memref<1x1x128xf32, #tpu.memory_space<hbm>>
      %dma_start3A_184 = tpu.memref_squeeze %dma_start3A_183 : memref<1x1x128xf32, #tpu.memory_space<hbm>> -> memref<128xf32, #tpu.memory_space<hbm>>
      %dma_start3A_185 = arith.constant 256 : i32
      %dma_start3A_186 = tpu.memref_slice %arg7[%dma_start3A_185] : memref<768xf32, #tpu.memory_space<vmem>> -> memref<128xf32, #tpu.memory_space<vmem>>
      tpu.enqueue_dma source(%dma_start3A_186 : memref<128xf32, #tpu.memory_space<vmem>>) target(%dma_start3A_184 : memref<128xf32, #tpu.memory_space<hbm>>) target_semaphore(%run_scoped3A_176 : memref<!tpu.dma_semaphore, #tpu.memory_space<semaphore_mem>>)
      %dma_wait3A = arith.constant 256 : i32
      %dma_wait3A_187 = tpu.memref_slice %arg7[%dma_wait3A] : memref<768xf32, #tpu.memory_space<vmem>> -> memref<128xf32, #tpu.memory_space<vmem>>
      %dma_wait3A_188 = arith.constant 0 : i32
      %dma_wait3A_189 = tpu.memref_slice %arg4[%run_scoped3A_172, %add3A, %dma_wait3A_188] : memref<6x32x128xf32, #tpu.memory_space<hbm>> -> memref<1x1x128xf32, #tpu.memory_space<hbm>>
      %dma_wait3A_190 = tpu.memref_squeeze %dma_wait3A_189 : memref<1x1x128xf32, #tpu.memory_space<hbm>> -> memref<128xf32, #tpu.memory_space<hbm>>
      %dma_wait3A_191 = arith.constant 0 : i32
      %dma_wait3A_192 = tpu.memref_slice %arg4[%run_scoped3A_172, %add3A, %dma_wait3A_191] : memref<6x32x128xf32, #tpu.memory_space<hbm>> -> memref<1x1x128xf32, #tpu.memory_space<hbm>>
      %dma_wait3A_193 = tpu.memref_squeeze %dma_wait3A_192 : memref<1x1x128xf32, #tpu.memory_space<hbm>> -> memref<128xf32, #tpu.memory_space<hbm>>
      %dma_wait3A_194 = arith.constant 256 : i32
      %dma_wait3A_195 = tpu.memref_slice %arg7[%dma_wait3A_194] : memref<768xf32, #tpu.memory_space<vmem>> -> memref<128xf32, #tpu.memory_space<vmem>>
      tpu.wait_dma2 semaphore(%run_scoped3A_176 : memref<!tpu.dma_semaphore, #tpu.memory_space<semaphore_mem>>) src(%dma_wait3A_195 : memref<128xf32, #tpu.memory_space<vmem>>) dst(%dma_wait3A_193 : memref<128xf32, #tpu.memory_space<hbm>>)
      tpu.yield
    }) : () -> ()
    %run_scoped3A_173 = arith.constant 3 : i32
    "tpu.region"() ({
      %run_scoped3A_176 = tpu.sem_alloc : memref<!tpu.dma_semaphore, #tpu.memory_space<semaphore_mem>>
      %dma_start3A_177 = arith.constant 384 : i32
      %dma_start3A_178 = tpu.memref_slice %arg7[%dma_start3A_177] : memref<768xf32, #tpu.memory_space<vmem>> -> memref<128xf32, #tpu.memory_space<vmem>>
      %dma_start3A_179 = arith.constant 0 : i32
      %dma_start3A_180 = tpu.memref_slice %arg4[%run_scoped3A_173, %add3A, %dma_start3A_179] : memref<6x32x128xf32, #tpu.memory_space<hbm>> -> memref<1x1x128xf32, #tpu.memory_space<hbm>>
      %dma_start3A_181 = tpu.memref_squeeze %dma_start3A_180 : memref<1x1x128xf32, #tpu.memory_space<hbm>> -> memref<128xf32, #tpu.memory_space<hbm>>
      %dma_start3A_182 = arith.constant 0 : i32
      %dma_start3A_183 = tpu.memref_slice %arg4[%run_scoped3A_173, %add3A, %dma_start3A_182] : memref<6x32x128xf32, #tpu.memory_space<hbm>> -> memref<1x1x128xf32, #tpu.memory_space<hbm>>
      %dma_start3A_184 = tpu.memref_squeeze %dma_start3A_183 : memref<1x1x128xf32, #tpu.memory_space<hbm>> -> memref<128xf32, #tpu.memory_space<hbm>>
      %dma_start3A_185 = arith.constant 384 : i32
      %dma_start3A_186 = tpu.memref_slice %arg7[%dma_start3A_185] : memref<768xf32, #tpu.memory_space<vmem>> -> memref<128xf32, #tpu.memory_space<vmem>>
      tpu.enqueue_dma source(%dma_start3A_186 : memref<128xf32, #tpu.memory_space<vmem>>) target(%dma_start3A_184 : memref<128xf32, #tpu.memory_space<hbm>>) target_semaphore(%run_scoped3A_176 : memref<!tpu.dma_semaphore, #tpu.memory_space<semaphore_mem>>)
      %dma_wait3A = arith.constant 384 : i32
      %dma_wait3A_187 = tpu.memref_slice %arg7[%dma_wait3A] : memref<768xf32, #tpu.memory_space<vmem>> -> memref<128xf32, #tpu.memory_space<vmem>>
      %dma_wait3A_188 = arith.constant 0 : i32
      %dma_wait3A_189 = tpu.memref_slice %arg4[%run_scoped3A_173, %add3A, %dma_wait3A_188] : memref<6x32x128xf32, #tpu.memory_space<hbm>> -> memref<1x1x128xf32, #tpu.memory_space<hbm>>
      %dma_wait3A_190 = tpu.memref_squeeze %dma_wait3A_189 : memref<1x1x128xf32, #tpu.memory_space<hbm>> -> memref<128xf32, #tpu.memory_space<hbm>>
      %dma_wait3A_191 = arith.constant 0 : i32
      %dma_wait3A_192 = tpu.memref_slice %arg4[%run_scoped3A_173, %add3A, %dma_wait3A_191] : memref<6x32x128xf32, #tpu.memory_space<hbm>> -> memref<1x1x128xf32, #tpu.memory_space<hbm>>
      %dma_wait3A_193 = tpu.memref_squeeze %dma_wait3A_192 : memref<1x1x128xf32, #tpu.memory_space<hbm>> -> memref<128xf32, #tpu.memory_space<hbm>>
      %dma_wait3A_194 = arith.constant 384 : i32
      %dma_wait3A_195 = tpu.memref_slice %arg7[%dma_wait3A_194] : memref<768xf32, #tpu.memory_space<vmem>> -> memref<128xf32, #tpu.memory_space<vmem>>
      tpu.wait_dma2 semaphore(%run_scoped3A_176 : memref<!tpu.dma_semaphore, #tpu.memory_space<semaphore_mem>>) src(%dma_wait3A_195 : memref<128xf32, #tpu.memory_space<vmem>>) dst(%dma_wait3A_193 : memref<128xf32, #tpu.memory_space<hbm>>)
      tpu.yield
    }) : () -> ()
    %run_scoped3A_174 = arith.constant 4 : i32
    "tpu.region"() ({
      %run_scoped3A_176 = tpu.sem_alloc : memref<!tpu.dma_semaphore, #tpu.memory_space<semaphore_mem>>
      %dma_start3A_177 = arith.constant 512 : i32
      %dma_start3A_178 = tpu.memref_slice %arg7[%dma_start3A_177] : memref<768xf32, #tpu.memory_space<vmem>> -> memref<128xf32, #tpu.memory_space<vmem>>
      %dma_start3A_179 = arith.constant 0 : i32
      %dma_start3A_180 = tpu.memref_slice %arg4[%run_scoped3A_174, %add3A, %dma_start3A_179] : memref<6x32x128xf32, #tpu.memory_space<hbm>> -> memref<1x1x128xf32, #tpu.memory_space<hbm>>
      %dma_start3A_181 = tpu.memref_squeeze %dma_start3A_180 : memref<1x1x128xf32, #tpu.memory_space<hbm>> -> memref<128xf32, #tpu.memory_space<hbm>>
      %dma_start3A_182 = arith.constant 0 : i32
      %dma_start3A_183 = tpu.memref_slice %arg4[%run_scoped3A_174, %add3A, %dma_start3A_182] : memref<6x32x128xf32, #tpu.memory_space<hbm>> -> memref<1x1x128xf32, #tpu.memory_space<hbm>>
      %dma_start3A_184 = tpu.memref_squeeze %dma_start3A_183 : memref<1x1x128xf32, #tpu.memory_space<hbm>> -> memref<128xf32, #tpu.memory_space<hbm>>
      %dma_start3A_185 = arith.constant 512 : i32
      %dma_start3A_186 = tpu.memref_slice %arg7[%dma_start3A_185] : memref<768xf32, #tpu.memory_space<vmem>> -> memref<128xf32, #tpu.memory_space<vmem>>
      tpu.enqueue_dma source(%dma_start3A_186 : memref<128xf32, #tpu.memory_space<vmem>>) target(%dma_start3A_184 : memref<128xf32, #tpu.memory_space<hbm>>) target_semaphore(%run_scoped3A_176 : memref<!tpu.dma_semaphore, #tpu.memory_space<semaphore_mem>>)
      %dma_wait3A = arith.constant 512 : i32
      %dma_wait3A_187 = tpu.memref_slice %arg7[%dma_wait3A] : memref<768xf32, #tpu.memory_space<vmem>> -> memref<128xf32, #tpu.memory_space<vmem>>
      %dma_wait3A_188 = arith.constant 0 : i32
      %dma_wait3A_189 = tpu.memref_slice %arg4[%run_scoped3A_174, %add3A, %dma_wait3A_188] : memref<6x32x128xf32, #tpu.memory_space<hbm>> -> memref<1x1x128xf32, #tpu.memory_space<hbm>>
      %dma_wait3A_190 = tpu.memref_squeeze %dma_wait3A_189 : memref<1x1x128xf32, #tpu.memory_space<hbm>> -> memref<128xf32, #tpu.memory_space<hbm>>
      %dma_wait3A_191 = arith.constant 0 : i32
      %dma_wait3A_192 = tpu.memref_slice %arg4[%run_scoped3A_174, %add3A, %dma_wait3A_191] : memref<6x32x128xf32, #tpu.memory_space<hbm>> -> memref<1x1x128xf32, #tpu.memory_space<hbm>>
      %dma_wait3A_193 = tpu.memref_squeeze %dma_wait3A_192 : memref<1x1x128xf32, #tpu.memory_space<hbm>> -> memref<128xf32, #tpu.memory_space<hbm>>
      %dma_wait3A_194 = arith.constant 512 : i32
      %dma_wait3A_195 = tpu.memref_slice %arg7[%dma_wait3A_194] : memref<768xf32, #tpu.memory_space<vmem>> -> memref<128xf32, #tpu.memory_space<vmem>>
      tpu.wait_dma2 semaphore(%run_scoped3A_176 : memref<!tpu.dma_semaphore, #tpu.memory_space<semaphore_mem>>) src(%dma_wait3A_195 : memref<128xf32, #tpu.memory_space<vmem>>) dst(%dma_wait3A_193 : memref<128xf32, #tpu.memory_space<hbm>>)
      tpu.yield
    }) : () -> ()
    %run_scoped3A_175 = arith.constant 5 : i32
    "tpu.region"() ({
      %run_scoped3A_176 = tpu.sem_alloc : memref<!tpu.dma_semaphore, #tpu.memory_space<semaphore_mem>>
      %dma_start3A_177 = arith.constant 640 : i32
      %dma_start3A_178 = tpu.memref_slice %arg7[%dma_start3A_177] : memref<768xf32, #tpu.memory_space<vmem>> -> memref<128xf32, #tpu.memory_space<vmem>>
      %dma_start3A_179 = arith.constant 0 : i32
      %dma_start3A_180 = tpu.memref_slice %arg4[%run_scoped3A_175, %add3A, %dma_start3A_179] : memref<6x32x128xf32, #tpu.memory_space<hbm>> -> memref<1x1x128xf32, #tpu.memory_space<hbm>>
      %dma_start3A_181 = tpu.memref_squeeze %dma_start3A_180 : memref<1x1x128xf32, #tpu.memory_space<hbm>> -> memref<128xf32, #tpu.memory_space<hbm>>
      %dma_start3A_182 = arith.constant 0 : i32
      %dma_start3A_183 = tpu.memref_slice %arg4[%run_scoped3A_175, %add3A, %dma_start3A_182] : memref<6x32x128xf32, #tpu.memory_space<hbm>> -> memref<1x1x128xf32, #tpu.memory_space<hbm>>
      %dma_start3A_184 = tpu.memref_squeeze %dma_start3A_183 : memref<1x1x128xf32, #tpu.memory_space<hbm>> -> memref<128xf32, #tpu.memory_space<hbm>>
      %dma_start3A_185 = arith.constant 640 : i32
      %dma_start3A_186 = tpu.memref_slice %arg7[%dma_start3A_185] : memref<768xf32, #tpu.memory_space<vmem>> -> memref<128xf32, #tpu.memory_space<vmem>>
      tpu.enqueue_dma source(%dma_start3A_186 : memref<128xf32, #tpu.memory_space<vmem>>) target(%dma_start3A_184 : memref<128xf32, #tpu.memory_space<hbm>>) target_semaphore(%run_scoped3A_176 : memref<!tpu.dma_semaphore, #tpu.memory_space<semaphore_mem>>)
      %dma_wait3A = arith.constant 640 : i32
      %dma_wait3A_187 = tpu.memref_slice %arg7[%dma_wait3A] : memref<768xf32, #tpu.memory_space<vmem>> -> memref<128xf32, #tpu.memory_space<vmem>>
      %dma_wait3A_188 = arith.constant 0 : i32
      %dma_wait3A_189 = tpu.memref_slice %arg4[%run_scoped3A_175, %add3A, %dma_wait3A_188] : memref<6x32x128xf32, #tpu.memory_space<hbm>> -> memref<1x1x128xf32, #tpu.memory_space<hbm>>
      %dma_wait3A_190 = tpu.memref_squeeze %dma_wait3A_189 : memref<1x1x128xf32, #tpu.memory_space<hbm>> -> memref<128xf32, #tpu.memory_space<hbm>>
      %dma_wait3A_191 = arith.constant 0 : i32
      %dma_wait3A_192 = tpu.memref_slice %arg4[%run_scoped3A_175, %add3A, %dma_wait3A_191] : memref<6x32x128xf32, #tpu.memory_space<hbm>> -> memref<1x1x128xf32, #tpu.memory_space<hbm>>
      %dma_wait3A_193 = tpu.memref_squeeze %dma_wait3A_192 : memref<1x1x128xf32, #tpu.memory_space<hbm>> -> memref<128xf32, #tpu.memory_space<hbm>>
      %dma_wait3A_194 = arith.constant 640 : i32
      %dma_wait3A_195 = tpu.memref_slice %arg7[%dma_wait3A_194] : memref<768xf32, #tpu.memory_space<vmem>> -> memref<128xf32, #tpu.memory_space<vmem>>
      tpu.wait_dma2 semaphore(%run_scoped3A_176 : memref<!tpu.dma_semaphore, #tpu.memory_space<semaphore_mem>>) src(%dma_wait3A_195 : memref<128xf32, #tpu.memory_space<vmem>>) dst(%dma_wait3A_193 : memref<128xf32, #tpu.memory_space<hbm>>)
      tpu.yield
    }) : () -> ()
    return
  }
}

module attributes {stable_mosaic.version = 14 : i64} {
  func.func @loss_kernel(%arg0: memref<192x128xf32, #tpu.memory_space<vmem>>, %arg1: memref<1x1xf32, #tpu.memory_space<vmem>>) attributes {dimension_semantics = [], scalar_prefetch = 0 : i64, scratch_operands = 0 : i64, tpu.core_type = #tpu.core_type<tc>} {
    %get3A = arith.constant 0 : index
    %get3A_0 = arith.constant 0 : index
    %get3A_1 = vector.load %arg0[%get3A, %get3A_0] : memref<192x128xf32, #tpu.memory_space<vmem>>, vector<192x128xf32>
    %slice3A = vector.extract_strided_slice %get3A_1 {offsets = [0, 0], sizes = [32, 128], strides = [1, 1]} : vector<192x128xf32> to vector<32x128xf32>
    %reduce_sum3A = arith.constant dense<0.000000e+00> : vector<128xf32>
    %reduce_sum3A_2 = vector.multi_reduction <add>, %slice3A, %reduce_sum3A [0] : vector<32x128xf32> to vector<128xf32>
    %broadcast_in_dim3A = vector.shape_cast %reduce_sum3A_2 : vector<128xf32> to vector<1x128xf32>
    %slice3A_3 = vector.extract_strided_slice %get3A_1 {offsets = [32, 0], sizes = [32, 128], strides = [1, 1]} : vector<192x128xf32> to vector<32x128xf32>
    %reduce_sum3A_4 = arith.constant dense<0.000000e+00> : vector<128xf32>
    %reduce_sum3A_5 = vector.multi_reduction <add>, %slice3A_3, %reduce_sum3A_4 [0] : vector<32x128xf32> to vector<128xf32>
    %broadcast_in_dim3A_6 = vector.shape_cast %reduce_sum3A_5 : vector<128xf32> to vector<1x128xf32>
    %slice3A_7 = vector.extract_strided_slice %get3A_1 {offsets = [64, 0], sizes = [32, 128], strides = [1, 1]} : vector<192x128xf32> to vector<32x128xf32>
    %reduce_sum3A_8 = arith.constant dense<0.000000e+00> : vector<128xf32>
    %reduce_sum3A_9 = vector.multi_reduction <add>, %slice3A_7, %reduce_sum3A_8 [0] : vector<32x128xf32> to vector<128xf32>
    %broadcast_in_dim3A_10 = vector.shape_cast %reduce_sum3A_9 : vector<128xf32> to vector<1x128xf32>
    %slice3A_11 = vector.extract_strided_slice %get3A_1 {offsets = [96, 0], sizes = [32, 128], strides = [1, 1]} : vector<192x128xf32> to vector<32x128xf32>
    %reduce_sum3A_12 = arith.constant dense<0.000000e+00> : vector<128xf32>
    %reduce_sum3A_13 = vector.multi_reduction <add>, %slice3A_11, %reduce_sum3A_12 [0] : vector<32x128xf32> to vector<128xf32>
    %broadcast_in_dim3A_14 = vector.shape_cast %reduce_sum3A_13 : vector<128xf32> to vector<1x128xf32>
    %slice3A_15 = vector.extract_strided_slice %get3A_1 {offsets = [128, 0], sizes = [32, 128], strides = [1, 1]} : vector<192x128xf32> to vector<32x128xf32>
    %reduce_sum3A_16 = arith.constant dense<0.000000e+00> : vector<128xf32>
    %reduce_sum3A_17 = vector.multi_reduction <add>, %slice3A_15, %reduce_sum3A_16 [0] : vector<32x128xf32> to vector<128xf32>
    %broadcast_in_dim3A_18 = vector.shape_cast %reduce_sum3A_17 : vector<128xf32> to vector<1x128xf32>
    %slice3A_19 = vector.extract_strided_slice %get3A_1 {offsets = [160, 0], sizes = [32, 128], strides = [1, 1]} : vector<192x128xf32> to vector<32x128xf32>
    %reduce_sum3A_20 = arith.constant dense<0.000000e+00> : vector<128xf32>
    %reduce_sum3A_21 = vector.multi_reduction <add>, %slice3A_19, %reduce_sum3A_20 [0] : vector<32x128xf32> to vector<128xf32>
    %broadcast_in_dim3A_22 = vector.shape_cast %reduce_sum3A_21 : vector<128xf32> to vector<1x128xf32>
    %concatenate3A = tpu.concatenate %broadcast_in_dim3A, %broadcast_in_dim3A_6, %broadcast_in_dim3A_10, %broadcast_in_dim3A_14, %broadcast_in_dim3A_18, %broadcast_in_dim3A_22 in 0 : vector<1x128xf32>, vector<1x128xf32>, vector<1x128xf32>, vector<1x128xf32>, vector<1x128xf32>, vector<1x128xf32> -> vector<6x128xf32>
    %iota3A = tpu.iota {dimensions = array<i32: 0>} : vector<128x128xi32>
    %iota3A_23 = tpu.iota {dimensions = array<i32: 1>} : vector<128x128xi32>
    %le3A = arith.cmpi sle, %iota3A, %iota3A_23 : vector<128x128xi32>
    %convert_element_type3A = arith.extui %le3A : vector<128x128xi1> to vector<128x128xi32>
    %convert_element_type3A_24 = arith.sitofp %convert_element_type3A : vector<128x128xi32> to vector<128x128xf32>
    %dot_general3A = arith.constant dense<0.000000e+00> : vector<6x128xf32>
    %dot_general3A_25 = tpu.matmul %concatenate3A, %convert_element_type3A_24, %dot_general3A {dimension_numbers = #tpu.dot_dimension_numbers<[1], [0], [0], [1], [0, 0, 1, 1], [], []>, precision = #tpu.contract_precision<fp32>, transpose_lhs_hint = false} : vector<6x128xf32>, vector<128x128xf32>, vector<6x128xf32> -> vector<6x128xf32>
    %reduce_sum3A_26 = arith.constant dense<0.000000e+00> : vector<6xf32>
    %reduce_sum3A_27 = vector.multi_reduction <add>, %concatenate3A, %reduce_sum3A_26 [1] : vector<6x128xf32> to vector<6xf32>
    %broadcast_in_dim3A_28 = vector.shape_cast %reduce_sum3A_27 : vector<6xf32> to vector<6x1xf32>
    %div3A = vector.broadcast %broadcast_in_dim3A_28 : vector<6x1xf32> to vector<6x128xf32>
    %div3A_29 = arith.divf %dot_general3A_25, %div3A : vector<6x128xf32>
    %slice3A_30 = vector.extract_strided_slice %div3A_29 {offsets = [0, 0], sizes = [3, 128], strides = [1, 1]} : vector<6x128xf32> to vector<3x128xf32>
    %slice3A_31 = vector.extract_strided_slice %div3A_29 {offsets = [3, 0], sizes = [3, 128], strides = [1, 1]} : vector<6x128xf32> to vector<3x128xf32>
    %sub3A = arith.subf %slice3A_30, %slice3A_31 : vector<3x128xf32>
    %abs3A = math.absf %sub3A : vector<3x128xf32>
    %reduce_sum3A_32 = vector.shape_cast %abs3A : vector<3x128xf32> to vector<1x3x128xf32>
    %reduce_sum3A_33 = arith.constant dense<0.000000e+00> : vector<1xf32>
    %reduce_sum3A_34 = vector.multi_reduction <add>, %reduce_sum3A_32, %reduce_sum3A_33 [1, 2] : vector<1x3x128xf32> to vector<1xf32>
    %reduce_sum3A_35 = vector.shape_cast %reduce_sum3A_34 : vector<1xf32> to vector<1x1x1xf32>
    %reduce_sum3A_36 = vector.extract %reduce_sum3A_35[0, 0, 0] : f32 from vector<1x1x1xf32>
    %mul3A = arith.constant 0.00520833349 : f32
    %mul3A_37 = arith.mulf %reduce_sum3A_36, %mul3A : f32
    %reshape3A = vector.broadcast %mul3A_37 : f32 to vector<1x1xf32>
    %swap3A = arith.constant 0 : index
    %swap3A_38 = arith.constant 0 : index
    %swap3A_39 = vector.load %arg1[%swap3A, %swap3A_38] : memref<1x1xf32, #tpu.memory_space<vmem>>, vector<1x1xf32>
    tpu.vector_store %arg1[%swap3A, %swap3A_38], %reshape3A {strides = array<i32>} : memref<1x1xf32, #tpu.memory_space<vmem>>, vector<1x1xf32>,
    return
  }
}

</mosaic_0001>

<sc_bundles>
// kernel: kernel.4.cloned.1.call-start
scs
__scs_entry_jumppad:
0x0: {  	(pc) =	sbr.rel $0x88, $3  }
0x1: {  	(tag) =	ssettag $0x0;
	lr =	simm.s32 $0x1  }
0x2: {  	[smem:$0x3F9F] =	sst lr;
	_ =	strace $0xD0000000  }
0x3: {  	_ = 	snop  }
0x4: {  	_ = 	snop  }
0x5: {  	_ = 	snop  }
0x6: {  	_ = 	snop  }
0x7: {  	_ = 	snop  }
__scs_overlays_trampoline_lowered:
0x8: {  	[smem:$0x3FAE] =	sst s0  }
0x9: {  	[smem:$0x3FAF] =	sst s1  }
0xa: {  	[smem:$0x3FB0] =	sst s2  }
0xb: {  	[smem:$0x3FB1] =	sst s3  }
0xc: {  	[smem:$0x3FB2] =	sst s4  }
0xd: {  	[smem:$0x3FB3] =	sst s5  }
0xe: {  	[smem:$0x3FB4] =	sst s6  }
0xf: {  	[smem:$0x3FB5] =	sst s7  }
0x10: {  	[smem:$0x3FB6] =	sst s8  }
0x11: {  	[smem:$0x3FB7] =	sst s9;
	s0 =	simm.s32 @!p0 $0x0  }
0x12: {  	s1 =	sld [smem:$0x3F9D];
	s0 =	simm.s32 @p0 $0x1  }
0x13: {  	[smem:$0x3FB8] =	sst s0;
	s0 =	simm.s32 @!p1 $0x0  }
0x14: {  	s2 =	sld [smem:$0x3F9C];
	s0 =	simm.s32 @p1 $0x1  }
0x15: {  	[smem:$0x3FB9] =	sst s0;
	s0 =	simm.s32 @!p2 $0x0  }
0x16: {  	s3 =	sld [smem:$0x3FDB];
	s0 =	simm.s32 @p2 $0x1  }
0x17: {  	s4 =	simm.s32 $0x1BF5;
	[smem:$0x3FBB] =	sst s0  }
0x18: {  	s0 =	sld [smem:$0x3F9E];
	_ =	swait.ge [sflag:s4], $0x0  }
0x19: {  	s7 =	sld [smem:$0x3F9F]  }
0x1a: {  	s8 =	sadd.s32 $0xFFFFE003, lr  }
0x1b: {  	s9 =	sadd.s32 $0xFFFFFEF7, lr;
	s5 =	simm.s32 $0xFFFFFFFF;
	p2 =	slt.u32 s8, $0xFFFFF086  }
0x1c: {  	p1 =	slt.u32 s9, $0xF7A;
	s5 =	simm.s32 @!p2 $0x0  }
0x1d: {  	s5 =	simm.s32 @p1 $0x1;
	p0 =	seq.s32 s7, s2  }
0x1e: {  	s7 =	smul.u32 @!p0 $0xF7A, s2;
	p2 =	seq.s32 @!p0 s5, $0x0  }
0x1f: {  	s9 =	smul.u32 $0xF7A, s1;
	s8 =	simm.s32 @!p0 $0x1BF5;
	p2 =	por !p2, p0  }
0x20: {  	[sflag:s8] =	ssyncset.s32 @!p0 $0xFFFFF086;
	s6 =	sadd.s32 @!p0 s3, s7;
	s7 =	simm.s32 @!p0 $0x108  }
0x21: {  	s3 =	sadd.s32 s3, s9;
	s6 =	sadd.s32 @!p0 $0x88, s6;
	s7 =	simm.s32 @p2 $0x1082  }
0x22: {  	[simem:s7], [sflag:s8] =	dma.local @!p0 [hbm:s6], $0xF7A  }
0x23: {  	s9 =	sor.u32 $0xD0000000, s2;
	s6 =	simm.s32 $0x108;
	_ =	swait.ge @!p0 [sflag:s8], $0x0  }
0x24: {  	s3 =	sadd.s32 $0x88, s3;
	s6 =	simm.s32 @!p1 $0x1082;
	[sflag:s4] =	ssyncset.s32 $0xFFFFF086  }
0x25: {  	[simem:s6], [sflag:s4] =	dma.local [hbm:s3], $0xF7A  }
0x26: {  	[smem:$0x3F9F] =	sst s1;
	(tag) =	ssettag s2;
	_ =	strace s9  }
0x27: {  	s1 =	sld [smem:$0x3FAF]  }
0x28: {  	s2 =	sld [smem:$0x3FB0]  }
0x29: {  	s4 =	sld [smem:$0x3FB2]  }
0x2a: {  	p0 =	seq.s32 s5, $0x0;
	s5 =	sld [smem:$0x3FB3]  }
0x2b: {  	s6 =	sld [smem:$0x3FB4]  }
0x2c: {  	s7 =	sld [smem:$0x3FB5]  }
0x2d: {  	s3 =	simm.s32 $0x108;
	s8 =	sld [smem:$0x3FB6]  }
0x2e: {  	s3 =	simm.s32 @!p0 $0x1082;
	s9 =	sld [smem:$0x3FB7]  }
0x2f: {  	lr =	sadd.s32 s0, s3;
	s0 =	sld [smem:$0x3FAE]  }
0x30: {  	s3 =	sld [smem:$0x3FB1]  }
0x31: {  	[smem:$0x3FBA] =	sst s10  }
0x32: {  	s10 =	sld [smem:$0x3FB8];
	_ =	sdelay $0x3  }
0x33: {  	p0 =	seq.s32 s10, $0x1;
	s10 =	sld [smem:$0x3FBA];
	_ =	sdelay $0x3  }
0x34: {  	[smem:$0x3FBA] =	sst s10  }
0x35: {  	s10 =	sld [smem:$0x3FB9];
	_ =	sdelay $0x3  }
0x36: {  	p1 =	seq.s32 s10, $0x1;
	s10 =	sld [smem:$0x3FBA];
	_ =	sdelay $0x3  }
0x37: {  	[smem:$0x3FBA] =	sst s10  }
0x38: {  	s10 =	sld [smem:$0x3FBB]  }
0x39: {  	_ = 	snop;
	(pc) =	sbr.ind lr, $3  }
0x3a: {  	_ = 	snop  }
0x3b: {  	_ = 	snop  }
0x3c: {  	p2 =	seq.s32 s10, $0x1;
	s10 =	sld [smem:$0x3FBA]  }
0x3d: {  	_ =	shalt  }
0x3e: {  	_ =	shalt  }
0x3f: {  	_ =	shalt  }
0x40: {  	_ =	shalt  }
0x41: {  	_ =	shalt  }
0x42: {  	_ =	shalt  }
0x43: {  	_ =	shalt  }
0x44: {  	_ =	shalt  }
0x45: {  	_ =	shalt  }
0x46: {  	_ =	shalt  }
0x47: {  	_ =	shalt  }
0x48: {  	_ =	shalt  }
0x49: {  	_ =	shalt  }
0x4a: {  	_ =	shalt  }
0x4b: {  	_ =	shalt  }
0x4c: {  	_ =	shalt  }
0x4d: {  	_ =	shalt  }
0x4e: {  	_ =	shalt  }
0x4f: {  	_ =	shalt  }
0x50: {  	_ =	shalt  }
0x51: {  	_ =	shalt  }
0x52: {  	_ =	shalt  }
0x53: {  	_ =	shalt  }
0x54: {  	_ =	shalt  }
0x55: {  	_ =	shalt  }
0x56: {  	_ =	shalt  }
0x57: {  	_ =	shalt  }
0x58: {  	_ =	shalt  }
0x59: {  	_ =	shalt  }
0x5a: {  	_ =	shalt  }
0x5b: {  	_ =	shalt  }
0x5c: {  	_ =	shalt  }
0x5d: {  	_ =	shalt  }
0x5e: {  	_ =	shalt  }
0x5f: {  	_ =	shalt  }
0x60: {  	_ =	shalt  }
0x61: {  	_ =	shalt  }
0x62: {  	_ =	shalt  }
0x63: {  	_ =	shalt  }
0x64: {  	_ =	shalt  }
0x65: {  	_ =	shalt  }
0x66: {  	_ =	shalt  }
0x67: {  	_ =	shalt  }
0x68: {  	_ =	shalt  }
0x69: {  	_ =	shalt  }
0x6a: {  	_ =	shalt  }
0x6b: {  	_ =	shalt  }
0x6c: {  	_ =	shalt  }
0x6d: {  	_ =	shalt  }
0x6e: {  	_ =	shalt  }
0x6f: {  	_ =	shalt  }
0x70: {  	_ =	shalt  }
0x71: {  	_ =	shalt  }
0x72: {  	_ =	shalt  }
0x73: {  	_ =	shalt  }
0x74: {  	_ =	shalt  }
0x75: {  	_ =	shalt  }
0x76: {  	_ =	shalt  }
0x77: {  	_ =	shalt  }
0x78: {  	_ =	shalt  }
0x79: {  	_ =	shalt  }
0x7a: {  	_ =	shalt  }
0x7b: {  	_ =	shalt  }
0x7c: {  	_ =	shalt  }
0x7d: {  	_ =	shalt  }
0x7e: {  	_ =	shalt  }
0x7f: {  	_ =	shalt  }
0x80: {  	_ =	shalt  }
0x81: {  	_ =	shalt  }
0x82: {  	_ =	shalt  }
0x83: {  	_ =	shalt  }
0x84: {  	_ =	shalt  }
0x85: {  	_ =	shalt  }
0x86: {  	_ =	shalt  }
0x87: {  	_ =	shalt  }
.Lfunc_end0:
.L_simem_size_0:
called_computation_lowered:
.L_overlay_start_0:
0x88: {  	s2 =	sld [smem:$0x3FD9]  }
0x89: {  	s3 =	sld [smem:$0x3FFE];
	_ =	sdelay $0x1  }
0x8a: {  	s1 =	srdreg.scid  }
0x8b: {  	s0 =	sand.u32 $0x1, s1  }
0x8c: {  	s17 =	sshll.u32 s0, $0xA;
	s2 =	sadd.s32 s3, s2  }
0x8d: {  	s2 =	sadd.s32 s2, s17  }
0x8e: {  	[smem:$0x3FC6] =	sst s2  }
0x8f: {  	_ = 	snop  }
0x90: {  	s2 =	sld [smem:$0x3FC9]  }
0x91: {  	s18 =	sld [smem:$0x3FC8];
	(tm) =	ssettm $0x1  }
0x92: {  	s4 =	sld [smem:$0x3FFB];
	_ =	sdelay $0x3  }
0x93: {  	_ =	strace s4  }
0x94: {  	s4 =	sld [smem:$0x3FFC];
	_ =	sdelay $0x3  }
0x95: {  	_ =	strace s4  }
0x96: {  	s4 =	sld [smem:$0x3FFD];
	_ =	sdelay $0x3  }
0x97: {  	_ =	strace s4  }
0x98: {  	_ =	strace $0x8FFFFFFF  }
0x99: {  	s19 =	sld [smem:$0x3FDB];
	_ =	sdelay $0x1  }
0x9a: {  	s5 =	simm.s32 $_scs_section_size  }
0x9b: {  	s6 =	simm.s32 $_size__tile_overlayer_lowered;
	s7 =	simm.s32 $_tile_overlayer_lowered  }
0x9c: {  	s22 =	simm.s32 $0x1BFF;
	s21 =	sshll.u32 s7, $0x1;
	s4 =	sadd.s32 s5, s19  }
0x9d: {  	s8 =	simm.s32 $0x0;
	s20 =	sshll.u32 s6, $0x1;
	s6 =	sadd.s32 s21, s4  }
0x9e: {  	[timem:s8], [sflag:s22] =	dma.local [hbm:s6], s20  }
0x9f: {  	_ =	swait.ge [sflag:s22], s20  }
0xa0: {  	s5 =	ssub.s32 $0x0, s20;
	[sflag:s22] =	ssyncset.done $0x0  }
0xa1: {  	[sflag:s22] =	ssyncadd.s32 s5;
	_ =	sdelay $0x1  }
0xa2: {  	s23 =	simm.s32 $0x1B8B  }
0xa3: {  	_ =	swait.ge [sflag:s23], $0x1  }
0xa4: {  	[sflag:s23] =	ssyncset.done $0x0  }
0xa5: {  	s25 =	simm.s32 $0x1B8E;
	s24 =	sld [smem:$0x3FFE];
	[sflag:s23] =	ssyncadd.s32 $0xFFFFFFFF  }
0xa6: {  	s26 =	simm.s32 $execute0_lowered;
	[smem:$0x3FD2] =	sst s25  }
0xa7: {  	s6 =	sshll.u32 s26, $0x1;
	_ =	strace $0x80000046;
	[dreg:$0x1] =	wrdreg $0xFFFFFFFF  }
0xa8: {  	s28 =	simm.s32 $_size_execute0_lowered;
	s4 =	sadd.s32 s4, s6;
	[dreg:$0x0] =	wrdreg $0x0  }
0xa9: {  	s6 =	sshll.u32 s28, $0x1;
	[dreg:$0x2] =	wrdreg s4  }
0xaa: {  	[dreg:$0x3] =	wrdreg s6  }
0xab: {  	[dreg:$0x4] =	wrdreg $0xC0  }
0xac: {  	_ =	task [dreg:s8], $0x5FFFF  }
0xad: {  	[dreg:$0x1] =	wrdreg $0xFFFFFFFF  }
0xae: {  	[dreg:$0x0] =	wrdreg $0x60  }
0xaf: {  	[dreg:$0x2] =	wrdreg s2  }
0xb0: {  	[dreg:$0x3] =	wrdreg s18  }
0xb1: {  	[dreg:$0x4] =	wrdreg s24  }
0xb2: {  	[dreg:$0x5] =	wrdreg $0x9  }
0xb3: {  	_ =	task.clear_ibuf [dreg:s8], $0x6FFFF;
	_ =	strace $0x90000046  }
0xb4: {  	s29 =	simm.s32 $0x9;
	_ =	strace $0x80000048  }
0xb5: {  	_ =	swait.ge [sflag:s29], $0x1  }
0xb6: {  	[sflag:s29] =	ssyncadd.s32 $0xFFFFFFFF  }
0xb7: {  	_ =	strace $0x90000048  }
0xb8: {  	_ =	sfence  }
0xb9: {  	s30 =	sld [smem:$0x0];
	_ =	sdelay $0x2  }
0xba: {  	s31 =	sshll.u32 s1, $0xD;
	s1 =	sshrl.u32 s1, $0x2  }
0xbb: {  	s3 =	sand.u32 $0x4000, s31;
	s1 =	sadd.s32 s1, s30  }
0xbc: {  	s0 =	sor.u32 s3, s0;
	s1 =	sshll.u32 s1, $0x11  }
0xbd: {  	s0 =	sor.u32 s1, s0  }
0xbe: {  	s0 =	sadd.s32 $0x8F2B, s0  }
0xbf: {  	[sflag:s0] =	ssyncadd.remote.s32 $0x1  }
0xc0: {  	_ =	sfence.sel $0xFFFF  }
0xc1: {  	[dreg:$0x0] =	wrdreg $0xFFFFFFFF;
	(pc) =	sbr.abs _section_cstart, $3  }
0xc2: {  	[dreg:$0x1] =	wrdreg $0xFFFFFFFF  }
0xc3: {  	_ =	task.clear_ibuf [dreg:s8], $0x2FFFF;
	_ =	strace $0x9FFFFFFF  }
0xc4: {  	(tm) =	ssettm $0x7FFFFFFF  }
0xc5: {  	_ =	shalt  }
tec
execute0_lowered:
.L_overlay_start_1:
0x0: {  	(tag) =	ssettag $0x1  }
0x1: {  	s1 =	rddreg [dreg:$0x0]  }
0x2: {  	s3 =	rddreg [dreg:$0x1];
	s0 =	srdreg.scid  }
0x3: {  	s4 =	stileid.u32;
	s2 =	rddreg [dreg:$0x2]  }
0x4: {  	s28 =	simm.s32 $0x2;
	s29 =	simm.s32 $0x9900;
	s30 =	simm.s32 $0x3  }
0x5: {  	s0 =	sand.u32 $0x1, s0;
	s5 =	sshll.u32 s4, $0x1;
	s4 =	simm.s32 $0x0  }
0x6: {  	s6 =	sor.u32 s0, s5;
	[smem:$0x7FF] =	sst s4;
	s0 =	ssub.s32 $0x2, s0  }
0x7: {  	s5 =	smul.u32 $0xC0000, s6;
	s6 =	sshll.u32 s6, $0x4;
	s22 =	sshrl.u32 s0, $0x1  }
0x8: {  	_ =	strace $0x80000047;
	s2 =	sadd.s32 s6, s2;
	s0 =	ssub.s32 s0, s22  }
0x9: {  	s10 =	sshrl.u32 s5, $0x3;
	s7 =	sadd.s32 $0x40000, s5;
	s8 =	sor.u32 $0x8000, s5  }
0xa: {  	s9 =	sadd.s32 $0x80000, s5;
	s26 =	sadd.s32 $0x600, s2;
	s31 =	sadd.s32 $0x800, s2  }
0xb: {  	s19 =	sadd.s32 $0xA00, s2;
	s20 =	sadd.s32 $0xC00, s2;
	s21 =	sadd.s32 $0xE00, s2  }
0xc: {  	s22 =	sadd.s32 $0x1000, s2;
	s23 =	sadd.s32 s1, s10;
	[dreg:$0xa] =	wrdreg s26  }
0xd: {  	s24 =	sshrl.u32 s7, $0x3;
	s12 =	sshrl.u32 s9, $0x3;
	[dreg:$0xb] =	wrdreg s31  }
0xe: {  	s10 =	sadd.s32 s3, s10;
	s26 =	simm.s32 $0x8000;
	[dreg:$0x4] =	wrdreg s23  }
0xf: {  	s11 =	sadd.s32 s1, s24;
	s13 =	sadd.s32 s1, s12;
	[dreg:$0x7] =	wrdreg s10  }
0x10: {  	v0 =	vlaneseq.u32;
	s6 =	sadd.s32 s3, s24;
	s25 =	sadd.s32 s3, s12;
	[dreg:$0x5] =	wrdreg s11  }
0x11: {  	v0 =	vmul.u32 $0x189, v0;
	s23 =	smax.u32 s0, $0x1;
	s24 =	simm.s32 $0x4000;
	[dreg:$0x6] =	wrdreg s13  }
0x12: {  	s0 =	simm.s32 $0x0;
	s11 =	sadd.s32 $0x48000, s5;
	[dreg:$0x8] =	wrdreg s6  }
0x13: {  	v1 =	vimm.f32 $0.0e+00;
	v3 =	vimm.f32 $1.000000000e+00;
	v2 =	vor.u32 $0xB5000000, v0;
	s13 =	sadd.s32 $0x88000, s5;
	[dreg:$0x9] =	wrdreg s25;
	s25 =	simm.s32 $0x1  }
.LBB2_1:
0x14: {  	s2 =	simm.s32 $0x40;
	s6 =	simm.s32 $0x0  }
.LBB2_2:
0x15: {  	p0 =	sne.s32 s2, $0x6200;
	[tilespmem:s6+$0x8000] =	vst v1;
	s6 =	smov.u32 s2;
	s2 =	sadd.s32 $0x40, s2  }
.Ltmp0:
0x16: {  	(pc) =	sbr.rel @p0 .LBB2_2-.Ltmp0, $2  }
0x17: {  	_ =	sdelay $0x2  }
0x18: {  	s6 =	sshra.s32 s6, $0x2  }
0x19: {  	[tilespmem:s6+$0x8000] =	vst v1  }
0x1a: {  	[tilespmem:$0x9900] =	vst v1  }
0x1b: {  	[tilespmem:$0x9910] =	vst v1  }
0x1c: {  	[tilespmem:$0x9920] =	vst v1  }
0x1d: {  	[tilespmem:$0x9930] =	vst v1  }
0x1e: {  	[tilespmem:$0x9940] =	vst v1  }
0x1f: {  	[tilespmem:$0x9950] =	vst v1  }
0x20: {  	[tilespmem:$0x9960] =	vst v1  }
0x21: {  	[tilespmem:$0x9970] =	vst v1  }
0x22: {  	[tilespmem:$0x9980] =	vst v1  }
0x23: {  	[tilespmem:$0x9990] =	vst v1  }
0x24: {  	[tilespmem:$0x99A0] =	vst v1  }
0x25: {  	[tilespmem:$0x99B0] =	vst v1  }
0x26: {  	[tilespmem:$0x99C0] =	vst v1  }
0x27: {  	[tilespmem:$0x99D0] =	vst v1  }
0x28: {  	[tilespmem:$0x99E0] =	vst v1  }
0x29: {  	[tilespmem:$0x99F0] =	vst v1  }
0x2a: {  	[tilespmem:$0x9A00] =	vst v1  }
0x2b: {  	[tilespmem:$0x9A10] =	vst v1  }
0x2c: {  	[tilespmem:$0x9A20] =	vst v1  }
0x2d: {  	[tilespmem:$0x9A30] =	vst v1  }
0x2e: {  	[tilespmem:$0x9A40] =	vst v1  }
0x2f: {  	[tilespmem:$0x9A50] =	vst v1  }
0x30: {  	[tilespmem:$0x9A60] =	vst v1  }
0x31: {  	[tilespmem:$0x9A70] =	vst v1  }
0x32: {  	[tilespmem:$0x9A80] =	vst v1  }
0x33: {  	[tilespmem:$0x9A90] =	vst v1  }
0x34: {  	[tilespmem:$0x9AA0] =	vst v1  }
0x35: {  	[tilespmem:$0x9AB0] =	vst v1  }
0x36: {  	[tilespmem:$0x9AC0] =	vst v1  }
0x37: {  	[tilespmem:$0x9AD0] =	vst v1  }
0x38: {  	[tilespmem:$0x9AE0] =	vst v1  }
0x39: {  	[tilespmem:$0x9AF0] =	vst v1  }
0x3a: {  	[tilespmem:$0x9B00] =	vst v1  }
0x3b: {  	[tilespmem:$0x9B10] =	vst v1  }
0x3c: {  	[tilespmem:$0x9B20] =	vst v1  }
0x3d: {  	[tilespmem:$0x9B30] =	vst v1  }
0x3e: {  	[tilespmem:$0x9B40] =	vst v1  }
0x3f: {  	[tilespmem:$0x9B50] =	vst v1  }
0x40: {  	[tilespmem:$0x9B60] =	vst v1  }
0x41: {  	[tilespmem:$0x9B70] =	vst v1  }
0x42: {  	[tilespmem:$0x9B80] =	vst v1  }
0x43: {  	[tilespmem:$0x9B90] =	vst v1  }
0x44: {  	[tilespmem:$0x9BA0] =	vst v1  }
0x45: {  	[tilespmem:$0x9BB0] =	vst v1  }
0x46: {  	[tilespmem:$0x9BC0] =	vst v1  }
0x47: {  	[tilespmem:$0x9BD0] =	vst v1  }
0x48: {  	[tilespmem:$0x9BE0] =	vst v1  }
0x49: {  	s31 =	simm.s32 $0x0;
	s2 =	rddreg [dreg:$0x4];
	[tilespmem:$0x9BF0] =	vst v1  }
0x4a: {  	[tilespmem:s31], [sflag:$0x1] =	stream.linear.gather [hbm4b:s2+s31], $0x4000, $0x38;
	[tilespmem:$0x9C00] =	vst v63  }
0x4b: {  	s2 =	simm.s32 $0x0  }
.LBB2_4:
0x4c: {  	s6 =	sshll.u32 s2, $0xF  }
0x4d: {  	s10 =	sor.u32 s6, s5  }
0x4e: {  	s10 =	sshrl.u32 s10, $0x3  }
0x4f: {  	s10 =	sadd.s32 s10, s1  }
0x50: {  	s10 =	sadd.s32 $0x800, s10  }
0x51: {  	[tilespmem:s24], [sflag:$0x2] =	stream.linear.gather [hbm4b:s10+s31], $0x4000, $0x38;
	[tilespmem:$0x9C00] =	vst v63  }
0x52: {  	s15 =	sand.u32 $0x3000, s31;
	s12 =	sand.u32 $0xC00, s31;
	_ =	swait.ge [sflag:s25], $0x4000  }
0x53: {  	s14 =	sand.u32 $0x380, s31;
	s10 =	sor.u32 s12, s15;
	[sflag:s25] =	ssyncset.done $0x0  }
0x54: {  	s10 =	sor.u32 s14, s10;
	[sflag:s25] =	ssyncadd.s32 $0xFFFFC000  }
0x55: {  	v4 =	vld [tilespmem:s10+$0x70]  }
0x56: {  	v5 =	vld [tilespmem:s10+$0x0]  }
0x57: {  	v6 =	vld [tilespmem:s10+$0x10]  }
0x58: {  	v7 =	vld [tilespmem:s10+$0x20]  }
0x59: {  	v8 =	vld [tilespmem:s10+$0x30]  }
0x5a: {  	v9 =	vld [tilespmem:s10+$0x40]  }
0x5b: {  	v10 =	vld [tilespmem:s10+$0x50]  }
0x5c: {  	v11 =	vld [tilespmem:s10+$0x60]  }
0x5d: {  	s16 =	simm.s32 $0x400;
	s17 =	simm.s32 $0x80;
	v4 =	vmul.f32 $3.200000000e+01, v4;
	v5 =	vmul.f32 $3.200000000e+01, v5  }
0x5e: {  	s18 =	simm.s32 $0x20;
	s12 =	sand.u32 $0x3000, s17;
	s10 =	sand.u32 $0xC00, s16;
	v6 =	vmul.f32 $3.200000000e+01, v6;
	v7 =	vmul.f32 $3.200000000e+01, v7  }
0x5f: {  	s14 =	sand.u32 $0x380, s18;
	s10 =	sor.u32 s10, s12;
	v8 =	vmul.f32 $3.200000000e+01, v8;
	v9 =	vmul.f32 $3.200000000e+01, v9  }
0x60: {  	s10 =	sor.u32 s14, s10;
	v10 =	vmul.f32 $3.200000000e+01, v10;
	v4 =	vadd.f32 $3.250000000e+01, v4;
	v5 =	vadd.f32 $3.250000000e+01, v5  }
0x61: {  	v12 =	vld [tilespmem:s10+$0x70];
	v11 =	vmul.f32 $3.200000000e+01, v11;
	v6 =	vadd.f32 $3.250000000e+01, v6;
	v7 =	vadd.f32 $3.250000000e+01, v7  }
0x62: {  	v14 =	vld [tilespmem:s10+$0x10];
	v8 =	vadd.f32 $3.250000000e+01, v8;
	v9 =	vadd.f32 $3.250000000e+01, v9  }
0x63: {  	v10 =	vadd.f32 $3.250000000e+01, v10;
	v11 =	vadd.f32 $3.250000000e+01, v11  }
0x64: {  	v4 =	vadd.f32 $8.388608000e+06, v4;
	v5 =	vadd.f32 $8.388608000e+06, v5  }
0x65: {  	v6 =	vadd.f32 $8.388608000e+06, v6;
	v7 =	vadd.f32 $8.388608000e+06, v7  }
0x66: {  	v12 =	vmul.f32 $3.200000000e+01, v12;
	v8 =	vadd.f32 $8.388608000e+06, v8;
	v9 =	vadd.f32 $8.388608000e+06, v9  }
0x67: {  	v14 =	vmul.f32 $3.200000000e+01, v14;
	v10 =	vadd.f32 $8.388608000e+06, v10;
	v11 =	vadd.f32 $8.388608000e+06, v11  }
0x68: {  	v13 =	vld [tilespmem:s10+$0x0];
	v12 =	vadd.f32 $3.250000000e+01, v12;
	v4 =	vmax.f32 v4, $8.388608000e+06;
	v5 =	vmax.f32 v5, $8.388608000e+06  }
0x69: {  	v6 =	vmax.f32 v6, $8.388608000e+06;
	v7 =	vmax.f32 v7, $8.388608000e+06;
	v8 =	vmax.f32 v8, $8.388608000e+06  }
0x6a: {  	v9 =	vmax.f32 v9, $8.388608000e+06;
	v10 =	vmax.f32 v10, $8.388608000e+06;
	v11 =	vmax.f32 v11, $8.388608000e+06  }
0x6b: {  	v15 =	vld [tilespmem:s10+$0x20];
	v4 =	vmin.f32 v4, $8.388673000e+06;
	v5 =	vmin.f32 v5, $8.388673000e+06;
	v6 =	vmin.f32 v6, $8.388673000e+06  }
0x6c: {  	v16 =	vld [tilespmem:s10+$0x30];
	v7 =	vmin.f32 v7, $8.388673000e+06;
	v8 =	vmin.f32 v8, $8.388673000e+06;
	v4 =	vadd.s32 v2, v4  }
0x6d: {  	v9 =	vmin.f32 v9, $8.388673000e+06;
	v17 =	vadd.s32 v2, v5;
	v5 =	vmul.f32 $3.200000000e+01, v13  }
0x6e: {  	v10 =	vmin.f32 v10, $8.388673000e+06;
	v13 =	vld [tilespmem:s10+$0x40];
	v18 =	vadd.s32 v2, v6;
	v19 =	vadd.s32 v2, v7  }
0x6f: {  	v20 =	vld [tilespmem:s10+$0x50];
	v7 =	vadd.s32 v2, v8;
	v6 =	vadd.s32 v2, v9;
	v9 =	vadd.f32 $3.250000000e+01, v5  }
0x70: {  	v8 =	vld [tilespmem:s10+$0x60];
	v5 =	vadd.s32 v2, v10;
	v10 =	vmul.f32 $3.200000000e+01, v15;
	v15 =	vadd.f32 $8.388608000e+06, v12  }
0x71: {  	v16 =	vmul.f32 $3.200000000e+01, v16;
	v11 =	vmin.f32 v11, $8.388673000e+06;
	[tilespmem:v4+s26+$0x0] =	vst.idx.add.f32.msk $0xffff, v3  }
0x72: {  	v12 =	vadd.f32 $3.250000000e+01, v14;
	v15 =	vmax.f32 v15, $8.388608000e+06;
	v4 =	vadd.s32 v2, v11;
	[tilespmem:v17+s26+$0x0] =	vst.idx.add.f32.msk $0xffff, v3  }
0x73: {  	s15 =	simm.s32 $0x100;
	v11 =	vadd.f32 $8.388608000e+06, v9;
	v9 =	vadd.f32 $3.250000000e+01, v10;
	v14 =	vmul.f32 $3.200000000e+01, v13;
	[tilespmem:v18+s26+$0x0] =	vst.idx.add.f32.msk $0xffff, v3  }
0x74: {  	s12 =	simm.s32 $0x40;
	s14 =	simm.s32 $0x800;
	s10 =	simm.s32 $0x8;
	v10 =	vadd.f32 $3.250000000e+01, v16;
	v13 =	vmul.f32 $3.200000000e+01, v20;
	v15 =	vmin.f32 v15, $8.388673000e+06;
	[tilespmem:v19+s26+$0x0] =	vst.idx.add.f32.msk $0xffff, v3  }
.LBB2_5:
0x75: {  	s16 =	sand.u32 $0x3000, s15;
	s17 =	sand.u32 $0xC00, s14;
	s10 =	sadd.s32 $0x8, s10;
	v14 =	vadd.f32 $3.250000000e+01, v14;
	v8 =	vmul.f32 $3.200000000e+01, v8;
	v15 =	vadd.s32 v2, v15;
	[tilespmem:v7+s26+$0x0] =	vst.idx.add.f32.msk $0xffff, v3  }
0x76: {  	s18 =	sand.u32 $0x380, s12;
	v7 =	vmax.f32 v11, $8.388608000e+06;
	v11 =	vadd.f32 $8.388608000e+06, v12;
	s16 =	sor.u32 s17, s16;
	p0 =	slt.u32 s10, $0x3F8;
	v12 =	vadd.f32 $3.250000000e+01, v13;
	[tilespmem:v6+s26+$0x0] =	vst.idx.add.f32.msk $0xffff, v3  }
0x77: {  	v6 =	vmin.f32 v7, $8.388673000e+06;
	v7 =	vadd.f32 $8.388608000e+06, v9;
	s16 =	sor.u32 s18, s16;
	v8 =	vadd.f32 $3.250000000e+01, v8;
	[tilespmem:v5+s26+$0x0] =	vst.idx.add.f32.msk $0xffff, v3  }
0x78: {  	v10 =	vadd.f32 $8.388608000e+06, v10;
	v9 =	vmax.f32 v11, $8.388608000e+06;
	v11 =	vadd.f32 $8.388608000e+06, v14;
	v5 =	vld [tilespmem:s16+$0x70]  }
0x79: {  	v7 =	vmax.f32 v7, $8.388608000e+06;
	v12 =	vadd.f32 $8.388608000e+06, v12;
	v13 =	vld [tilespmem:s16+$0x0];
	v8 =	vadd.f32 $8.388608000e+06, v8  }
0x7a: {  	v9 =	vmin.f32 v9, $8.388673000e+06;
	v10 =	vmax.f32 v10, $8.388608000e+06;
	v11 =	vmax.f32 v11, $8.388608000e+06;
	[tilespmem:v15+s26+$0x0] =	vst.idx.add.f32.msk $0xffff, v3  }
0x7b: {  	v7 =	vmin.f32 v7, $8.388673000e+06;
	v12 =	vmax.f32 v12, $8.388608000e+06;
	v14 =	vld [tilespmem:s16+$0x10];
	v8 =	vmax.f32 v8, $8.388608000e+06  }
0x7c: {  	v10 =	vmin.f32 v10, $8.388673000e+06;
	v11 =	vmin.f32 v11, $8.388673000e+06;
	v12 =	vmin.f32 v12, $8.388673000e+06;
	v15 =	vld [tilespmem:s16+$0x20]  }
0x7d: {  	v17 =	vadd.s32 v2, v6;
	v18 =	vmin.f32 v8, $8.388673000e+06;
	v16 =	vld [tilespmem:s16+$0x30];
	v5 =	vmul.f32 $3.200000000e+01, v5  }
0x7e: {  	v19 =	vadd.s32 v2, v9;
	v20 =	vadd.s32 v2, v7;
	v8 =	vmul.f32 $3.200000000e+01, v13;
	v13 =	vld [tilespmem:s16+$0x40]  }
0x7f: {  	v7 =	vadd.s32 v2, v10;
	v6 =	vadd.s32 v2, v11;
	v21 =	vld [tilespmem:s16+$0x50];
	v9 =	vadd.f32 $3.250000000e+01, v5  }
.Ltmp1:
0x80: {  	v5 =	vadd.s32 v2, v12;
	v10 =	vadd.f32 $3.250000000e+01, v8;
	v14 =	vmul.f32 $3.200000000e+01, v14;
	v8 =	vld [tilespmem:s16+$0x60];
	(pc) =	sbr.rel @p0 .LBB2_5-.Ltmp1, $4  }
0x81: {  	v15 =	vmul.f32 $3.200000000e+01, v15;
	v22 =	vadd.f32 $8.388608000e+06, v9;
	[tilespmem:v4+s26+$0x0] =	vst.idx.add.f32.msk $0xffff, v3;
	v4 =	vadd.s32 v2, v18  }
0x82: {  	v11 =	vadd.f32 $8.388608000e+06, v10;
	v12 =	vadd.f32 $3.250000000e+01, v14;
	v10 =	vmul.f32 $3.200000000e+01, v16;
	[tilespmem:v17+s26+$0x0] =	vst.idx.add.f32.msk $0xffff, v3  }
0x83: {  	v9 =	vadd.f32 $3.250000000e+01, v15;
	v14 =	vmul.f32 $3.200000000e+01, v13;
	v15 =	vmax.f32 v22, $8.388608000e+06;
	[tilespmem:v19+s26+$0x0] =	vst.idx.add.f32.msk $0xffff, v3  }
0x84: {  	s12 =	sadd.s32 $0x20, s12;
	s14 =	sadd.s32 $0x400, s14;
	s15 =	sadd.s32 $0x80, s15;
	v10 =	vadd.f32 $3.250000000e+01, v10;
	v13 =	vmul.f32 $3.200000000e+01, v21;
	v15 =	vmin.f32 v15, $8.388673000e+06;
	[tilespmem:v20+s26+$0x0] =	vst.idx.add.f32.msk $0xffff, v3  }
0x85: {  	v14 =	vadd.f32 $3.250000000e+01, v14;
	v8 =	vmul.f32 $3.200000000e+01, v8  }
0x86: {  	v15 =	vadd.s32 v2, v15;
	v11 =	vmax.f32 v11, $8.388608000e+06;
	v12 =	vadd.f32 $8.388608000e+06, v12  }
0x87: {  	v9 =	vadd.f32 $8.388608000e+06, v9;
	v13 =	vadd.f32 $3.250000000e+01, v13;
	v11 =	vmin.f32 v11, $8.388673000e+06  }
0x88: {  	v10 =	vadd.f32 $8.388608000e+06, v10;
	v8 =	vadd.f32 $3.250000000e+01, v8;
	v12 =	vmax.f32 v12, $8.388608000e+06  }
0x89: {  	v14 =	vadd.f32 $8.388608000e+06, v14;
	v9 =	vmax.f32 v9, $8.388608000e+06;
	v11 =	vadd.s32 v2, v11  }
0x8a: {  	[tilespmem:v6+s26+$0x0] =	vst.idx.add.f32.msk $0xffff, v3;
	v13 =	vadd.f32 $8.388608000e+06, v13;
	v6 =	vmax.f32 v10, $8.388608000e+06;
	v9 =	vmin.f32 v9, $8.388673000e+06  }
0x8b: {  	[tilespmem:v7+s26+$0x0] =	vst.idx.add.f32.msk $0xffff, v3;
	v7 =	vadd.f32 $8.388608000e+06, v8;
	v8 =	vmin.f32 v12, $8.388673000e+06;
	v9 =	vadd.s32 v2, v9  }
0x8c: {  	[tilespmem:v5+s26+$0x0] =	vst.idx.add.f32.msk $0xffff, v3;
	v5 =	vmax.f32 v14, $8.388608000e+06;
	v6 =	vmin.f32 v6, $8.388673000e+06;
	v8 =	vadd.s32 v2, v8  }
0x8d: {  	[tilespmem:v4+s26+$0x0] =	vst.idx.add.f32.msk $0xffff, v3;
	v10 =	vmax.f32 v13, $8.388608000e+06;
	v5 =	vmin.f32 v5, $8.388673000e+06;
	v6 =	vadd.s32 v2, v6  }
0x8e: {  	[tilespmem:v15+s26+$0x0] =	vst.idx.add.f32.msk $0xffff, v3;
	v7 =	vmax.f32 v7, $8.388608000e+06;
	v10 =	vmin.f32 v10, $8.388673000e+06;
	v5 =	vadd.s32 v2, v5  }
0x8f: {  	v4 =	vmin.f32 v7, $8.388673000e+06;
	v7 =	vadd.s32 v2, v10;
	[tilespmem:v11+s26+$0x0] =	vst.idx.add.f32.msk $0xffff, v3  }
0x90: {  	v4 =	vadd.s32 v2, v4;
	[tilespmem:v9+s26+$0x0] =	vst.idx.add.f32.msk $0xffff, v3  }
0x91: {  	[tilespmem:v8+s26+$0x0] =	vst.idx.add.f32.msk $0xffff, v3  }
0x92: {  	p0 =	seq.s32 s2, $0x7;
	[tilespmem:v6+s26+$0x0] =	vst.idx.add.f32.msk $0xffff, v3  }
0x93: {  	s6 =	sadd.s32 @!p0 s6, s8;
	[tilespmem:v5+s26+$0x0] =	vst.idx.add.f32.msk $0xffff, v3  }
0x94: {  	s6 =	sshrl.u32 @!p0 s6, $0x3;
	[tilespmem:v7+s26+$0x0] =	vst.idx.add.f32.msk $0xffff, v3  }
0x95: {  	s14 =	simm.s32 $0x0;
	s10 =	simm.s32 @!p0 $0x0;
	s6 =	sadd.s32 @!p0 s1, s6;
	[tilespmem:v4+s26+$0x0] =	vst.idx.add.f32.msk $0xffff, v3  }
0x96: {  	[tilespmem:s10], [sflag:$0x1] =	stream.linear.gather @!p0 [hbm4b:s6+s10], $0x4000, $0x38;
	[tilespmem:$0x9C00] =	vst v63  }
0x97: {  	s15 =	sand.u32 $0x3000, s14;
	s12 =	sand.u32 $0xC00, s14;
	_ =	swait.ge [sflag:s28], $0x4000  }
0x98: {  	s6 =	sand.u32 $0x380, s14;
	s10 =	sor.u32 s12, s15;
	[sflag:s28] =	ssyncset.done $0x0  }
0x99: {  	s6 =	sor.u32 s6, s10;
	[sflag:s28] =	ssyncadd.s32 $0xFFFFC000  }
0x9a: {  	v4 =	vld [tilespmem:s6+$0x4070]  }
0x9b: {  	v5 =	vld [tilespmem:s6+$0x4000]  }
0x9c: {  	v6 =	vld [tilespmem:s6+$0x4010]  }
0x9d: {  	v7 =	vld [tilespmem:s6+$0x4020]  }
0x9e: {  	v8 =	vld [tilespmem:s6+$0x4030]  }
0x9f: {  	v9 =	vld [tilespmem:s6+$0x4040]  }
0xa0: {  	v10 =	vld [tilespmem:s6+$0x4050]  }
0xa1: {  	v11 =	vld [tilespmem:s6+$0x4060]  }
0xa2: {  	s16 =	simm.s32 $0x400;
	s17 =	simm.s32 $0x80;
	v4 =	vmul.f32 $3.200000000e+01, v4;
	v5 =	vmul.f32 $3.200000000e+01, v5  }
0xa3: {  	s18 =	simm.s32 $0x20;
	s10 =	sand.u32 $0x3000, s17;
	s6 =	sand.u32 $0xC00, s16;
	v6 =	vmul.f32 $3.200000000e+01, v6;
	v7 =	vmul.f32 $3.200000000e+01, v7  }
0xa4: {  	s12 =	sand.u32 $0x380, s18;
	s6 =	sor.u32 s6, s10;
	v8 =	vmul.f32 $3.200000000e+01, v8;
	v9 =	vmul.f32 $3.200000000e+01, v9  }
0xa5: {  	s6 =	sor.u32 s12, s6;
	v10 =	vmul.f32 $3.200000000e+01, v10;
	v4 =	vadd.f32 $3.250000000e+01, v4;
	v5 =	vadd.f32 $3.250000000e+01, v5  }
0xa6: {  	v12 =	vld [tilespmem:s6+$0x4070];
	v11 =	vmul.f32 $3.200000000e+01, v11;
	v6 =	vadd.f32 $3.250000000e+01, v6;
	v7 =	vadd.f32 $3.250000000e+01, v7  }
0xa7: {  	v14 =	vld [tilespmem:s6+$0x4010];
	v8 =	vadd.f32 $3.250000000e+01, v8;
	v9 =	vadd.f32 $3.250000000e+01, v9  }
0xa8: {  	v10 =	vadd.f32 $3.250000000e+01, v10;
	v11 =	vadd.f32 $3.250000000e+01, v11  }
0xa9: {  	v4 =	vadd.f32 $8.388608000e+06, v4;
	v5 =	vadd.f32 $8.388608000e+06, v5  }
0xaa: {  	v6 =	vadd.f32 $8.388608000e+06, v6;
	v7 =	vadd.f32 $8.388608000e+06, v7  }
0xab: {  	v12 =	vmul.f32 $3.200000000e+01, v12;
	v8 =	vadd.f32 $8.388608000e+06, v8;
	v9 =	vadd.f32 $8.388608000e+06, v9  }
0xac: {  	v14 =	vmul.f32 $3.200000000e+01, v14;
	v10 =	vadd.f32 $8.388608000e+06, v10;
	v11 =	vadd.f32 $8.388608000e+06, v11  }
0xad: {  	v13 =	vld [tilespmem:s6+$0x4000];
	v12 =	vadd.f32 $3.250000000e+01, v12;
	v4 =	vmax.f32 v4, $8.388608000e+06;
	v5 =	vmax.f32 v5, $8.388608000e+06  }
0xae: {  	v6 =	vmax.f32 v6, $8.388608000e+06;
	v7 =	vmax.f32 v7, $8.388608000e+06;
	v8 =	vmax.f32 v8, $8.388608000e+06  }
0xaf: {  	v9 =	vmax.f32 v9, $8.388608000e+06;
	v10 =	vmax.f32 v10, $8.388608000e+06;
	v11 =	vmax.f32 v11, $8.388608000e+06  }
0xb0: {  	v15 =	vld [tilespmem:s6+$0x4020];
	v4 =	vmin.f32 v4, $8.388673000e+06;
	v5 =	vmin.f32 v5, $8.388673000e+06;
	v6 =	vmin.f32 v6, $8.388673000e+06  }
0xb1: {  	v16 =	vld [tilespmem:s6+$0x4030];
	v7 =	vmin.f32 v7, $8.388673000e+06;
	v8 =	vmin.f32 v8, $8.388673000e+06;
	v4 =	vadd.s32 v2, v4  }
0xb2: {  	v9 =	vmin.f32 v9, $8.388673000e+06;
	v17 =	vadd.s32 v2, v5;
	v5 =	vmul.f32 $3.200000000e+01, v13  }
0xb3: {  	v10 =	vmin.f32 v10, $8.388673000e+06;
	v13 =	vld [tilespmem:s6+$0x4040];
	v18 =	vadd.s32 v2, v6;
	v19 =	vadd.s32 v2, v7  }
0xb4: {  	v20 =	vld [tilespmem:s6+$0x4050];
	v7 =	vadd.s32 v2, v8;
	v6 =	vadd.s32 v2, v9;
	v9 =	vadd.f32 $3.250000000e+01, v5  }
0xb5: {  	v8 =	vld [tilespmem:s6+$0x4060];
	v5 =	vadd.s32 v2, v10;
	v10 =	vmul.f32 $3.200000000e+01, v15;
	v15 =	vadd.f32 $8.388608000e+06, v12  }
0xb6: {  	v16 =	vmul.f32 $3.200000000e+01, v16;
	v11 =	vmin.f32 v11, $8.388673000e+06;
	[tilespmem:v4+s26+$0x0] =	vst.idx.add.f32.msk $0xffff, v3  }
0xb7: {  	v12 =	vadd.f32 $3.250000000e+01, v14;
	v15 =	vmax.f32 v15, $8.388608000e+06;
	v4 =	vadd.s32 v2, v11;
	[tilespmem:v17+s26+$0x0] =	vst.idx.add.f32.msk $0xffff, v3  }
0xb8: {  	s14 =	simm.s32 $0x100;
	v11 =	vadd.f32 $8.388608000e+06, v9;
	v9 =	vadd.f32 $3.250000000e+01, v10;
	v14 =	vmul.f32 $3.200000000e+01, v13;
	[tilespmem:v18+s26+$0x0] =	vst.idx.add.f32.msk $0xffff, v3  }
0xb9: {  	s10 =	simm.s32 $0x40;
	s12 =	simm.s32 $0x800;
	s6 =	simm.s32 $0x8;
	v10 =	vadd.f32 $3.250000000e+01, v16;
	v13 =	vmul.f32 $3.200000000e+01, v20;
	v15 =	vmin.f32 v15, $8.388673000e+06;
	[tilespmem:v19+s26+$0x0] =	vst.idx.add.f32.msk $0xffff, v3  }
.LBB2_7:
0xba: {  	s15 =	sand.u32 $0x3000, s14;
	s16 =	sand.u32 $0xC00, s12;
	s6 =	sadd.s32 $0x8, s6;
	v14 =	vadd.f32 $3.250000000e+01, v14;
	v8 =	vmul.f32 $3.200000000e+01, v8;
	v15 =	vadd.s32 v2, v15;
	[tilespmem:v7+s26+$0x0] =	vst.idx.add.f32.msk $0xffff, v3  }
0xbb: {  	s17 =	sand.u32 $0x380, s10;
	v7 =	vmax.f32 v11, $8.388608000e+06;
	v11 =	vadd.f32 $8.388608000e+06, v12;
	s15 =	sor.u32 s16, s15;
	p0 =	slt.u32 s6, $0x3F8;
	v12 =	vadd.f32 $3.250000000e+01, v13;
	[tilespmem:v6+s26+$0x0] =	vst.idx.add.f32.msk $0xffff, v3  }
0xbc: {  	v6 =	vmin.f32 v7, $8.388673000e+06;
	v7 =	vadd.f32 $8.388608000e+06, v9;
	s15 =	sor.u32 s17, s15;
	v8 =	vadd.f32 $3.250000000e+01, v8;
	[tilespmem:v5+s26+$0x0] =	vst.idx.add.f32.msk $0xffff, v3  }
0xbd: {  	v10 =	vadd.f32 $8.388608000e+06, v10;
	v9 =	vmax.f32 v11, $8.388608000e+06;
	v11 =	vadd.f32 $8.388608000e+06, v14;
	v5 =	vld [tilespmem:s15+$0x4070]  }
0xbe: {  	v7 =	vmax.f32 v7, $8.388608000e+06;
	v12 =	vadd.f32 $8.388608000e+06, v12;
	v13 =	vld [tilespmem:s15+$0x4000];
	v8 =	vadd.f32 $8.388608000e+06, v8  }
0xbf: {  	v9 =	vmin.f32 v9, $8.388673000e+06;
	v10 =	vmax.f32 v10, $8.388608000e+06;
	v11 =	vmax.f32 v11, $8.388608000e+06;
	[tilespmem:v15+s26+$0x0] =	vst.idx.add.f32.msk $0xffff, v3  }
0xc0: {  	v7 =	vmin.f32 v7, $8.388673000e+06;
	v12 =	vmax.f32 v12, $8.388608000e+06;
	v14 =	vld [tilespmem:s15+$0x4010];
	v8 =	vmax.f32 v8, $8.388608000e+06  }
0xc1: {  	v10 =	vmin.f32 v10, $8.388673000e+06;
	v11 =	vmin.f32 v11, $8.388673000e+06;
	v12 =	vmin.f32 v12, $8.388673000e+06;
	v15 =	vld [tilespmem:s15+$0x4020]  }
0xc2: {  	v17 =	vadd.s32 v2, v6;
	v18 =	vmin.f32 v8, $8.388673000e+06;
	v16 =	vld [tilespmem:s15+$0x4030];
	v5 =	vmul.f32 $3.200000000e+01, v5  }
0xc3: {  	v19 =	vadd.s32 v2, v9;
	v20 =	vadd.s32 v2, v7;
	v8 =	vmul.f32 $3.200000000e+01, v13;
	v13 =	vld [tilespmem:s15+$0x4040]  }
0xc4: {  	v7 =	vadd.s32 v2, v10;
	v6 =	vadd.s32 v2, v11;
	v21 =	vld [tilespmem:s15+$0x4050];
	v9 =	vadd.f32 $3.250000000e+01, v5  }
.Ltmp2:
0xc5: {  	v5 =	vadd.s32 v2, v12;
	v10 =	vadd.f32 $3.250000000e+01, v8;
	v14 =	vmul.f32 $3.200000000e+01, v14;
	v8 =	vld [tilespmem:s15+$0x4060];
	(pc) =	sbr.rel @p0 .LBB2_7-.Ltmp2, $4  }
0xc6: {  	v15 =	vmul.f32 $3.200000000e+01, v15;
	v22 =	vadd.f32 $8.388608000e+06, v9;
	[tilespmem:v4+s26+$0x0] =	vst.idx.add.f32.msk $0xffff, v3;
	v4 =	vadd.s32 v2, v18  }
0xc7: {  	v11 =	vadd.f32 $8.388608000e+06, v10;
	v12 =	vadd.f32 $3.250000000e+01, v14;
	v10 =	vmul.f32 $3.200000000e+01, v16;
	[tilespmem:v17+s26+$0x0] =	vst.idx.add.f32.msk $0xffff, v3  }
0xc8: {  	v9 =	vadd.f32 $3.250000000e+01, v15;
	v14 =	vmul.f32 $3.200000000e+01, v13;
	v15 =	vmax.f32 v22, $8.388608000e+06;
	[tilespmem:v19+s26+$0x0] =	vst.idx.add.f32.msk $0xffff, v3  }
0xc9: {  	s10 =	sadd.s32 $0x20, s10;
	s12 =	sadd.s32 $0x400, s12;
	s14 =	sadd.s32 $0x80, s14;
	v10 =	vadd.f32 $3.250000000e+01, v10;
	v13 =	vmul.f32 $3.200000000e+01, v21;
	v15 =	vmin.f32 v15, $8.388673000e+06;
	[tilespmem:v20+s26+$0x0] =	vst.idx.add.f32.msk $0xffff, v3  }
0xca: {  	v14 =	vadd.f32 $3.250000000e+01, v14;
	v8 =	vmul.f32 $3.200000000e+01, v8  }
0xcb: {  	v15 =	vadd.s32 v2, v15;
	v11 =	vmax.f32 v11, $8.388608000e+06;
	v12 =	vadd.f32 $8.388608000e+06, v12  }
0xcc: {  	v9 =	vadd.f32 $8.388608000e+06, v9;
	v13 =	vadd.f32 $3.250000000e+01, v13;
	v11 =	vmin.f32 v11, $8.388673000e+06  }
0xcd: {  	v10 =	vadd.f32 $8.388608000e+06, v10;
	v8 =	vadd.f32 $3.250000000e+01, v8;
	v12 =	vmax.f32 v12, $8.388608000e+06  }
0xce: {  	v14 =	vadd.f32 $8.388608000e+06, v14;
	v9 =	vmax.f32 v9, $8.388608000e+06;
	v11 =	vadd.s32 v2, v11  }
0xcf: {  	[tilespmem:v7+s26+$0x0] =	vst.idx.add.f32.msk $0xffff, v3;
	v13 =	vadd.f32 $8.388608000e+06, v13;
	v60 =	vmin.f32 v12, $8.388673000e+06;
	v61 =	vmax.f32 v10, $8.388608000e+06  }
0xd0: {  	[tilespmem:v6+s26+$0x0] =	vst.idx.add.f32.msk $0xffff, v3;
	v9 =	vmin.f32 v9, $8.388673000e+06;
	v59 =	vadd.f32 $8.388608000e+06, v8;
	v8 =	vadd.s32 v2, v60  }
0xd1: {  	[tilespmem:v5+s26+$0x0] =	vst.idx.add.f32.msk $0xffff, v3;
	v5 =	vmax.f32 v14, $8.388608000e+06;
	v6 =	vmin.f32 v61, $8.388673000e+06;
	v9 =	vadd.s32 v2, v9  }
0xd2: {  	[tilespmem:v4+s26+$0x0] =	vst.idx.add.f32.msk $0xffff, v3;
	v62 =	vmax.f32 v13, $8.388608000e+06;
	v5 =	vmin.f32 v5, $8.388673000e+06;
	v6 =	vadd.s32 v2, v6  }
0xd3: {  	[tilespmem:v15+s26+$0x0] =	vst.idx.add.f32.msk $0xffff, v3;
	v7 =	vmax.f32 v59, $8.388608000e+06;
	v10 =	vmin.f32 v62, $8.388673000e+06;
	v5 =	vadd.s32 v2, v5  }
0xd4: {  	s2 =	sadd.s32 $0x1, s2;
	v4 =	vmin.f32 v7, $8.388673000e+06;
	v63 =	vadd.s32 v2, v10;
	[tilespmem:v11+s26+$0x0] =	vst.idx.add.f32.msk $0xffff, v3  }
0xd5: {  	p0 =	sne.s32 s2, $0x8;
	v4 =	vadd.s32 v2, v4;
	[tilespmem:v8+s26+$0x0] =	vst.idx.add.f32.msk $0xffff, v3  }
.Ltmp3:
0xd6: {  	[tilespmem:v9+s26+$0x0] =	vst.idx.add.f32.msk $0xffff, v3;
	(pc) =	sbr.rel @p0 .LBB2_4-.Ltmp3, $4  }
0xd7: {  	[tilespmem:v6+s26+$0x0] =	vst.idx.add.f32.msk $0xffff, v3  }
0xd8: {  	[tilespmem:v5+s26+$0x0] =	vst.idx.add.f32.msk $0xffff, v3  }
0xd9: {  	[tilespmem:v63+s26+$0x0] =	vst.idx.add.f32.msk $0xffff, v3  }
0xda: {  	[tilespmem:v4+s26+$0x0] =	vst.idx.add.f32.msk $0xffff, v3  }
0xdb: {  	s31 =	simm.s32 $0x0;
	s2 =	rddreg [dreg:$0x5]  }
0xdc: {  	[tilespmem:s31], [sflag:$0x1] =	stream.linear.gather [hbm4b:s2+s31], $0x4000, $0x38;
	[tilespmem:$0x9C00] =	vst v63  }
0xdd: {  	s2 =	simm.s32 $0x0  }
.LBB2_10:
0xde: {  	s6 =	sshll.u32 s2, $0xF  }
0xdf: {  	s10 =	sadd.s32 s6, s7  }
0xe0: {  	s10 =	sadd.s32 $0x4000, s10  }
0xe1: {  	s10 =	sshrl.u32 s10, $0x3  }
0xe2: {  	s10 =	sadd.s32 s1, s10  }
0xe3: {  	[tilespmem:s24], [sflag:$0x2] =	stream.linear.gather [hbm4b:s10+s31], $0x4000, $0x38;
	[tilespmem:$0x9C00] =	vst v63  }
0xe4: {  	s15 =	sand.u32 $0x3000, s31;
	s12 =	sand.u32 $0xC00, s31;
	_ =	swait.ge [sflag:s25], $0x4000  }
0xe5: {  	s14 =	sand.u32 $0x380, s31;
	s10 =	sor.u32 s12, s15;
	[sflag:s25] =	ssyncset.done $0x0  }
0xe6: {  	s10 =	sor.u32 s14, s10;
	[sflag:s25] =	ssyncadd.s32 $0xFFFFC000  }
0xe7: {  	v4 =	vld [tilespmem:s10+$0x70]  }
0xe8: {  	v5 =	vld [tilespmem:s10+$0x0]  }
0xe9: {  	v6 =	vld [tilespmem:s10+$0x10]  }
0xea: {  	v7 =	vld [tilespmem:s10+$0x20]  }
0xeb: {  	v8 =	vld [tilespmem:s10+$0x30]  }
0xec: {  	v9 =	vld [tilespmem:s10+$0x40]  }
0xed: {  	v10 =	vld [tilespmem:s10+$0x50]  }
0xee: {  	v11 =	vld [tilespmem:s10+$0x60]  }
0xef: {  	s16 =	simm.s32 $0x400;
	s17 =	simm.s32 $0x80;
	v4 =	vmul.f32 $3.200000000e+01, v4;
	v5 =	vmul.f32 $3.200000000e+01, v5  }
0xf0: {  	s18 =	simm.s32 $0x20;
	s12 =	sand.u32 $0x3000, s17;
	s10 =	sand.u32 $0xC00, s16;
	v6 =	vmul.f32 $3.200000000e+01, v6;
	v7 =	vmul.f32 $3.200000000e+01, v7  }
0xf1: {  	s14 =	sand.u32 $0x380, s18;
	s10 =	sor.u32 s10, s12;
	v8 =	vmul.f32 $3.200000000e+01, v8;
	v9 =	vmul.f32 $3.200000000e+01, v9  }
0xf2: {  	s10 =	sor.u32 s14, s10;
	v10 =	vmul.f32 $3.200000000e+01, v10;
	v4 =	vadd.f32 $9.750000000e+01, v4;
	v5 =	vadd.f32 $9.750000000e+01, v5  }
0xf3: {  	v12 =	vld [tilespmem:s10+$0x70];
	v11 =	vmul.f32 $3.200000000e+01, v11;
	v6 =	vadd.f32 $9.750000000e+01, v6;
	v7 =	vadd.f32 $9.750000000e+01, v7  }
0xf4: {  	v14 =	vld [tilespmem:s10+$0x10];
	v8 =	vadd.f32 $9.750000000e+01, v8;
	v9 =	vadd.f32 $9.750000000e+01, v9  }
0xf5: {  	v10 =	vadd.f32 $9.750000000e+01, v10;
	v11 =	vadd.f32 $9.750000000e+01, v11  }
0xf6: {  	v4 =	vadd.f32 $8.388608000e+06, v4;
	v5 =	vadd.f32 $8.388608000e+06, v5  }
0xf7: {  	v6 =	vadd.f32 $8.388608000e+06, v6;
	v7 =	vadd.f32 $8.388608000e+06, v7  }
0xf8: {  	v12 =	vmul.f32 $3.200000000e+01, v12;
	v8 =	vadd.f32 $8.388608000e+06, v8;
	v9 =	vadd.f32 $8.388608000e+06, v9  }
0xf9: {  	v14 =	vmul.f32 $3.200000000e+01, v14;
	v10 =	vadd.f32 $8.388608000e+06, v10;
	v11 =	vadd.f32 $8.388608000e+06, v11  }
0xfa: {  	v13 =	vld [tilespmem:s10+$0x0];
	v12 =	vadd.f32 $9.750000000e+01, v12;
	v4 =	vmax.f32 v4, $8.388673000e+06;
	v5 =	vmax.f32 v5, $8.388673000e+06  }
0xfb: {  	v6 =	vmax.f32 v6, $8.388673000e+06;
	v7 =	vmax.f32 v7, $8.388673000e+06;
	v8 =	vmax.f32 v8, $8.388673000e+06  }
0xfc: {  	v9 =	vmax.f32 v9, $8.388673000e+06;
	v10 =	vmax.f32 v10, $8.388673000e+06;
	v11 =	vmax.f32 v11, $8.388673000e+06  }
0xfd: {  	v15 =	vld [tilespmem:s10+$0x20];
	v4 =	vmin.f32 v4, $8.388738000e+06;
	v5 =	vmin.f32 v5, $8.388738000e+06;
	v6 =	vmin.f32 v6, $8.388738000e+06  }
0xfe: {  	v16 =	vld [tilespmem:s10+$0x30];
	v7 =	vmin.f32 v7, $8.388738000e+06;
	v8 =	vmin.f32 v8, $8.388738000e+06;
	v4 =	vadd.s32 v2, v4  }
0xff: {  	v9 =	vmin.f32 v9, $8.388738000e+06;
	v17 =	vadd.s32 v2, v5;
	v5 =	vmul.f32 $3.200000000e+01, v13  }
0x100: {  	v10 =	vmin.f32 v10, $8.388738000e+06;
	v13 =	vld [tilespmem:s10+$0x40];
	v18 =	vadd.s32 v2, v6;
	v19 =	vadd.s32 v2, v7  }
0x101: {  	v20 =	vld [tilespmem:s10+$0x50];
	v7 =	vadd.s32 v2, v8;
	v6 =	vadd.s32 v2, v9;
	v9 =	vadd.f32 $9.750000000e+01, v5  }
0x102: {  	v8 =	vld [tilespmem:s10+$0x60];
	v5 =	vadd.s32 v2, v10;
	v10 =	vmul.f32 $3.200000000e+01, v15;
	v15 =	vadd.f32 $8.388608000e+06, v12  }
0x103: {  	v16 =	vmul.f32 $3.200000000e+01, v16;
	v11 =	vmin.f32 v11, $8.388738000e+06;
	[tilespmem:v4+s26+$0x0] =	vst.idx.add.f32.msk $0xffff, v3  }
0x104: {  	v12 =	vadd.f32 $9.750000000e+01, v14;
	v15 =	vmax.f32 v15, $8.388673000e+06;
	v4 =	vadd.s32 v2, v11;
	[tilespmem:v17+s26+$0x0] =	vst.idx.add.f32.msk $0xffff, v3  }
0x105: {  	s15 =	simm.s32 $0x100;
	v11 =	vadd.f32 $8.388608000e+06, v9;
	v9 =	vadd.f32 $9.750000000e+01, v10;
	v14 =	vmul.f32 $3.200000000e+01, v13;
	[tilespmem:v18+s26+$0x0] =	vst.idx.add.f32.msk $0xffff, v3  }
0x106: {  	s12 =	simm.s32 $0x40;
	s14 =	simm.s32 $0x800;
	s10 =	simm.s32 $0x8;
	v10 =	vadd.f32 $9.750000000e+01, v16;
	v13 =	vmul.f32 $3.200000000e+01, v20;
	v15 =	vmin.f32 v15, $8.388738000e+06;
	[tilespmem:v19+s26+$0x0] =	vst.idx.add.f32.msk $0xffff, v3  }
.LBB2_11:
0x107: {  	s16 =	sand.u32 $0x3000, s15;
	s17 =	sand.u32 $0xC00, s14;
	s10 =	sadd.s32 $0x8, s10;
	v14 =	vadd.f32 $9.750000000e+01, v14;
	v8 =	vmul.f32 $3.200000000e+01, v8;
	v15 =	vadd.s32 v2, v15;
	[tilespmem:v7+s26+$0x0] =	vst.idx.add.f32.msk $0xffff, v3  }
0x108: {  	s18 =	sand.u32 $0x380, s12;
	v7 =	vmax.f32 v11, $8.388673000e+06;
	v11 =	vadd.f32 $8.388608000e+06, v12;
	s16 =	sor.u32 s17, s16;
	p0 =	slt.u32 s10, $0x3F8;
	v12 =	vadd.f32 $9.750000000e+01, v13;
	[tilespmem:v6+s26+$0x0] =	vst.idx.add.f32.msk $0xffff, v3  }
0x109: {  	v6 =	vmin.f32 v7, $8.388738000e+06;
	v7 =	vadd.f32 $8.388608000e+06, v9;
	s16 =	sor.u32 s18, s16;
	v8 =	vadd.f32 $9.750000000e+01, v8;
	[tilespmem:v5+s26+$0x0] =	vst.idx.add.f32.msk $0xffff, v3  }
0x10a: {  	v10 =	vadd.f32 $8.388608000e+06, v10;
	v9 =	vmax.f32 v11, $8.388673000e+06;
	v11 =	vadd.f32 $8.388608000e+06, v14;
	v5 =	vld [tilespmem:s16+$0x70]  }
0x10b: {  	v7 =	vmax.f32 v7, $8.388673000e+06;
	v12 =	vadd.f32 $8.388608000e+06, v12;
	v13 =	vld [tilespmem:s16+$0x0];
	v8 =	vadd.f32 $8.388608000e+06, v8  }
0x10c: {  	v9 =	vmin.f32 v9, $8.388738000e+06;
	v10 =	vmax.f32 v10, $8.388673000e+06;
	v11 =	vmax.f32 v11, $8.388673000e+06;
	[tilespmem:v15+s26+$0x0] =	vst.idx.add.f32.msk $0xffff, v3  }
0x10d: {  	v7 =	vmin.f32 v7, $8.388738000e+06;
	v12 =	vmax.f32 v12, $8.388673000e+06;
	v14 =	vld [tilespmem:s16+$0x10];
	v8 =	vmax.f32 v8, $8.388673000e+06  }
0x10e: {  	v10 =	vmin.f32 v10, $8.388738000e+06;
	v11 =	vmin.f32 v11, $8.388738000e+06;
	v12 =	vmin.f32 v12, $8.388738000e+06;
	v15 =	vld [tilespmem:s16+$0x20]  }
0x10f: {  	v17 =	vadd.s32 v2, v6;
	v18 =	vmin.f32 v8, $8.388738000e+06;
	v16 =	vld [tilespmem:s16+$0x30];
	v5 =	vmul.f32 $3.200000000e+01, v5  }
0x110: {  	v19 =	vadd.s32 v2, v9;
	v20 =	vadd.s32 v2, v7;
	v8 =	vmul.f32 $3.200000000e+01, v13;
	v13 =	vld [tilespmem:s16+$0x40]  }
0x111: {  	v7 =	vadd.s32 v2, v10;
	v6 =	vadd.s32 v2, v11;
	v21 =	vld [tilespmem:s16+$0x50];
	v9 =	vadd.f32 $9.750000000e+01, v5  }
.Ltmp4:
0x112: {  	v5 =	vadd.s32 v2, v12;
	v10 =	vadd.f32 $9.750000000e+01, v8;
	v14 =	vmul.f32 $3.200000000e+01, v14;
	v8 =	vld [tilespmem:s16+$0x60];
	(pc) =	sbr.rel @p0 .LBB2_11-.Ltmp4, $4  }
0x113: {  	v15 =	vmul.f32 $3.200000000e+01, v15;
	v22 =	vadd.f32 $8.388608000e+06, v9;
	[tilespmem:v4+s26+$0x0] =	vst.idx.add.f32.msk $0xffff, v3;
	v4 =	vadd.s32 v2, v18  }
0x114: {  	v11 =	vadd.f32 $8.388608000e+06, v10;
	v12 =	vadd.f32 $9.750000000e+01, v14;
	v10 =	vmul.f32 $3.200000000e+01, v16;
	[tilespmem:v17+s26+$0x0] =	vst.idx.add.f32.msk $0xffff, v3  }
0x115: {  	v9 =	vadd.f32 $9.750000000e+01, v15;
	v14 =	vmul.f32 $3.200000000e+01, v13;
	v15 =	vmax.f32 v22, $8.388673000e+06;
	[tilespmem:v19+s26+$0x0] =	vst.idx.add.f32.msk $0xffff, v3  }
0x116: {  	s12 =	sadd.s32 $0x20, s12;
	s14 =	sadd.s32 $0x400, s14;
	s15 =	sadd.s32 $0x80, s15;
	v10 =	vadd.f32 $9.750000000e+01, v10;
	v13 =	vmul.f32 $3.200000000e+01, v21;
	v15 =	vmin.f32 v15, $8.388738000e+06;
	[tilespmem:v20+s26+$0x0] =	vst.idx.add.f32.msk $0xffff, v3  }
0x117: {  	v14 =	vadd.f32 $9.750000000e+01, v14;
	v8 =	vmul.f32 $3.200000000e+01, v8  }
0x118: {  	v15 =	vadd.s32 v2, v15;
	v11 =	vmax.f32 v11, $8.388673000e+06;
	v12 =	vadd.f32 $8.388608000e+06, v12  }
0x119: {  	v9 =	vadd.f32 $8.388608000e+06, v9;
	v13 =	vadd.f32 $9.750000000e+01, v13;
	v11 =	vmin.f32 v11, $8.388738000e+06  }
0x11a: {  	v10 =	vadd.f32 $8.388608000e+06, v10;
	v8 =	vadd.f32 $9.750000000e+01, v8;
	v12 =	vmax.f32 v12, $8.388673000e+06  }
0x11b: {  	v14 =	vadd.f32 $8.388608000e+06, v14;
	v9 =	vmax.f32 v9, $8.388673000e+06;
	v11 =	vadd.s32 v2, v11  }
0x11c: {  	[tilespmem:v6+s26+$0x0] =	vst.idx.add.f32.msk $0xffff, v3;
	v13 =	vadd.f32 $8.388608000e+06, v13;
	v6 =	vmax.f32 v10, $8.388673000e+06;
	v9 =	vmin.f32 v9, $8.388738000e+06  }
0x11d: {  	[tilespmem:v7+s26+$0x0] =	vst.idx.add.f32.msk $0xffff, v3;
	v7 =	vadd.f32 $8.388608000e+06, v8;
	v8 =	vmin.f32 v12, $8.388738000e+06;
	v9 =	vadd.s32 v2, v9  }
0x11e: {  	[tilespmem:v5+s26+$0x0] =	vst.idx.add.f32.msk $0xffff, v3;
	v5 =	vmax.f32 v14, $8.388673000e+06;
	v6 =	vmin.f32 v6, $8.388738000e+06;
	v8 =	vadd.s32 v2, v8  }
0x11f: {  	[tilespmem:v4+s26+$0x0] =	vst.idx.add.f32.msk $0xffff, v3;
	v10 =	vmax.f32 v13, $8.388673000e+06;
	v5 =	vmin.f32 v5, $8.388738000e+06;
	v6 =	vadd.s32 v2, v6  }
0x120: {  	[tilespmem:v15+s26+$0x0] =	vst.idx.add.f32.msk $0xffff, v3;
	v7 =	vmax.f32 v7, $8.388673000e+06;
	v10 =	vmin.f32 v10, $8.388738000e+06;
	v5 =	vadd.s32 v2, v5  }
0x121: {  	v4 =	vmin.f32 v7, $8.388738000e+06;
	v7 =	vadd.s32 v2, v10;
	[tilespmem:v11+s26+$0x0] =	vst.idx.add.f32.msk $0xffff, v3  }
0x122: {  	v4 =	vadd.s32 v2, v4;
	[tilespmem:v9+s26+$0x0] =	vst.idx.add.f32.msk $0xffff, v3  }
0x123: {  	[tilespmem:v8+s26+$0x0] =	vst.idx.add.f32.msk $0xffff, v3  }
0x124: {  	p0 =	seq.s32 s2, $0x7;
	[tilespmem:v6+s26+$0x0] =	vst.idx.add.f32.msk $0xffff, v3  }
0x125: {  	s6 =	sadd.s32 @!p0 s6, s11;
	[tilespmem:v5+s26+$0x0] =	vst.idx.add.f32.msk $0xffff, v3  }
0x126: {  	s6 =	sshrl.u32 @!p0 s6, $0x3;
	[tilespmem:v7+s26+$0x0] =	vst.idx.add.f32.msk $0xffff, v3  }
0x127: {  	s14 =	simm.s32 $0x0;
	s10 =	simm.s32 @!p0 $0x0;
	s6 =	sadd.s32 @!p0 s1, s6;
	[tilespmem:v4+s26+$0x0] =	vst.idx.add.f32.msk $0xffff, v3  }
0x128: {  	[tilespmem:s10], [sflag:$0x1] =	stream.linear.gather @!p0 [hbm4b:s6+s10], $0x4000, $0x38;
	[tilespmem:$0x9C00] =	vst v63  }
0x129: {  	s15 =	sand.u32 $0x3000, s14;
	s12 =	sand.u32 $0xC00, s14;
	_ =	swait.ge [sflag:s28], $0x4000  }
0x12a: {  	s6 =	sand.u32 $0x380, s14;
	s10 =	sor.u32 s12, s15;
	[sflag:s28] =	ssyncset.done $0x0  }
0x12b: {  	s6 =	sor.u32 s6, s10;
	[sflag:s28] =	ssyncadd.s32 $0xFFFFC000  }
0x12c: {  	v4 =	vld [tilespmem:s6+$0x4070]  }
0x12d: {  	v5 =	vld [tilespmem:s6+$0x4000]  }
0x12e: {  	v6 =	vld [tilespmem:s6+$0x4010]  }
0x12f: {  	v7 =	vld [tilespmem:s6+$0x4020]  }
0x130: {  	v8 =	vld [tilespmem:s6+$0x4030]  }
0x131: {  	v9 =	vld [tilespmem:s6+$0x4040]  }
0x132: {  	v10 =	vld [tilespmem:s6+$0x4050]  }
0x133: {  	v11 =	vld [tilespmem:s6+$0x4060]  }
0x134: {  	s16 =	simm.s32 $0x400;
	s17 =	simm.s32 $0x80;
	v4 =	vmul.f32 $3.200000000e+01, v4;
	v5 =	vmul.f32 $3.200000000e+01, v5  }
0x135: {  	s18 =	simm.s32 $0x20;
	s10 =	sand.u32 $0x3000, s17;
	s6 =	sand.u32 $0xC00, s16;
	v6 =	vmul.f32 $3.200000000e+01, v6;
	v7 =	vmul.f32 $3.200000000e+01, v7  }
0x136: {  	s12 =	sand.u32 $0x380, s18;
	s6 =	sor.u32 s6, s10;
	v8 =	vmul.f32 $3.200000000e+01, v8;
	v9 =	vmul.f32 $3.200000000e+01, v9  }
0x137: {  	s6 =	sor.u32 s12, s6;
	v10 =	vmul.f32 $3.200000000e+01, v10;
	v4 =	vadd.f32 $9.750000000e+01, v4;
	v5 =	vadd.f32 $9.750000000e+01, v5  }
0x138: {  	v12 =	vld [tilespmem:s6+$0x4070];
	v11 =	vmul.f32 $3.200000000e+01, v11;
	v6 =	vadd.f32 $9.750000000e+01, v6;
	v7 =	vadd.f32 $9.750000000e+01, v7  }
0x139: {  	v14 =	vld [tilespmem:s6+$0x4010];
	v8 =	vadd.f32 $9.750000000e+01, v8;
	v9 =	vadd.f32 $9.750000000e+01, v9  }
0x13a: {  	v10 =	vadd.f32 $9.750000000e+01, v10;
	v11 =	vadd.f32 $9.750000000e+01, v11  }
0x13b: {  	v4 =	vadd.f32 $8.388608000e+06, v4;
	v5 =	vadd.f32 $8.388608000e+06, v5  }
0x13c: {  	v6 =	vadd.f32 $8.388608000e+06, v6;
	v7 =	vadd.f32 $8.388608000e+06, v7  }
0x13d: {  	v12 =	vmul.f32 $3.200000000e+01, v12;
	v8 =	vadd.f32 $8.388608000e+06, v8;
	v9 =	vadd.f32 $8.388608000e+06, v9  }
0x13e: {  	v14 =	vmul.f32 $3.200000000e+01, v14;
	v10 =	vadd.f32 $8.388608000e+06, v10;
	v11 =	vadd.f32 $8.388608000e+06, v11  }
0x13f: {  	v13 =	vld [tilespmem:s6+$0x4000];
	v12 =	vadd.f32 $9.750000000e+01, v12;
	v4 =	vmax.f32 v4, $8.388673000e+06;
	v5 =	vmax.f32 v5, $8.388673000e+06  }
0x140: {  	v6 =	vmax.f32 v6, $8.388673000e+06;
	v7 =	vmax.f32 v7, $8.388673000e+06;
	v8 =	vmax.f32 v8, $8.388673000e+06  }
0x141: {  	v9 =	vmax.f32 v9, $8.388673000e+06;
	v10 =	vmax.f32 v10, $8.388673000e+06;
	v11 =	vmax.f32 v11, $8.388673000e+06  }
0x142: {  	v15 =	vld [tilespmem:s6+$0x4020];
	v4 =	vmin.f32 v4, $8.388738000e+06;
	v5 =	vmin.f32 v5, $8.388738000e+06;
	v6 =	vmin.f32 v6, $8.388738000e+06  }
0x143: {  	v16 =	vld [tilespmem:s6+$0x4030];
	v7 =	vmin.f32 v7, $8.388738000e+06;
	v8 =	vmin.f32 v8, $8.388738000e+06;
	v4 =	vadd.s32 v2, v4  }
0x144: {  	v9 =	vmin.f32 v9, $8.388738000e+06;
	v17 =	vadd.s32 v2, v5;
	v5 =	vmul.f32 $3.200000000e+01, v13  }
0x145: {  	v10 =	vmin.f32 v10, $8.388738000e+06;
	v13 =	vld [tilespmem:s6+$0x4040];
	v18 =	vadd.s32 v2, v6;
	v19 =	vadd.s32 v2, v7  }
0x146: {  	v20 =	vld [tilespmem:s6+$0x4050];
	v7 =	vadd.s32 v2, v8;
	v6 =	vadd.s32 v2, v9;
	v9 =	vadd.f32 $9.750000000e+01, v5  }
0x147: {  	v8 =	vld [tilespmem:s6+$0x4060];
	v5 =	vadd.s32 v2, v10;
	v10 =	vmul.f32 $3.200000000e+01, v15;
	v15 =	vadd.f32 $8.388608000e+06, v12  }
0x148: {  	v16 =	vmul.f32 $3.200000000e+01, v16;
	v11 =	vmin.f32 v11, $8.388738000e+06;
	[tilespmem:v4+s26+$0x0] =	vst.idx.add.f32.msk $0xffff, v3  }
0x149: {  	v12 =	vadd.f32 $9.750000000e+01, v14;
	v15 =	vmax.f32 v15, $8.388673000e+06;
	v4 =	vadd.s32 v2, v11;
	[tilespmem:v17+s26+$0x0] =	vst.idx.add.f32.msk $0xffff, v3  }
0x14a: {  	s14 =	simm.s32 $0x100;
	v11 =	vadd.f32 $8.388608000e+06, v9;
	v9 =	vadd.f32 $9.750000000e+01, v10;
	v14 =	vmul.f32 $3.200000000e+01, v13;
	[tilespmem:v18+s26+$0x0] =	vst.idx.add.f32.msk $0xffff, v3  }
0x14b: {  	s10 =	simm.s32 $0x40;
	s12 =	simm.s32 $0x800;
	s6 =	simm.s32 $0x8;
	v10 =	vadd.f32 $9.750000000e+01, v16;
	v13 =	vmul.f32 $3.200000000e+01, v20;
	v15 =	vmin.f32 v15, $8.388738000e+06;
	[tilespmem:v19+s26+$0x0] =	vst.idx.add.f32.msk $0xffff, v3  }
.LBB2_13:
0x14c: {  	s15 =	sand.u32 $0x3000, s14;
	s16 =	sand.u32 $0xC00, s12;
	s6 =	sadd.s32 $0x8, s6;
	v14 =	vadd.f32 $9.750000000e+01, v14;
	v8 =	vmul.f32 $3.200000000e+01, v8;
	v15 =	vadd.s32 v2, v15;
	[tilespmem:v7+s26+$0x0] =	vst.idx.add.f32.msk $0xffff, v3  }
0x14d: {  	s17 =	sand.u32 $0x380, s10;
	v7 =	vmax.f32 v11, $8.388673000e+06;
	v11 =	vadd.f32 $8.388608000e+06, v12;
	s15 =	sor.u32 s16, s15;
	p0 =	slt.u32 s6, $0x3F8;
	v12 =	vadd.f32 $9.750000000e+01, v13;
	[tilespmem:v6+s26+$0x0] =	vst.idx.add.f32.msk $0xffff, v3  }
0x14e: {  	v6 =	vmin.f32 v7, $8.388738000e+06;
	v7 =	vadd.f32 $8.388608000e+06, v9;
	s15 =	sor.u32 s17, s15;
	v8 =	vadd.f32 $9.750000000e+01, v8;
	[tilespmem:v5+s26+$0x0] =	vst.idx.add.f32.msk $0xffff, v3  }
0x14f: {  	v10 =	vadd.f32 $8.388608000e+06, v10;
	v9 =	vmax.f32 v11, $8.388673000e+06;
	v11 =	vadd.f32 $8.388608000e+06, v14;
	v5 =	vld [tilespmem:s15+$0x4070]  }
0x150: {  	v7 =	vmax.f32 v7, $8.388673000e+06;
	v12 =	vadd.f32 $8.388608000e+06, v12;
	v13 =	vld [tilespmem:s15+$0x4000];
	v8 =	vadd.f32 $8.388608000e+06, v8  }
0x151: {  	v9 =	vmin.f32 v9, $8.388738000e+06;
	v10 =	vmax.f32 v10, $8.388673000e+06;
	v11 =	vmax.f32 v11, $8.388673000e+06;
	[tilespmem:v15+s26+$0x0] =	vst.idx.add.f32.msk $0xffff, v3  }
0x152: {  	v7 =	vmin.f32 v7, $8.388738000e+06;
	v12 =	vmax.f32 v12, $8.388673000e+06;
	v14 =	vld [tilespmem:s15+$0x4010];
	v8 =	vmax.f32 v8, $8.388673000e+06  }
0x153: {  	v10 =	vmin.f32 v10, $8.388738000e+06;
	v11 =	vmin.f32 v11, $8.388738000e+06;
	v12 =	vmin.f32 v12, $8.388738000e+06;
	v15 =	vld [tilespmem:s15+$0x4020]  }
0x154: {  	v17 =	vadd.s32 v2, v6;
	v18 =	vmin.f32 v8, $8.388738000e+06;
	v16 =	vld [tilespmem:s15+$0x4030];
	v5 =	vmul.f32 $3.200000000e+01, v5  }
0x155: {  	v19 =	vadd.s32 v2, v9;
	v20 =	vadd.s32 v2, v7;
	v8 =	vmul.f32 $3.200000000e+01, v13;
	v13 =	vld [tilespmem:s15+$0x4040]  }
0x156: {  	v7 =	vadd.s32 v2, v10;
	v6 =	vadd.s32 v2, v11;
	v21 =	vld [tilespmem:s15+$0x4050];
	v9 =	vadd.f32 $9.750000000e+01, v5  }
.Ltmp5:
0x157: {  	v5 =	vadd.s32 v2, v12;
	v10 =	vadd.f32 $9.750000000e+01, v8;
	v14 =	vmul.f32 $3.200000000e+01, v14;
	v8 =	vld [tilespmem:s15+$0x4060];
	(pc) =	sbr.rel @p0 .LBB2_13-.Ltmp5, $4  }
0x158: {  	v15 =	vmul.f32 $3.200000000e+01, v15;
	v22 =	vadd.f32 $8.388608000e+06, v9;
	[tilespmem:v4+s26+$0x0] =	vst.idx.add.f32.msk $0xffff, v3;
	v4 =	vadd.s32 v2, v18  }
0x159: {  	v11 =	vadd.f32 $8.388608000e+06, v10;
	v12 =	vadd.f32 $9.750000000e+01, v14;
	v10 =	vmul.f32 $3.200000000e+01, v16;
	[tilespmem:v17+s26+$0x0] =	vst.idx.add.f32.msk $0xffff, v3  }
0x15a: {  	v9 =	vadd.f32 $9.750000000e+01, v15;
	v14 =	vmul.f32 $3.200000000e+01, v13;
	v15 =	vmax.f32 v22, $8.388673000e+06;
	[tilespmem:v19+s26+$0x0] =	vst.idx.add.f32.msk $0xffff, v3  }
0x15b: {  	s10 =	sadd.s32 $0x20, s10;
	s12 =	sadd.s32 $0x400, s12;
	s14 =	sadd.s32 $0x80, s14;
	v10 =	vadd.f32 $9.750000000e+01, v10;
	v13 =	vmul.f32 $3.200000000e+01, v21;
	v15 =	vmin.f32 v15, $8.388738000e+06;
	[tilespmem:v20+s26+$0x0] =	vst.idx.add.f32.msk $0xffff, v3  }
0x15c: {  	v14 =	vadd.f32 $9.750000000e+01, v14;
	v8 =	vmul.f32 $3.200000000e+01, v8  }
0x15d: {  	v15 =	vadd.s32 v2, v15;
	v11 =	vmax.f32 v11, $8.388673000e+06;
	v12 =	vadd.f32 $8.388608000e+06, v12  }
0x15e: {  	v9 =	vadd.f32 $8.388608000e+06, v9;
	v13 =	vadd.f32 $9.750000000e+01, v13;
	v11 =	vmin.f32 v11, $8.388738000e+06  }
0x15f: {  	v10 =	vadd.f32 $8.388608000e+06, v10;
	v8 =	vadd.f32 $9.750000000e+01, v8;
	v12 =	vmax.f32 v12, $8.388673000e+06  }
0x160: {  	v14 =	vadd.f32 $8.388608000e+06, v14;
	v9 =	vmax.f32 v9, $8.388673000e+06;
	v11 =	vadd.s32 v2, v11  }
0x161: {  	[tilespmem:v7+s26+$0x0] =	vst.idx.add.f32.msk $0xffff, v3;
	v13 =	vadd.f32 $8.388608000e+06, v13;
	v60 =	vmin.f32 v12, $8.388738000e+06;
	v61 =	vmax.f32 v10, $8.388673000e+06  }
0x162: {  	[tilespmem:v6+s26+$0x0] =	vst.idx.add.f32.msk $0xffff, v3;
	v9 =	vmin.f32 v9, $8.388738000e+06;
	v59 =	vadd.f32 $8.388608000e+06, v8;
	v8 =	vadd.s32 v2, v60  }
0x163: {  	[tilespmem:v5+s26+$0x0] =	vst.idx.add.f32.msk $0xffff, v3;
	v5 =	vmax.f32 v14, $8.388673000e+06;
	v6 =	vmin.f32 v61, $8.388738000e+06;
	v9 =	vadd.s32 v2, v9  }
0x164: {  	[tilespmem:v4+s26+$0x0] =	vst.idx.add.f32.msk $0xffff, v3;
	v62 =	vmax.f32 v13, $8.388673000e+06;
	v5 =	vmin.f32 v5, $8.388738000e+06;
	v6 =	vadd.s32 v2, v6  }
0x165: {  	[tilespmem:v15+s26+$0x0] =	vst.idx.add.f32.msk $0xffff, v3;
	v7 =	vmax.f32 v59, $8.388673000e+06;
	v10 =	vmin.f32 v62, $8.388738000e+06;
	v5 =	vadd.s32 v2, v5  }
0x166: {  	s2 =	sadd.s32 $0x1, s2;
	v4 =	vmin.f32 v7, $8.388738000e+06;
	v63 =	vadd.s32 v2, v10;
	[tilespmem:v11+s26+$0x0] =	vst.idx.add.f32.msk $0xffff, v3  }
0x167: {  	p0 =	sne.s32 s2, $0x8;
	v4 =	vadd.s32 v2, v4;
	[tilespmem:v8+s26+$0x0] =	vst.idx.add.f32.msk $0xffff, v3  }
.Ltmp6:
0x168: {  	[tilespmem:v9+s26+$0x0] =	vst.idx.add.f32.msk $0xffff, v3;
	(pc) =	sbr.rel @p0 .LBB2_10-.Ltmp6, $4  }
0x169: {  	[tilespmem:v6+s26+$0x0] =	vst.idx.add.f32.msk $0xffff, v3  }
0x16a: {  	[tilespmem:v5+s26+$0x0] =	vst.idx.add.f32.msk $0xffff, v3  }
0x16b: {  	[tilespmem:v63+s26+$0x0] =	vst.idx.add.f32.msk $0xffff, v3  }
0x16c: {  	[tilespmem:v4+s26+$0x0] =	vst.idx.add.f32.msk $0xffff, v3  }
0x16d: {  	s31 =	simm.s32 $0x0;
	s2 =	rddreg [dreg:$0x6]  }
0x16e: {  	[tilespmem:s31], [sflag:$0x1] =	stream.linear.gather [hbm4b:s2+s31], $0x4000, $0x38;
	[tilespmem:$0x9C00] =	vst v63  }
0x16f: {  	s2 =	simm.s32 $0x0  }
.LBB2_16:
0x170: {  	s6 =	sshll.u32 s2, $0xF  }
0x171: {  	s10 =	sadd.s32 s6, s9  }
0x172: {  	s10 =	sadd.s32 $0x4000, s10  }
0x173: {  	s10 =	sshrl.u32 s10, $0x3  }
0x174: {  	s10 =	sadd.s32 s1, s10  }
0x175: {  	[tilespmem:s24], [sflag:$0x2] =	stream.linear.gather [hbm4b:s10+s31], $0x4000, $0x38;
	[tilespmem:$0x9C00] =	vst v63  }
0x176: {  	s15 =	sand.u32 $0x3000, s31;
	s12 =	sand.u32 $0xC00, s31;
	_ =	swait.ge [sflag:s25], $0x4000  }
0x177: {  	s14 =	sand.u32 $0x380, s31;
	s10 =	sor.u32 s12, s15;
	[sflag:s25] =	ssyncset.done $0x0  }
0x178: {  	s10 =	sor.u32 s14, s10;
	[sflag:s25] =	ssyncadd.s32 $0xFFFFC000  }
0x179: {  	v4 =	vld [tilespmem:s10+$0x70]  }
0x17a: {  	v5 =	vld [tilespmem:s10+$0x0]  }
0x17b: {  	v6 =	vld [tilespmem:s10+$0x10]  }
0x17c: {  	v7 =	vld [tilespmem:s10+$0x20]  }
0x17d: {  	v8 =	vld [tilespmem:s10+$0x30]  }
0x17e: {  	v9 =	vld [tilespmem:s10+$0x40]  }
0x17f: {  	v10 =	vld [tilespmem:s10+$0x50]  }
0x180: {  	v11 =	vld [tilespmem:s10+$0x60]  }
0x181: {  	s16 =	simm.s32 $0x400;
	s17 =	simm.s32 $0x80;
	v4 =	vmul.f32 $3.200000000e+01, v4;
	v5 =	vmul.f32 $3.200000000e+01, v5  }
0x182: {  	s18 =	simm.s32 $0x20;
	s12 =	sand.u32 $0x3000, s17;
	s10 =	sand.u32 $0xC00, s16;
	v6 =	vmul.f32 $3.200000000e+01, v6;
	v7 =	vmul.f32 $3.200000000e+01, v7  }
0x183: {  	s14 =	sand.u32 $0x380, s18;
	s10 =	sor.u32 s10, s12;
	v8 =	vmul.f32 $3.200000000e+01, v8;
	v9 =	vmul.f32 $3.200000000e+01, v9  }
0x184: {  	s10 =	sor.u32 s14, s10;
	v10 =	vmul.f32 $3.200000000e+01, v10;
	v4 =	vadd.f32 $1.625000000e+02, v4;
	v5 =	vadd.f32 $1.625000000e+02, v5  }
0x185: {  	v12 =	vld [tilespmem:s10+$0x70];
	v11 =	vmul.f32 $3.200000000e+01, v11;
	v6 =	vadd.f32 $1.625000000e+02, v6;
	v7 =	vadd.f32 $1.625000000e+02, v7  }
0x186: {  	v14 =	vld [tilespmem:s10+$0x10];
	v8 =	vadd.f32 $1.625000000e+02, v8;
	v9 =	vadd.f32 $1.625000000e+02, v9  }
0x187: {  	v10 =	vadd.f32 $1.625000000e+02, v10;
	v11 =	vadd.f32 $1.625000000e+02, v11  }
0x188: {  	v4 =	vadd.f32 $8.388608000e+06, v4;
	v5 =	vadd.f32 $8.388608000e+06, v5  }
0x189: {  	v6 =	vadd.f32 $8.388608000e+06, v6;
	v7 =	vadd.f32 $8.388608000e+06, v7  }
0x18a: {  	v12 =	vmul.f32 $3.200000000e+01, v12;
	v8 =	vadd.f32 $8.388608000e+06, v8;
	v9 =	vadd.f32 $8.388608000e+06, v9  }
0x18b: {  	v14 =	vmul.f32 $3.200000000e+01, v14;
	v10 =	vadd.f32 $8.388608000e+06, v10;
	v11 =	vadd.f32 $8.388608000e+06, v11  }
0x18c: {  	v13 =	vld [tilespmem:s10+$0x0];
	v12 =	vadd.f32 $1.625000000e+02, v12;
	v4 =	vmax.f32 v4, $8.388738000e+06;
	v5 =	vmax.f32 v5, $8.388738000e+06  }
0x18d: {  	v6 =	vmax.f32 v6, $8.388738000e+06;
	v7 =	vmax.f32 v7, $8.388738000e+06;
	v8 =	vmax.f32 v8, $8.388738000e+06  }
0x18e: {  	v9 =	vmax.f32 v9, $8.388738000e+06;
	v10 =	vmax.f32 v10, $8.388738000e+06;
	v11 =	vmax.f32 v11, $8.388738000e+06  }
0x18f: {  	v15 =	vld [tilespmem:s10+$0x20];
	v4 =	vmin.f32 v4, $8.388803000e+06;
	v5 =	vmin.f32 v5, $8.388803000e+06;
	v6 =	vmin.f32 v6, $8.388803000e+06  }
0x190: {  	v16 =	vld [tilespmem:s10+$0x30];
	v7 =	vmin.f32 v7, $8.388803000e+06;
	v8 =	vmin.f32 v8, $8.388803000e+06;
	v4 =	vadd.s32 v2, v4  }
0x191: {  	v9 =	vmin.f32 v9, $8.388803000e+06;
	v17 =	vadd.s32 v2, v5;
	v5 =	vmul.f32 $3.200000000e+01, v13  }
0x192: {  	v10 =	vmin.f32 v10, $8.388803000e+06;
	v13 =	vld [tilespmem:s10+$0x40];
	v18 =	vadd.s32 v2, v6;
	v19 =	vadd.s32 v2, v7  }
0x193: {  	v20 =	vld [tilespmem:s10+$0x50];
	v7 =	vadd.s32 v2, v8;
	v6 =	vadd.s32 v2, v9;
	v9 =	vadd.f32 $1.625000000e+02, v5  }
0x194: {  	v8 =	vld [tilespmem:s10+$0x60];
	v5 =	vadd.s32 v2, v10;
	v10 =	vmul.f32 $3.200000000e+01, v15;
	v15 =	vadd.f32 $8.388608000e+06, v12  }
0x195: {  	v16 =	vmul.f32 $3.200000000e+01, v16;
	v11 =	vmin.f32 v11, $8.388803000e+06;
	[tilespmem:v4+s26+$0x0] =	vst.idx.add.f32.msk $0xffff, v3  }
0x196: {  	v12 =	vadd.f32 $1.625000000e+02, v14;
	v15 =	vmax.f32 v15, $8.388738000e+06;
	v4 =	vadd.s32 v2, v11;
	[tilespmem:v17+s26+$0x0] =	vst.idx.add.f32.msk $0xffff, v3  }
0x197: {  	s15 =	simm.s32 $0x100;
	v11 =	vadd.f32 $8.388608000e+06, v9;
	v9 =	vadd.f32 $1.625000000e+02, v10;
	v14 =	vmul.f32 $3.200000000e+01, v13;
	[tilespmem:v18+s26+$0x0] =	vst.idx.add.f32.msk $0xffff, v3  }
0x198: {  	s12 =	simm.s32 $0x40;
	s14 =	simm.s32 $0x800;
	s10 =	simm.s32 $0x8;
	v10 =	vadd.f32 $1.625000000e+02, v16;
	v13 =	vmul.f32 $3.200000000e+01, v20;
	v15 =	vmin.f32 v15, $8.388803000e+06;
	[tilespmem:v19+s26+$0x0] =	vst.idx.add.f32.msk $0xffff, v3  }
.LBB2_17:
0x199: {  	s16 =	sand.u32 $0x3000, s15;
	s17 =	sand.u32 $0xC00, s14;
	s10 =	sadd.s32 $0x8, s10;
	v14 =	vadd.f32 $1.625000000e+02, v14;
	v8 =	vmul.f32 $3.200000000e+01, v8;
	v15 =	vadd.s32 v2, v15;
	[tilespmem:v7+s26+$0x0] =	vst.idx.add.f32.msk $0xffff, v3  }
0x19a: {  	s18 =	sand.u32 $0x380, s12;
	v7 =	vmax.f32 v11, $8.388738000e+06;
	v11 =	vadd.f32 $8.388608000e+06, v12;
	s16 =	sor.u32 s17, s16;
	p0 =	slt.u32 s10, $0x3F8;
	v12 =	vadd.f32 $1.625000000e+02, v13;
	[tilespmem:v6+s26+$0x0] =	vst.idx.add.f32.msk $0xffff, v3  }
0x19b: {  	v6 =	vmin.f32 v7, $8.388803000e+06;
	v7 =	vadd.f32 $8.388608000e+06, v9;
	s16 =	sor.u32 s18, s16;
	v8 =	vadd.f32 $1.625000000e+02, v8;
	[tilespmem:v5+s26+$0x0] =	vst.idx.add.f32.msk $0xffff, v3  }
0x19c: {  	v10 =	vadd.f32 $8.388608000e+06, v10;
	v9 =	vmax.f32 v11, $8.388738000e+06;
	v11 =	vadd.f32 $8.388608000e+06, v14;
	v5 =	vld [tilespmem:s16+$0x70]  }
0x19d: {  	v7 =	vmax.f32 v7, $8.388738000e+06;
	v12 =	vadd.f32 $8.388608000e+06, v12;
	v13 =	vld [tilespmem:s16+$0x0];
	v8 =	vadd.f32 $8.388608000e+06, v8  }
0x19e: {  	v9 =	vmin.f32 v9, $8.388803000e+06;
	v10 =	vmax.f32 v10, $8.388738000e+06;
	v11 =	vmax.f32 v11, $8.388738000e+06;
	[tilespmem:v15+s26+$0x0] =	vst.idx.add.f32.msk $0xffff, v3  }
0x19f: {  	v7 =	vmin.f32 v7, $8.388803000e+06;
	v12 =	vmax.f32 v12, $8.388738000e+06;
	v14 =	vld [tilespmem:s16+$0x10];
	v8 =	vmax.f32 v8, $8.388738000e+06  }
0x1a0: {  	v10 =	vmin.f32 v10, $8.388803000e+06;
	v11 =	vmin.f32 v11, $8.388803000e+06;
	v12 =	vmin.f32 v12, $8.388803000e+06;
	v15 =	vld [tilespmem:s16+$0x20]  }
0x1a1: {  	v17 =	vadd.s32 v2, v6;
	v18 =	vmin.f32 v8, $8.388803000e+06;
	v16 =	vld [tilespmem:s16+$0x30];
	v5 =	vmul.f32 $3.200000000e+01, v5  }
0x1a2: {  	v19 =	vadd.s32 v2, v9;
	v20 =	vadd.s32 v2, v7;
	v8 =	vmul.f32 $3.200000000e+01, v13;
	v13 =	vld [tilespmem:s16+$0x40]  }
0x1a3: {  	v7 =	vadd.s32 v2, v10;
	v6 =	vadd.s32 v2, v11;
	v21 =	vld [tilespmem:s16+$0x50];
	v9 =	vadd.f32 $1.625000000e+02, v5  }
.Ltmp7:
0x1a4: {  	v5 =	vadd.s32 v2, v12;
	v10 =	vadd.f32 $1.625000000e+02, v8;
	v14 =	vmul.f32 $3.200000000e+01, v14;
	v8 =	vld [tilespmem:s16+$0x60];
	(pc) =	sbr.rel @p0 .LBB2_17-.Ltmp7, $4  }
0x1a5: {  	v15 =	vmul.f32 $3.200000000e+01, v15;
	v22 =	vadd.f32 $8.388608000e+06, v9;
	[tilespmem:v4+s26+$0x0] =	vst.idx.add.f32.msk $0xffff, v3;
	v4 =	vadd.s32 v2, v18  }
0x1a6: {  	v11 =	vadd.f32 $8.388608000e+06, v10;
	v12 =	vadd.f32 $1.625000000e+02, v14;
	v10 =	vmul.f32 $3.200000000e+01, v16;
	[tilespmem:v17+s26+$0x0] =	vst.idx.add.f32.msk $0xffff, v3  }
0x1a7: {  	v9 =	vadd.f32 $1.625000000e+02, v15;
	v14 =	vmul.f32 $3.200000000e+01, v13;
	v15 =	vmax.f32 v22, $8.388738000e+06;
	[tilespmem:v19+s26+$0x0] =	vst.idx.add.f32.msk $0xffff, v3  }
0x1a8: {  	s12 =	sadd.s32 $0x20, s12;
	s14 =	sadd.s32 $0x400, s14;
	s15 =	sadd.s32 $0x80, s15;
	v10 =	vadd.f32 $1.625000000e+02, v10;
	v13 =	vmul.f32 $3.200000000e+01, v21;
	v15 =	vmin.f32 v15, $8.388803000e+06;
	[tilespmem:v20+s26+$0x0] =	vst.idx.add.f32.msk $0xffff, v3  }
0x1a9: {  	v14 =	vadd.f32 $1.625000000e+02, v14;
	v8 =	vmul.f32 $3.200000000e+01, v8  }
0x1aa: {  	v15 =	vadd.s32 v2, v15;
	v11 =	vmax.f32 v11, $8.388738000e+06;
	v12 =	vadd.f32 $8.388608000e+06, v12  }
0x1ab: {  	v9 =	vadd.f32 $8.388608000e+06, v9;
	v13 =	vadd.f32 $1.625000000e+02, v13;
	v11 =	vmin.f32 v11, $8.388803000e+06  }
0x1ac: {  	v10 =	vadd.f32 $8.388608000e+06, v10;
	v8 =	vadd.f32 $1.625000000e+02, v8;
	v12 =	vmax.f32 v12, $8.388738000e+06  }
0x1ad: {  	v14 =	vadd.f32 $8.388608000e+06, v14;
	v9 =	vmax.f32 v9, $8.388738000e+06;
	v11 =	vadd.s32 v2, v11  }
0x1ae: {  	[tilespmem:v6+s26+$0x0] =	vst.idx.add.f32.msk $0xffff, v3;
	v13 =	vadd.f32 $8.388608000e+06, v13;
	v6 =	vmax.f32 v10, $8.388738000e+06;
	v9 =	vmin.f32 v9, $8.388803000e+06  }
0x1af: {  	[tilespmem:v7+s26+$0x0] =	vst.idx.add.f32.msk $0xffff, v3;
	v7 =	vadd.f32 $8.388608000e+06, v8;
	v8 =	vmin.f32 v12, $8.388803000e+06;
	v9 =	vadd.s32 v2, v9  }
0x1b0: {  	[tilespmem:v5+s26+$0x0] =	vst.idx.add.f32.msk $0xffff, v3;
	v5 =	vmax.f32 v14, $8.388738000e+06;
	v6 =	vmin.f32 v6, $8.388803000e+06;
	v8 =	vadd.s32 v2, v8  }
0x1b1: {  	[tilespmem:v4+s26+$0x0] =	vst.idx.add.f32.msk $0xffff, v3;
	v10 =	vmax.f32 v13, $8.388738000e+06;
	v5 =	vmin.f32 v5, $8.388803000e+06;
	v6 =	vadd.s32 v2, v6  }
0x1b2: {  	[tilespmem:v15+s26+$0x0] =	vst.idx.add.f32.msk $0xffff, v3;
	v7 =	vmax.f32 v7, $8.388738000e+06;
	v10 =	vmin.f32 v10, $8.388803000e+06;
	v5 =	vadd.s32 v2, v5  }
0x1b3: {  	v4 =	vmin.f32 v7, $8.388803000e+06;
	v7 =	vadd.s32 v2, v10;
	[tilespmem:v11+s26+$0x0] =	vst.idx.add.f32.msk $0xffff, v3  }
0x1b4: {  	v4 =	vadd.s32 v2, v4;
	[tilespmem:v9+s26+$0x0] =	vst.idx.add.f32.msk $0xffff, v3  }
0x1b5: {  	[tilespmem:v8+s26+$0x0] =	vst.idx.add.f32.msk $0xffff, v3  }
0x1b6: {  	p0 =	seq.s32 s2, $0x7;
	[tilespmem:v6+s26+$0x0] =	vst.idx.add.f32.msk $0xffff, v3  }
0x1b7: {  	s6 =	sadd.s32 @!p0 s6, s13;
	[tilespmem:v5+s26+$0x0] =	vst.idx.add.f32.msk $0xffff, v3  }
0x1b8: {  	s6 =	sshrl.u32 @!p0 s6, $0x3;
	[tilespmem:v7+s26+$0x0] =	vst.idx.add.f32.msk $0xffff, v3  }
0x1b9: {  	s14 =	simm.s32 $0x0;
	s10 =	simm.s32 @!p0 $0x0;
	s6 =	sadd.s32 @!p0 s1, s6;
	[tilespmem:v4+s26+$0x0] =	vst.idx.add.f32.msk $0xffff, v3  }
0x1ba: {  	[tilespmem:s10], [sflag:$0x1] =	stream.linear.gather @!p0 [hbm4b:s6+s10], $0x4000, $0x38;
	[tilespmem:$0x9C00] =	vst v63  }
0x1bb: {  	s15 =	sand.u32 $0x3000, s14;
	s12 =	sand.u32 $0xC00, s14;
	_ =	swait.ge [sflag:s28], $0x4000  }
0x1bc: {  	s6 =	sand.u32 $0x380, s14;
	s10 =	sor.u32 s12, s15;
	[sflag:s28] =	ssyncset.done $0x0  }
0x1bd: {  	s6 =	sor.u32 s6, s10;
	[sflag:s28] =	ssyncadd.s32 $0xFFFFC000  }
0x1be: {  	v4 =	vld [tilespmem:s6+$0x4070]  }
0x1bf: {  	v5 =	vld [tilespmem:s6+$0x4000]  }
0x1c0: {  	v6 =	vld [tilespmem:s6+$0x4010]  }
0x1c1: {  	v7 =	vld [tilespmem:s6+$0x4020]  }
0x1c2: {  	v8 =	vld [tilespmem:s6+$0x4030]  }
0x1c3: {  	v9 =	vld [tilespmem:s6+$0x4040]  }
0x1c4: {  	v10 =	vld [tilespmem:s6+$0x4050]  }
0x1c5: {  	v11 =	vld [tilespmem:s6+$0x4060]  }
0x1c6: {  	s16 =	simm.s32 $0x400;
	s17 =	simm.s32 $0x80;
	v4 =	vmul.f32 $3.200000000e+01, v4;
	v5 =	vmul.f32 $3.200000000e+01, v5  }
0x1c7: {  	s18 =	simm.s32 $0x20;
	s10 =	sand.u32 $0x3000, s17;
	s6 =	sand.u32 $0xC00, s16;
	v6 =	vmul.f32 $3.200000000e+01, v6;
	v7 =	vmul.f32 $3.200000000e+01, v7  }
0x1c8: {  	s12 =	sand.u32 $0x380, s18;
	s6 =	sor.u32 s6, s10;
	v8 =	vmul.f32 $3.200000000e+01, v8;
	v9 =	vmul.f32 $3.200000000e+01, v9  }
0x1c9: {  	s6 =	sor.u32 s12, s6;
	v10 =	vmul.f32 $3.200000000e+01, v10;
	v4 =	vadd.f32 $1.625000000e+02, v4;
	v5 =	vadd.f32 $1.625000000e+02, v5  }
0x1ca: {  	v12 =	vld [tilespmem:s6+$0x4070];
	v11 =	vmul.f32 $3.200000000e+01, v11;
	v6 =	vadd.f32 $1.625000000e+02, v6;
	v7 =	vadd.f32 $1.625000000e+02, v7  }
0x1cb: {  	v14 =	vld [tilespmem:s6+$0x4010];
	v8 =	vadd.f32 $1.625000000e+02, v8;
	v9 =	vadd.f32 $1.625000000e+02, v9  }
0x1cc: {  	v10 =	vadd.f32 $1.625000000e+02, v10;
	v11 =	vadd.f32 $1.625000000e+02, v11  }
0x1cd: {  	v4 =	vadd.f32 $8.388608000e+06, v4;
	v5 =	vadd.f32 $8.388608000e+06, v5  }
0x1ce: {  	v6 =	vadd.f32 $8.388608000e+06, v6;
	v7 =	vadd.f32 $8.388608000e+06, v7  }
0x1cf: {  	v12 =	vmul.f32 $3.200000000e+01, v12;
	v8 =	vadd.f32 $8.388608000e+06, v8;
	v9 =	vadd.f32 $8.388608000e+06, v9  }
0x1d0: {  	v14 =	vmul.f32 $3.200000000e+01, v14;
	v10 =	vadd.f32 $8.388608000e+06, v10;
	v11 =	vadd.f32 $8.388608000e+06, v11  }
0x1d1: {  	v13 =	vld [tilespmem:s6+$0x4000];
	v12 =	vadd.f32 $1.625000000e+02, v12;
	v4 =	vmax.f32 v4, $8.388738000e+06;
	v5 =	vmax.f32 v5, $8.388738000e+06  }
0x1d2: {  	v6 =	vmax.f32 v6, $8.388738000e+06;
	v7 =	vmax.f32 v7, $8.388738000e+06;
	v8 =	vmax.f32 v8, $8.388738000e+06  }
0x1d3: {  	v9 =	vmax.f32 v9, $8.388738000e+06;
	v10 =	vmax.f32 v10, $8.388738000e+06;
	v11 =	vmax.f32 v11, $8.388738000e+06  }
0x1d4: {  	v15 =	vld [tilespmem:s6+$0x4020];
	v4 =	vmin.f32 v4, $8.388803000e+06;
	v5 =	vmin.f32 v5, $8.388803000e+06;
	v6 =	vmin.f32 v6, $8.388803000e+06  }
0x1d5: {  	v16 =	vld [tilespmem:s6+$0x4030];
	v7 =	vmin.f32 v7, $8.388803000e+06;
	v8 =	vmin.f32 v8, $8.388803000e+06;
	v4 =	vadd.s32 v2, v4  }
0x1d6: {  	v9 =	vmin.f32 v9, $8.388803000e+06;
	v17 =	vadd.s32 v2, v5;
	v5 =	vmul.f32 $3.200000000e+01, v13  }
0x1d7: {  	v10 =	vmin.f32 v10, $8.388803000e+06;
	v13 =	vld [tilespmem:s6+$0x4040];
	v18 =	vadd.s32 v2, v6;
	v19 =	vadd.s32 v2, v7  }
0x1d8: {  	v20 =	vld [tilespmem:s6+$0x4050];
	v7 =	vadd.s32 v2, v8;
	v6 =	vadd.s32 v2, v9;
	v9 =	vadd.f32 $1.625000000e+02, v5  }
0x1d9: {  	v8 =	vld [tilespmem:s6+$0x4060];
	v5 =	vadd.s32 v2, v10;
	v10 =	vmul.f32 $3.200000000e+01, v15;
	v15 =	vadd.f32 $8.388608000e+06, v12  }
0x1da: {  	v16 =	vmul.f32 $3.200000000e+01, v16;
	v11 =	vmin.f32 v11, $8.388803000e+06;
	[tilespmem:v4+s26+$0x0] =	vst.idx.add.f32.msk $0xffff, v3  }
0x1db: {  	v12 =	vadd.f32 $1.625000000e+02, v14;
	v15 =	vmax.f32 v15, $8.388738000e+06;
	v4 =	vadd.s32 v2, v11;
	[tilespmem:v17+s26+$0x0] =	vst.idx.add.f32.msk $0xffff, v3  }
0x1dc: {  	s14 =	simm.s32 $0x100;
	v11 =	vadd.f32 $8.388608000e+06, v9;
	v9 =	vadd.f32 $1.625000000e+02, v10;
	v14 =	vmul.f32 $3.200000000e+01, v13;
	[tilespmem:v18+s26+$0x0] =	vst.idx.add.f32.msk $0xffff, v3  }
0x1dd: {  	s10 =	simm.s32 $0x40;
	s12 =	simm.s32 $0x800;
	s6 =	simm.s32 $0x8;
	v10 =	vadd.f32 $1.625000000e+02, v16;
	v13 =	vmul.f32 $3.200000000e+01, v20;
	v15 =	vmin.f32 v15, $8.388803000e+06;
	[tilespmem:v19+s26+$0x0] =	vst.idx.add.f32.msk $0xffff, v3  }
.LBB2_19:
0x1de: {  	s15 =	sand.u32 $0x3000, s14;
	s16 =	sand.u32 $0xC00, s12;
	s6 =	sadd.s32 $0x8, s6;
	v14 =	vadd.f32 $1.625000000e+02, v14;
	v8 =	vmul.f32 $3.200000000e+01, v8;
	v15 =	vadd.s32 v2, v15;
	[tilespmem:v7+s26+$0x0] =	vst.idx.add.f32.msk $0xffff, v3  }
0x1df: {  	s17 =	sand.u32 $0x380, s10;
	v7 =	vmax.f32 v11, $8.388738000e+06;
	v11 =	vadd.f32 $8.388608000e+06, v12;
	s15 =	sor.u32 s16, s15;
	p0 =	slt.u32 s6, $0x3F8;
	v12 =	vadd.f32 $1.625000000e+02, v13;
	[tilespmem:v6+s26+$0x0] =	vst.idx.add.f32.msk $0xffff, v3  }
0x1e0: {  	v6 =	vmin.f32 v7, $8.388803000e+06;
	v7 =	vadd.f32 $8.388608000e+06, v9;
	s15 =	sor.u32 s17, s15;
	v8 =	vadd.f32 $1.625000000e+02, v8;
	[tilespmem:v5+s26+$0x0] =	vst.idx.add.f32.msk $0xffff, v3  }
0x1e1: {  	v10 =	vadd.f32 $8.388608000e+06, v10;
	v9 =	vmax.f32 v11, $8.388738000e+06;
	v11 =	vadd.f32 $8.388608000e+06, v14;
	v5 =	vld [tilespmem:s15+$0x4070]  }
0x1e2: {  	v7 =	vmax.f32 v7, $8.388738000e+06;
	v12 =	vadd.f32 $8.388608000e+06, v12;
	v13 =	vld [tilespmem:s15+$0x4000];
	v8 =	vadd.f32 $8.388608000e+06, v8  }
0x1e3: {  	v9 =	vmin.f32 v9, $8.388803000e+06;
	v10 =	vmax.f32 v10, $8.388738000e+06;
	v11 =	vmax.f32 v11, $8.388738000e+06;
	[tilespmem:v15+s26+$0x0] =	vst.idx.add.f32.msk $0xffff, v3  }
0x1e4: {  	v7 =	vmin.f32 v7, $8.388803000e+06;
	v12 =	vmax.f32 v12, $8.388738000e+06;
	v14 =	vld [tilespmem:s15+$0x4010];
	v8 =	vmax.f32 v8, $8.388738000e+06  }
0x1e5: {  	v10 =	vmin.f32 v10, $8.388803000e+06;
	v11 =	vmin.f32 v11, $8.388803000e+06;
	v12 =	vmin.f32 v12, $8.388803000e+06;
	v15 =	vld [tilespmem:s15+$0x4020]  }
0x1e6: {  	v17 =	vadd.s32 v2, v6;
	v18 =	vmin.f32 v8, $8.388803000e+06;
	v16 =	vld [tilespmem:s15+$0x4030];
	v5 =	vmul.f32 $3.200000000e+01, v5  }
0x1e7: {  	v19 =	vadd.s32 v2, v9;
	v20 =	vadd.s32 v2, v7;
	v8 =	vmul.f32 $3.200000000e+01, v13;
	v13 =	vld [tilespmem:s15+$0x4040]  }
0x1e8: {  	v7 =	vadd.s32 v2, v10;
	v6 =	vadd.s32 v2, v11;
	v21 =	vld [tilespmem:s15+$0x4050];
	v9 =	vadd.f32 $1.625000000e+02, v5  }
.Ltmp8:
0x1e9: {  	v5 =	vadd.s32 v2, v12;
	v10 =	vadd.f32 $1.625000000e+02, v8;
	v14 =	vmul.f32 $3.200000000e+01, v14;
	v8 =	vld [tilespmem:s15+$0x4060];
	(pc) =	sbr.rel @p0 .LBB2_19-.Ltmp8, $4  }
0x1ea: {  	v15 =	vmul.f32 $3.200000000e+01, v15;
	v22 =	vadd.f32 $8.388608000e+06, v9;
	[tilespmem:v4+s26+$0x0] =	vst.idx.add.f32.msk $0xffff, v3;
	v4 =	vadd.s32 v2, v18  }
0x1eb: {  	v11 =	vadd.f32 $8.388608000e+06, v10;
	v12 =	vadd.f32 $1.625000000e+02, v14;
	v10 =	vmul.f32 $3.200000000e+01, v16;
	[tilespmem:v17+s26+$0x0] =	vst.idx.add.f32.msk $0xffff, v3  }
0x1ec: {  	v9 =	vadd.f32 $1.625000000e+02, v15;
	v14 =	vmul.f32 $3.200000000e+01, v13;
	v15 =	vmax.f32 v22, $8.388738000e+06;
	[tilespmem:v19+s26+$0x0] =	vst.idx.add.f32.msk $0xffff, v3  }
0x1ed: {  	s10 =	sadd.s32 $0x20, s10;
	s12 =	sadd.s32 $0x400, s12;
	s14 =	sadd.s32 $0x80, s14;
	v10 =	vadd.f32 $1.625000000e+02, v10;
	v13 =	vmul.f32 $3.200000000e+01, v21;
	v15 =	vmin.f32 v15, $8.388803000e+06;
	[tilespmem:v20+s26+$0x0] =	vst.idx.add.f32.msk $0xffff, v3  }
0x1ee: {  	v14 =	vadd.f32 $1.625000000e+02, v14;
	v8 =	vmul.f32 $3.200000000e+01, v8  }
0x1ef: {  	v15 =	vadd.s32 v2, v15;
	v11 =	vmax.f32 v11, $8.388738000e+06;
	v12 =	vadd.f32 $8.388608000e+06, v12  }
0x1f0: {  	v9 =	vadd.f32 $8.388608000e+06, v9;
	v13 =	vadd.f32 $1.625000000e+02, v13;
	v11 =	vmin.f32 v11, $8.388803000e+06  }
0x1f1: {  	v10 =	vadd.f32 $8.388608000e+06, v10;
	v8 =	vadd.f32 $1.625000000e+02, v8;
	v12 =	vmax.f32 v12, $8.388738000e+06  }
0x1f2: {  	v14 =	vadd.f32 $8.388608000e+06, v14;
	v9 =	vmax.f32 v9, $8.388738000e+06;
	v11 =	vadd.s32 v2, v11  }
0x1f3: {  	[tilespmem:v7+s26+$0x0] =	vst.idx.add.f32.msk $0xffff, v3;
	v13 =	vadd.f32 $8.388608000e+06, v13;
	v60 =	vmin.f32 v12, $8.388803000e+06;
	v61 =	vmax.f32 v10, $8.388738000e+06  }
0x1f4: {  	[tilespmem:v6+s26+$0x0] =	vst.idx.add.f32.msk $0xffff, v3;
	v9 =	vmin.f32 v9, $8.388803000e+06;
	v59 =	vadd.f32 $8.388608000e+06, v8;
	v8 =	vadd.s32 v2, v60  }
0x1f5: {  	[tilespmem:v5+s26+$0x0] =	vst.idx.add.f32.msk $0xffff, v3;
	v5 =	vmax.f32 v14, $8.388738000e+06;
	v6 =	vmin.f32 v61, $8.388803000e+06;
	v9 =	vadd.s32 v2, v9  }
0x1f6: {  	[tilespmem:v4+s26+$0x0] =	vst.idx.add.f32.msk $0xffff, v3;
	v62 =	vmax.f32 v13, $8.388738000e+06;
	v5 =	vmin.f32 v5, $8.388803000e+06;
	v6 =	vadd.s32 v2, v6  }
0x1f7: {  	[tilespmem:v15+s26+$0x0] =	vst.idx.add.f32.msk $0xffff, v3;
	v7 =	vmax.f32 v59, $8.388738000e+06;
	v10 =	vmin.f32 v62, $8.388803000e+06;
	v5 =	vadd.s32 v2, v5  }
0x1f8: {  	s2 =	sadd.s32 $0x1, s2;
	v4 =	vmin.f32 v7, $8.388803000e+06;
	v63 =	vadd.s32 v2, v10;
	[tilespmem:v11+s26+$0x0] =	vst.idx.add.f32.msk $0xffff, v3  }
0x1f9: {  	p0 =	sne.s32 s2, $0x8;
	v4 =	vadd.s32 v2, v4;
	[tilespmem:v8+s26+$0x0] =	vst.idx.add.f32.msk $0xffff, v3  }
.Ltmp9:
0x1fa: {  	[tilespmem:v9+s26+$0x0] =	vst.idx.add.f32.msk $0xffff, v3;
	(pc) =	sbr.rel @p0 .LBB2_16-.Ltmp9, $4  }
0x1fb: {  	[tilespmem:v6+s26+$0x0] =	vst.idx.add.f32.msk $0xffff, v3  }
0x1fc: {  	[tilespmem:v5+s26+$0x0] =	vst.idx.add.f32.msk $0xffff, v3  }
0x1fd: {  	[tilespmem:v63+s26+$0x0] =	vst.idx.add.f32.msk $0xffff, v3  }
0x1fe: {  	[tilespmem:v4+s26+$0x0] =	vst.idx.add.f32.msk $0xffff, v3  }
0x1ff: {  	s31 =	simm.s32 $0x0;
	s2 =	rddreg [dreg:$0x7]  }
0x200: {  	[tilespmem:s31], [sflag:$0x1] =	stream.linear.gather [hbm4b:s2+s31], $0x4000, $0x38;
	[tilespmem:$0x9C00] =	vst v63  }
0x201: {  	s2 =	simm.s32 $0x0  }
.LBB2_22:
0x202: {  	s6 =	sshll.u32 s2, $0xF  }
0x203: {  	s10 =	sor.u32 s6, s5  }
0x204: {  	s10 =	sshrl.u32 s10, $0x3  }
0x205: {  	s10 =	sadd.s32 s10, s3  }
0x206: {  	s10 =	sadd.s32 $0x800, s10  }
0x207: {  	[tilespmem:s24], [sflag:$0x2] =	stream.linear.gather [hbm4b:s10+s31], $0x4000, $0x38;
	[tilespmem:$0x9C00] =	vst v63  }
0x208: {  	s15 =	sand.u32 $0x3000, s31;
	s12 =	sand.u32 $0xC00, s31;
	_ =	swait.ge [sflag:s25], $0x4000  }
0x209: {  	s14 =	sand.u32 $0x380, s31;
	s10 =	sor.u32 s12, s15;
	[sflag:s25] =	ssyncset.done $0x0  }
0x20a: {  	s10 =	sor.u32 s14, s10;
	[sflag:s25] =	ssyncadd.s32 $0xFFFFC000  }
0x20b: {  	v4 =	vld [tilespmem:s10+$0x70]  }
0x20c: {  	v5 =	vld [tilespmem:s10+$0x0]  }
0x20d: {  	v6 =	vld [tilespmem:s10+$0x10]  }
0x20e: {  	v7 =	vld [tilespmem:s10+$0x20]  }
0x20f: {  	v8 =	vld [tilespmem:s10+$0x30]  }
0x210: {  	v9 =	vld [tilespmem:s10+$0x40]  }
0x211: {  	v10 =	vld [tilespmem:s10+$0x50]  }
0x212: {  	v11 =	vld [tilespmem:s10+$0x60]  }
0x213: {  	s16 =	simm.s32 $0x400;
	s17 =	simm.s32 $0x80;
	v4 =	vmul.f32 $3.200000000e+01, v4;
	v5 =	vmul.f32 $3.200000000e+01, v5  }
0x214: {  	s18 =	simm.s32 $0x20;
	s12 =	sand.u32 $0x3000, s17;
	s10 =	sand.u32 $0xC00, s16;
	v6 =	vmul.f32 $3.200000000e+01, v6;
	v7 =	vmul.f32 $3.200000000e+01, v7  }
0x215: {  	s14 =	sand.u32 $0x380, s18;
	s10 =	sor.u32 s10, s12;
	v8 =	vmul.f32 $3.200000000e+01, v8;
	v9 =	vmul.f32 $3.200000000e+01, v9  }
0x216: {  	s10 =	sor.u32 s14, s10;
	v10 =	vmul.f32 $3.200000000e+01, v10;
	v4 =	vadd.f32 $2.275000000e+02, v4;
	v5 =	vadd.f32 $2.275000000e+02, v5  }
0x217: {  	v12 =	vld [tilespmem:s10+$0x70];
	v11 =	vmul.f32 $3.200000000e+01, v11;
	v6 =	vadd.f32 $2.275000000e+02, v6;
	v7 =	vadd.f32 $2.275000000e+02, v7  }
0x218: {  	v14 =	vld [tilespmem:s10+$0x10];
	v8 =	vadd.f32 $2.275000000e+02, v8;
	v9 =	vadd.f32 $2.275000000e+02, v9  }
0x219: {  	v10 =	vadd.f32 $2.275000000e+02, v10;
	v11 =	vadd.f32 $2.275000000e+02, v11  }
0x21a: {  	v4 =	vadd.f32 $8.388608000e+06, v4;
	v5 =	vadd.f32 $8.388608000e+06, v5  }
0x21b: {  	v6 =	vadd.f32 $8.388608000e+06, v6;
	v7 =	vadd.f32 $8.388608000e+06, v7  }
0x21c: {  	v12 =	vmul.f32 $3.200000000e+01, v12;
	v8 =	vadd.f32 $8.388608000e+06, v8;
	v9 =	vadd.f32 $8.388608000e+06, v9  }
0x21d: {  	v14 =	vmul.f32 $3.200000000e+01, v14;
	v10 =	vadd.f32 $8.388608000e+06, v10;
	v11 =	vadd.f32 $8.388608000e+06, v11  }
0x21e: {  	v13 =	vld [tilespmem:s10+$0x0];
	v12 =	vadd.f32 $2.275000000e+02, v12;
	v4 =	vmax.f32 v4, $8.388803000e+06;
	v5 =	vmax.f32 v5, $8.388803000e+06  }
0x21f: {  	v6 =	vmax.f32 v6, $8.388803000e+06;
	v7 =	vmax.f32 v7, $8.388803000e+06;
	v8 =	vmax.f32 v8, $8.388803000e+06  }
0x220: {  	v9 =	vmax.f32 v9, $8.388803000e+06;
	v10 =	vmax.f32 v10, $8.388803000e+06;
	v11 =	vmax.f32 v11, $8.388803000e+06  }
0x221: {  	v15 =	vld [tilespmem:s10+$0x20];
	v4 =	vmin.f32 v4, $8.388868000e+06;
	v5 =	vmin.f32 v5, $8.388868000e+06;
	v6 =	vmin.f32 v6, $8.388868000e+06  }
0x222: {  	v16 =	vld [tilespmem:s10+$0x30];
	v7 =	vmin.f32 v7, $8.388868000e+06;
	v8 =	vmin.f32 v8, $8.388868000e+06;
	v4 =	vadd.s32 v2, v4  }
0x223: {  	v9 =	vmin.f32 v9, $8.388868000e+06;
	v17 =	vadd.s32 v2, v5;
	v5 =	vmul.f32 $3.200000000e+01, v13  }
0x224: {  	v10 =	vmin.f32 v10, $8.388868000e+06;
	v13 =	vld [tilespmem:s10+$0x40];
	v18 =	vadd.s32 v2, v6;
	v19 =	vadd.s32 v2, v7  }
0x225: {  	v20 =	vld [tilespmem:s10+$0x50];
	v7 =	vadd.s32 v2, v8;
	v6 =	vadd.s32 v2, v9;
	v9 =	vadd.f32 $2.275000000e+02, v5  }
0x226: {  	v8 =	vld [tilespmem:s10+$0x60];
	v5 =	vadd.s32 v2, v10;
	v10 =	vmul.f32 $3.200000000e+01, v15;
	v15 =	vadd.f32 $8.388608000e+06, v12  }
0x227: {  	v16 =	vmul.f32 $3.200000000e+01, v16;
	v11 =	vmin.f32 v11, $8.388868000e+06;
	[tilespmem:v4+s26+$0x0] =	vst.idx.add.f32.msk $0xffff, v3  }
0x228: {  	v12 =	vadd.f32 $2.275000000e+02, v14;
	v15 =	vmax.f32 v15, $8.388803000e+06;
	v4 =	vadd.s32 v2, v11;
	[tilespmem:v17+s26+$0x0] =	vst.idx.add.f32.msk $0xffff, v3  }
0x229: {  	s15 =	simm.s32 $0x100;
	v11 =	vadd.f32 $8.388608000e+06, v9;
	v9 =	vadd.f32 $2.275000000e+02, v10;
	v14 =	vmul.f32 $3.200000000e+01, v13;
	[tilespmem:v18+s26+$0x0] =	vst.idx.add.f32.msk $0xffff, v3  }
0x22a: {  	s12 =	simm.s32 $0x40;
	s14 =	simm.s32 $0x800;
	s10 =	simm.s32 $0x8;
	v10 =	vadd.f32 $2.275000000e+02, v16;
	v13 =	vmul.f32 $3.200000000e+01, v20;
	v15 =	vmin.f32 v15, $8.388868000e+06;
	[tilespmem:v19+s26+$0x0] =	vst.idx.add.f32.msk $0xffff, v3  }
.LBB2_23:
0x22b: {  	s16 =	sand.u32 $0x3000, s15;
	s17 =	sand.u32 $0xC00, s14;
	s10 =	sadd.s32 $0x8, s10;
	v14 =	vadd.f32 $2.275000000e+02, v14;
	v8 =	vmul.f32 $3.200000000e+01, v8;
	v15 =	vadd.s32 v2, v15;
	[tilespmem:v7+s26+$0x0] =	vst.idx.add.f32.msk $0xffff, v3  }
0x22c: {  	s18 =	sand.u32 $0x380, s12;
	v7 =	vmax.f32 v11, $8.388803000e+06;
	v11 =	vadd.f32 $8.388608000e+06, v12;
	s16 =	sor.u32 s17, s16;
	p0 =	slt.u32 s10, $0x3F8;
	v12 =	vadd.f32 $2.275000000e+02, v13;
	[tilespmem:v6+s26+$0x0] =	vst.idx.add.f32.msk $0xffff, v3  }
0x22d: {  	v6 =	vmin.f32 v7, $8.388868000e+06;
	v7 =	vadd.f32 $8.388608000e+06, v9;
	s16 =	sor.u32 s18, s16;
	v8 =	vadd.f32 $2.275000000e+02, v8;
	[tilespmem:v5+s26+$0x0] =	vst.idx.add.f32.msk $0xffff, v3  }
0x22e: {  	v10 =	vadd.f32 $8.388608000e+06, v10;
	v9 =	vmax.f32 v11, $8.388803000e+06;
	v11 =	vadd.f32 $8.388608000e+06, v14;
	v5 =	vld [tilespmem:s16+$0x70]  }
0x22f: {  	v7 =	vmax.f32 v7, $8.388803000e+06;
	v12 =	vadd.f32 $8.388608000e+06, v12;
	v13 =	vld [tilespmem:s16+$0x0];
	v8 =	vadd.f32 $8.388608000e+06, v8  }
0x230: {  	v9 =	vmin.f32 v9, $8.388868000e+06;
	v10 =	vmax.f32 v10, $8.388803000e+06;
	v11 =	vmax.f32 v11, $8.388803000e+06;
	[tilespmem:v15+s26+$0x0] =	vst.idx.add.f32.msk $0xffff, v3  }
0x231: {  	v7 =	vmin.f32 v7, $8.388868000e+06;
	v12 =	vmax.f32 v12, $8.388803000e+06;
	v14 =	vld [tilespmem:s16+$0x10];
	v8 =	vmax.f32 v8, $8.388803000e+06  }
0x232: {  	v10 =	vmin.f32 v10, $8.388868000e+06;
	v11 =	vmin.f32 v11, $8.388868000e+06;
	v12 =	vmin.f32 v12, $8.388868000e+06;
	v15 =	vld [tilespmem:s16+$0x20]  }
0x233: {  	v17 =	vadd.s32 v2, v6;
	v18 =	vmin.f32 v8, $8.388868000e+06;
	v16 =	vld [tilespmem:s16+$0x30];
	v5 =	vmul.f32 $3.200000000e+01, v5  }
0x234: {  	v19 =	vadd.s32 v2, v9;
	v20 =	vadd.s32 v2, v7;
	v8 =	vmul.f32 $3.200000000e+01, v13;
	v13 =	vld [tilespmem:s16+$0x40]  }
0x235: {  	v7 =	vadd.s32 v2, v10;
	v6 =	vadd.s32 v2, v11;
	v21 =	vld [tilespmem:s16+$0x50];
	v9 =	vadd.f32 $2.275000000e+02, v5  }
.Ltmp10:
0x236: {  	v5 =	vadd.s32 v2, v12;
	v10 =	vadd.f32 $2.275000000e+02, v8;
	v14 =	vmul.f32 $3.200000000e+01, v14;
	v8 =	vld [tilespmem:s16+$0x60];
	(pc) =	sbr.rel @p0 .LBB2_23-.Ltmp10, $4  }
0x237: {  	v15 =	vmul.f32 $3.200000000e+01, v15;
	v22 =	vadd.f32 $8.388608000e+06, v9;
	[tilespmem:v4+s26+$0x0] =	vst.idx.add.f32.msk $0xffff, v3;
	v4 =	vadd.s32 v2, v18  }
0x238: {  	v11 =	vadd.f32 $8.388608000e+06, v10;
	v12 =	vadd.f32 $2.275000000e+02, v14;
	v10 =	vmul.f32 $3.200000000e+01, v16;
	[tilespmem:v17+s26+$0x0] =	vst.idx.add.f32.msk $0xffff, v3  }
0x239: {  	v9 =	vadd.f32 $2.275000000e+02, v15;
	v14 =	vmul.f32 $3.200000000e+01, v13;
	v15 =	vmax.f32 v22, $8.388803000e+06;
	[tilespmem:v19+s26+$0x0] =	vst.idx.add.f32.msk $0xffff, v3  }
0x23a: {  	s12 =	sadd.s32 $0x20, s12;
	s14 =	sadd.s32 $0x400, s14;
	s15 =	sadd.s32 $0x80, s15;
	v10 =	vadd.f32 $2.275000000e+02, v10;
	v13 =	vmul.f32 $3.200000000e+01, v21;
	v15 =	vmin.f32 v15, $8.388868000e+06;
	[tilespmem:v20+s26+$0x0] =	vst.idx.add.f32.msk $0xffff, v3  }
0x23b: {  	v14 =	vadd.f32 $2.275000000e+02, v14;
	v8 =	vmul.f32 $3.200000000e+01, v8  }
0x23c: {  	v15 =	vadd.s32 v2, v15;
	v11 =	vmax.f32 v11, $8.388803000e+06;
	v12 =	vadd.f32 $8.388608000e+06, v12  }
0x23d: {  	v9 =	vadd.f32 $8.388608000e+06, v9;
	v13 =	vadd.f32 $2.275000000e+02, v13;
	v11 =	vmin.f32 v11, $8.388868000e+06  }
0x23e: {  	v10 =	vadd.f32 $8.388608000e+06, v10;
	v8 =	vadd.f32 $2.275000000e+02, v8;
	v12 =	vmax.f32 v12, $8.388803000e+06  }
0x23f: {  	v14 =	vadd.f32 $8.388608000e+06, v14;
	v9 =	vmax.f32 v9, $8.388803000e+06;
	v11 =	vadd.s32 v2, v11  }
0x240: {  	[tilespmem:v6+s26+$0x0] =	vst.idx.add.f32.msk $0xffff, v3;
	v13 =	vadd.f32 $8.388608000e+06, v13;
	v6 =	vmax.f32 v10, $8.388803000e+06;
	v9 =	vmin.f32 v9, $8.388868000e+06  }
0x241: {  	[tilespmem:v7+s26+$0x0] =	vst.idx.add.f32.msk $0xffff, v3;
	v7 =	vadd.f32 $8.388608000e+06, v8;
	v8 =	vmin.f32 v12, $8.388868000e+06;
	v9 =	vadd.s32 v2, v9  }
0x242: {  	[tilespmem:v5+s26+$0x0] =	vst.idx.add.f32.msk $0xffff, v3;
	v5 =	vmax.f32 v14, $8.388803000e+06;
	v6 =	vmin.f32 v6, $8.388868000e+06;
	v8 =	vadd.s32 v2, v8  }
0x243: {  	[tilespmem:v4+s26+$0x0] =	vst.idx.add.f32.msk $0xffff, v3;
	v10 =	vmax.f32 v13, $8.388803000e+06;
	v5 =	vmin.f32 v5, $8.388868000e+06;
	v6 =	vadd.s32 v2, v6  }
0x244: {  	[tilespmem:v15+s26+$0x0] =	vst.idx.add.f32.msk $0xffff, v3;
	v7 =	vmax.f32 v7, $8.388803000e+06;
	v10 =	vmin.f32 v10, $8.388868000e+06;
	v5 =	vadd.s32 v2, v5  }
0x245: {  	v4 =	vmin.f32 v7, $8.388868000e+06;
	v7 =	vadd.s32 v2, v10;
	[tilespmem:v11+s26+$0x0] =	vst.idx.add.f32.msk $0xffff, v3  }
0x246: {  	v4 =	vadd.s32 v2, v4;
	[tilespmem:v9+s26+$0x0] =	vst.idx.add.f32.msk $0xffff, v3  }
0x247: {  	[tilespmem:v8+s26+$0x0] =	vst.idx.add.f32.msk $0xffff, v3  }
0x248: {  	p0 =	seq.s32 s2, $0x7;
	[tilespmem:v6+s26+$0x0] =	vst.idx.add.f32.msk $0xffff, v3  }
0x249: {  	s6 =	sadd.s32 @!p0 s6, s8;
	[tilespmem:v5+s26+$0x0] =	vst.idx.add.f32.msk $0xffff, v3  }
0x24a: {  	s6 =	sshrl.u32 @!p0 s6, $0x3;
	[tilespmem:v7+s26+$0x0] =	vst.idx.add.f32.msk $0xffff, v3  }
0x24b: {  	s14 =	simm.s32 $0x0;
	s10 =	simm.s32 @!p0 $0x0;
	s6 =	sadd.s32 @!p0 s3, s6;
	[tilespmem:v4+s26+$0x0] =	vst.idx.add.f32.msk $0xffff, v3  }
0x24c: {  	[tilespmem:s10], [sflag:$0x1] =	stream.linear.gather @!p0 [hbm4b:s6+s10], $0x4000, $0x38;
	[tilespmem:$0x9C00] =	vst v63  }
0x24d: {  	s15 =	sand.u32 $0x3000, s14;
	s12 =	sand.u32 $0xC00, s14;
	_ =	swait.ge [sflag:s28], $0x4000  }
0x24e: {  	s6 =	sand.u32 $0x380, s14;
	s10 =	sor.u32 s12, s15;
	[sflag:s28] =	ssyncset.done $0x0  }
0x24f: {  	s6 =	sor.u32 s6, s10;
	[sflag:s28] =	ssyncadd.s32 $0xFFFFC000  }
0x250: {  	v4 =	vld [tilespmem:s6+$0x4070]  }
0x251: {  	v5 =	vld [tilespmem:s6+$0x4000]  }
0x252: {  	v6 =	vld [tilespmem:s6+$0x4010]  }
0x253: {  	v7 =	vld [tilespmem:s6+$0x4020]  }
0x254: {  	v8 =	vld [tilespmem:s6+$0x4030]  }
0x255: {  	v9 =	vld [tilespmem:s6+$0x4040]  }
0x256: {  	v10 =	vld [tilespmem:s6+$0x4050]  }
0x257: {  	v11 =	vld [tilespmem:s6+$0x4060]  }
0x258: {  	s16 =	simm.s32 $0x400;
	s17 =	simm.s32 $0x80;
	v4 =	vmul.f32 $3.200000000e+01, v4;
	v5 =	vmul.f32 $3.200000000e+01, v5  }
0x259: {  	s18 =	simm.s32 $0x20;
	s10 =	sand.u32 $0x3000, s17;
	s6 =	sand.u32 $0xC00, s16;
	v6 =	vmul.f32 $3.200000000e+01, v6;
	v7 =	vmul.f32 $3.200000000e+01, v7  }
0x25a: {  	s12 =	sand.u32 $0x380, s18;
	s6 =	sor.u32 s6, s10;
	v8 =	vmul.f32 $3.200000000e+01, v8;
	v9 =	vmul.f32 $3.200000000e+01, v9  }
0x25b: {  	s6 =	sor.u32 s12, s6;
	v10 =	vmul.f32 $3.200000000e+01, v10;
	v4 =	vadd.f32 $2.275000000e+02, v4;
	v5 =	vadd.f32 $2.275000000e+02, v5  }
0x25c: {  	v12 =	vld [tilespmem:s6+$0x4070];
	v11 =	vmul.f32 $3.200000000e+01, v11;
	v6 =	vadd.f32 $2.275000000e+02, v6;
	v7 =	vadd.f32 $2.275000000e+02, v7  }
0x25d: {  	v14 =	vld [tilespmem:s6+$0x4010];
	v8 =	vadd.f32 $2.275000000e+02, v8;
	v9 =	vadd.f32 $2.275000000e+02, v9  }
0x25e: {  	v10 =	vadd.f32 $2.275000000e+02, v10;
	v11 =	vadd.f32 $2.275000000e+02, v11  }
0x25f: {  	v4 =	vadd.f32 $8.388608000e+06, v4;
	v5 =	vadd.f32 $8.388608000e+06, v5  }
0x260: {  	v6 =	vadd.f32 $8.388608000e+06, v6;
	v7 =	vadd.f32 $8.388608000e+06, v7  }
0x261: {  	v12 =	vmul.f32 $3.200000000e+01, v12;
	v8 =	vadd.f32 $8.388608000e+06, v8;
	v9 =	vadd.f32 $8.388608000e+06, v9  }
0x262: {  	v14 =	vmul.f32 $3.200000000e+01, v14;
	v10 =	vadd.f32 $8.388608000e+06, v10;
	v11 =	vadd.f32 $8.388608000e+06, v11  }
0x263: {  	v13 =	vld [tilespmem:s6+$0x4000];
	v12 =	vadd.f32 $2.275000000e+02, v12;
	v4 =	vmax.f32 v4, $8.388803000e+06;
	v5 =	vmax.f32 v5, $8.388803000e+06  }
0x264: {  	v6 =	vmax.f32 v6, $8.388803000e+06;
	v7 =	vmax.f32 v7, $8.388803000e+06;
	v8 =	vmax.f32 v8, $8.388803000e+06  }
0x265: {  	v9 =	vmax.f32 v9, $8.388803000e+06;
	v10 =	vmax.f32 v10, $8.388803000e+06;
	v11 =	vmax.f32 v11, $8.388803000e+06  }
0x266: {  	v15 =	vld [tilespmem:s6+$0x4020];
	v4 =	vmin.f32 v4, $8.388868000e+06;
	v5 =	vmin.f32 v5, $8.388868000e+06;
	v6 =	vmin.f32 v6, $8.388868000e+06  }
0x267: {  	v16 =	vld [tilespmem:s6+$0x4030];
	v7 =	vmin.f32 v7, $8.388868000e+06;
	v8 =	vmin.f32 v8, $8.388868000e+06;
	v4 =	vadd.s32 v2, v4  }
0x268: {  	v9 =	vmin.f32 v9, $8.388868000e+06;
	v17 =	vadd.s32 v2, v5;
	v5 =	vmul.f32 $3.200000000e+01, v13  }
0x269: {  	v10 =	vmin.f32 v10, $8.388868000e+06;
	v13 =	vld [tilespmem:s6+$0x4040];
	v18 =	vadd.s32 v2, v6;
	v19 =	vadd.s32 v2, v7  }
0x26a: {  	v20 =	vld [tilespmem:s6+$0x4050];
	v7 =	vadd.s32 v2, v8;
	v6 =	vadd.s32 v2, v9;
	v9 =	vadd.f32 $2.275000000e+02, v5  }
0x26b: {  	v8 =	vld [tilespmem:s6+$0x4060];
	v5 =	vadd.s32 v2, v10;
	v10 =	vmul.f32 $3.200000000e+01, v15;
	v15 =	vadd.f32 $8.388608000e+06, v12  }
0x26c: {  	v16 =	vmul.f32 $3.200000000e+01, v16;
	v11 =	vmin.f32 v11, $8.388868000e+06;
	[tilespmem:v4+s26+$0x0] =	vst.idx.add.f32.msk $0xffff, v3  }
0x26d: {  	v12 =	vadd.f32 $2.275000000e+02, v14;
	v15 =	vmax.f32 v15, $8.388803000e+06;
	v4 =	vadd.s32 v2, v11;
	[tilespmem:v17+s26+$0x0] =	vst.idx.add.f32.msk $0xffff, v3  }
0x26e: {  	s14 =	simm.s32 $0x100;
	v11 =	vadd.f32 $8.388608000e+06, v9;
	v9 =	vadd.f32 $2.275000000e+02, v10;
	v14 =	vmul.f32 $3.200000000e+01, v13;
	[tilespmem:v18+s26+$0x0] =	vst.idx.add.f32.msk $0xffff, v3  }
0x26f: {  	s10 =	simm.s32 $0x40;
	s12 =	simm.s32 $0x800;
	s6 =	simm.s32 $0x8;
	v10 =	vadd.f32 $2.275000000e+02, v16;
	v13 =	vmul.f32 $3.200000000e+01, v20;
	v15 =	vmin.f32 v15, $8.388868000e+06;
	[tilespmem:v19+s26+$0x0] =	vst.idx.add.f32.msk $0xffff, v3  }
.LBB2_25:
0x270: {  	s15 =	sand.u32 $0x3000, s14;
	s16 =	sand.u32 $0xC00, s12;
	s6 =	sadd.s32 $0x8, s6;
	v14 =	vadd.f32 $2.275000000e+02, v14;
	v8 =	vmul.f32 $3.200000000e+01, v8;
	v15 =	vadd.s32 v2, v15;
	[tilespmem:v7+s26+$0x0] =	vst.idx.add.f32.msk $0xffff, v3  }
0x271: {  	s17 =	sand.u32 $0x380, s10;
	v7 =	vmax.f32 v11, $8.388803000e+06;
	v11 =	vadd.f32 $8.388608000e+06, v12;
	s15 =	sor.u32 s16, s15;
	p0 =	slt.u32 s6, $0x3F8;
	v12 =	vadd.f32 $2.275000000e+02, v13;
	[tilespmem:v6+s26+$0x0] =	vst.idx.add.f32.msk $0xffff, v3  }
0x272: {  	v6 =	vmin.f32 v7, $8.388868000e+06;
	v7 =	vadd.f32 $8.388608000e+06, v9;
	s15 =	sor.u32 s17, s15;
	v8 =	vadd.f32 $2.275000000e+02, v8;
	[tilespmem:v5+s26+$0x0] =	vst.idx.add.f32.msk $0xffff, v3  }
0x273: {  	v10 =	vadd.f32 $8.388608000e+06, v10;
	v9 =	vmax.f32 v11, $8.388803000e+06;
	v11 =	vadd.f32 $8.388608000e+06, v14;
	v5 =	vld [tilespmem:s15+$0x4070]  }
0x274: {  	v7 =	vmax.f32 v7, $8.388803000e+06;
	v12 =	vadd.f32 $8.388608000e+06, v12;
	v13 =	vld [tilespmem:s15+$0x4000];
	v8 =	vadd.f32 $8.388608000e+06, v8  }
0x275: {  	v9 =	vmin.f32 v9, $8.388868000e+06;
	v10 =	vmax.f32 v10, $8.388803000e+06;
	v11 =	vmax.f32 v11, $8.388803000e+06;
	[tilespmem:v15+s26+$0x0] =	vst.idx.add.f32.msk $0xffff, v3  }
0x276: {  	v7 =	vmin.f32 v7, $8.388868000e+06;
	v12 =	vmax.f32 v12, $8.388803000e+06;
	v14 =	vld [tilespmem:s15+$0x4010];
	v8 =	vmax.f32 v8, $8.388803000e+06  }
0x277: {  	v10 =	vmin.f32 v10, $8.388868000e+06;
	v11 =	vmin.f32 v11, $8.388868000e+06;
	v12 =	vmin.f32 v12, $8.388868000e+06;
	v15 =	vld [tilespmem:s15+$0x4020]  }
0x278: {  	v17 =	vadd.s32 v2, v6;
	v18 =	vmin.f32 v8, $8.388868000e+06;
	v16 =	vld [tilespmem:s15+$0x4030];
	v5 =	vmul.f32 $3.200000000e+01, v5  }
0x279: {  	v19 =	vadd.s32 v2, v9;
	v20 =	vadd.s32 v2, v7;
	v8 =	vmul.f32 $3.200000000e+01, v13;
	v13 =	vld [tilespmem:s15+$0x4040]  }
0x27a: {  	v7 =	vadd.s32 v2, v10;
	v6 =	vadd.s32 v2, v11;
	v21 =	vld [tilespmem:s15+$0x4050];
	v9 =	vadd.f32 $2.275000000e+02, v5  }
.Ltmp11:
0x27b: {  	v5 =	vadd.s32 v2, v12;
	v10 =	vadd.f32 $2.275000000e+02, v8;
	v14 =	vmul.f32 $3.200000000e+01, v14;
	v8 =	vld [tilespmem:s15+$0x4060];
	(pc) =	sbr.rel @p0 .LBB2_25-.Ltmp11, $4  }
0x27c: {  	v15 =	vmul.f32 $3.200000000e+01, v15;
	v22 =	vadd.f32 $8.388608000e+06, v9;
	[tilespmem:v4+s26+$0x0] =	vst.idx.add.f32.msk $0xffff, v3;
	v4 =	vadd.s32 v2, v18  }
0x27d: {  	v11 =	vadd.f32 $8.388608000e+06, v10;
	v12 =	vadd.f32 $2.275000000e+02, v14;
	v10 =	vmul.f32 $3.200000000e+01, v16;
	[tilespmem:v17+s26+$0x0] =	vst.idx.add.f32.msk $0xffff, v3  }
0x27e: {  	v9 =	vadd.f32 $2.275000000e+02, v15;
	v14 =	vmul.f32 $3.200000000e+01, v13;
	v15 =	vmax.f32 v22, $8.388803000e+06;
	[tilespmem:v19+s26+$0x0] =	vst.idx.add.f32.msk $0xffff, v3  }
0x27f: {  	s10 =	sadd.s32 $0x20, s10;
	s12 =	sadd.s32 $0x400, s12;
	s14 =	sadd.s32 $0x80, s14;
	v10 =	vadd.f32 $2.275000000e+02, v10;
	v13 =	vmul.f32 $3.200000000e+01, v21;
	v15 =	vmin.f32 v15, $8.388868000e+06;
	[tilespmem:v20+s26+$0x0] =	vst.idx.add.f32.msk $0xffff, v3  }
0x280: {  	v14 =	vadd.f32 $2.275000000e+02, v14;
	v8 =	vmul.f32 $3.200000000e+01, v8  }
0x281: {  	v15 =	vadd.s32 v2, v15;
	v11 =	vmax.f32 v11, $8.388803000e+06;
	v12 =	vadd.f32 $8.388608000e+06, v12  }
0x282: {  	v9 =	vadd.f32 $8.388608000e+06, v9;
	v13 =	vadd.f32 $2.275000000e+02, v13;
	v11 =	vmin.f32 v11, $8.388868000e+06  }
0x283: {  	v10 =	vadd.f32 $8.388608000e+06, v10;
	v8 =	vadd.f32 $2.275000000e+02, v8;
	v12 =	vmax.f32 v12, $8.388803000e+06  }
0x284: {  	v14 =	vadd.f32 $8.388608000e+06, v14;
	v9 =	vmax.f32 v9, $8.388803000e+06;
	v11 =	vadd.s32 v2, v11  }
0x285: {  	[tilespmem:v7+s26+$0x0] =	vst.idx.add.f32.msk $0xffff, v3;
	v13 =	vadd.f32 $8.388608000e+06, v13;
	v60 =	vmin.f32 v12, $8.388868000e+06;
	v61 =	vmax.f32 v10, $8.388803000e+06  }
0x286: {  	[tilespmem:v6+s26+$0x0] =	vst.idx.add.f32.msk $0xffff, v3;
	v9 =	vmin.f32 v9, $8.388868000e+06;
	v59 =	vadd.f32 $8.388608000e+06, v8;
	v8 =	vadd.s32 v2, v60  }
0x287: {  	[tilespmem:v5+s26+$0x0] =	vst.idx.add.f32.msk $0xffff, v3;
	v5 =	vmax.f32 v14, $8.388803000e+06;
	v6 =	vmin.f32 v61, $8.388868000e+06;
	v9 =	vadd.s32 v2, v9  }
0x288: {  	[tilespmem:v4+s26+$0x0] =	vst.idx.add.f32.msk $0xffff, v3;
	v62 =	vmax.f32 v13, $8.388803000e+06;
	v5 =	vmin.f32 v5, $8.388868000e+06;
	v6 =	vadd.s32 v2, v6  }
0x289: {  	[tilespmem:v15+s26+$0x0] =	vst.idx.add.f32.msk $0xffff, v3;
	v7 =	vmax.f32 v59, $8.388803000e+06;
	v10 =	vmin.f32 v62, $8.388868000e+06;
	v5 =	vadd.s32 v2, v5  }
0x28a: {  	s2 =	sadd.s32 $0x1, s2;
	v4 =	vmin.f32 v7, $8.388868000e+06;
	v63 =	vadd.s32 v2, v10;
	[tilespmem:v11+s26+$0x0] =	vst.idx.add.f32.msk $0xffff, v3  }
0x28b: {  	p0 =	sne.s32 s2, $0x8;
	v4 =	vadd.s32 v2, v4;
	[tilespmem:v8+s26+$0x0] =	vst.idx.add.f32.msk $0xffff, v3  }
.Ltmp12:
0x28c: {  	[tilespmem:v9+s26+$0x0] =	vst.idx.add.f32.msk $0xffff, v3;
	(pc) =	sbr.rel @p0 .LBB2_22-.Ltmp12, $4  }
0x28d: {  	[tilespmem:v6+s26+$0x0] =	vst.idx.add.f32.msk $0xffff, v3  }
0x28e: {  	[tilespmem:v5+s26+$0x0] =	vst.idx.add.f32.msk $0xffff, v3  }
0x28f: {  	[tilespmem:v63+s26+$0x0] =	vst.idx.add.f32.msk $0xffff, v3  }
0x290: {  	[tilespmem:v4+s26+$0x0] =	vst.idx.add.f32.msk $0xffff, v3  }
0x291: {  	s31 =	simm.s32 $0x0;
	s2 =	rddreg [dreg:$0x8]  }
0x292: {  	[tilespmem:s31], [sflag:$0x1] =	stream.linear.gather [hbm4b:s2+s31], $0x4000, $0x38;
	[tilespmem:$0x9C00] =	vst v63  }
0x293: {  	s2 =	simm.s32 $0x0  }
.LBB2_28:
0x294: {  	s6 =	sshll.u32 s2, $0xF  }
0x295: {  	s10 =	sadd.s32 s6, s7  }
0x296: {  	s10 =	sadd.s32 $0x4000, s10  }
0x297: {  	s10 =	sshrl.u32 s10, $0x3  }
0x298: {  	s10 =	sadd.s32 s3, s10  }
0x299: {  	[tilespmem:s24], [sflag:$0x2] =	stream.linear.gather [hbm4b:s10+s31], $0x4000, $0x38;
	[tilespmem:$0x9C00] =	vst v63  }
0x29a: {  	s15 =	sand.u32 $0x3000, s31;
	s12 =	sand.u32 $0xC00, s31;
	_ =	swait.ge [sflag:s25], $0x4000  }
0x29b: {  	s14 =	sand.u32 $0x380, s31;
	s10 =	sor.u32 s12, s15;
	[sflag:s25] =	ssyncset.done $0x0  }
0x29c: {  	s10 =	sor.u32 s14, s10;
	[sflag:s25] =	ssyncadd.s32 $0xFFFFC000  }
0x29d: {  	v4 =	vld [tilespmem:s10+$0x70]  }
0x29e: {  	v5 =	vld [tilespmem:s10+$0x0]  }
0x29f: {  	v6 =	vld [tilespmem:s10+$0x10]  }
0x2a0: {  	v7 =	vld [tilespmem:s10+$0x20]  }
0x2a1: {  	v8 =	vld [tilespmem:s10+$0x30]  }
0x2a2: {  	v9 =	vld [tilespmem:s10+$0x40]  }
0x2a3: {  	v10 =	vld [tilespmem:s10+$0x50]  }
0x2a4: {  	v11 =	vld [tilespmem:s10+$0x60]  }
0x2a5: {  	s16 =	simm.s32 $0x400;
	s17 =	simm.s32 $0x80;
	v4 =	vmul.f32 $3.200000000e+01, v4;
	v5 =	vmul.f32 $3.200000000e+01, v5  }
0x2a6: {  	s18 =	simm.s32 $0x20;
	s12 =	sand.u32 $0x3000, s17;
	s10 =	sand.u32 $0xC00, s16;
	v6 =	vmul.f32 $3.200000000e+01, v6;
	v7 =	vmul.f32 $3.200000000e+01, v7  }
0x2a7: {  	s14 =	sand.u32 $0x380, s18;
	s10 =	sor.u32 s10, s12;
	v8 =	vmul.f32 $3.200000000e+01, v8;
	v9 =	vmul.f32 $3.200000000e+01, v9  }
0x2a8: {  	s10 =	sor.u32 s14, s10;
	v10 =	vmul.f32 $3.200000000e+01, v10;
	v4 =	vadd.f32 $2.925000000e+02, v4;
	v5 =	vadd.f32 $2.925000000e+02, v5  }
0x2a9: {  	v12 =	vld [tilespmem:s10+$0x70];
	v11 =	vmul.f32 $3.200000000e+01, v11;
	v6 =	vadd.f32 $2.925000000e+02, v6;
	v7 =	vadd.f32 $2.925000000e+02, v7  }
0x2aa: {  	v14 =	vld [tilespmem:s10+$0x10];
	v8 =	vadd.f32 $2.925000000e+02, v8;
	v9 =	vadd.f32 $2.925000000e+02, v9  }
0x2ab: {  	v10 =	vadd.f32 $2.925000000e+02, v10;
	v11 =	vadd.f32 $2.925000000e+02, v11  }
0x2ac: {  	v4 =	vadd.f32 $8.388608000e+06, v4;
	v5 =	vadd.f32 $8.388608000e+06, v5  }
0x2ad: {  	v6 =	vadd.f32 $8.388608000e+06, v6;
	v7 =	vadd.f32 $8.388608000e+06, v7  }
0x2ae: {  	v12 =	vmul.f32 $3.200000000e+01, v12;
	v8 =	vadd.f32 $8.388608000e+06, v8;
	v9 =	vadd.f32 $8.388608000e+06, v9  }
0x2af: {  	v14 =	vmul.f32 $3.200000000e+01, v14;
	v10 =	vadd.f32 $8.388608000e+06, v10;
	v11 =	vadd.f32 $8.388608000e+06, v11  }
0x2b0: {  	v13 =	vld [tilespmem:s10+$0x0];
	v12 =	vadd.f32 $2.925000000e+02, v12;
	v4 =	vmax.f32 v4, $8.388868000e+06;
	v5 =	vmax.f32 v5, $8.388868000e+06  }
0x2b1: {  	v6 =	vmax.f32 v6, $8.388868000e+06;
	v7 =	vmax.f32 v7, $8.388868000e+06;
	v8 =	vmax.f32 v8, $8.388868000e+06  }
0x2b2: {  	v9 =	vmax.f32 v9, $8.388868000e+06;
	v10 =	vmax.f32 v10, $8.388868000e+06;
	v11 =	vmax.f32 v11, $8.388868000e+06  }
0x2b3: {  	v15 =	vld [tilespmem:s10+$0x20];
	v4 =	vmin.f32 v4, $8.388933000e+06;
	v5 =	vmin.f32 v5, $8.388933000e+06;
	v6 =	vmin.f32 v6, $8.388933000e+06  }
0x2b4: {  	v16 =	vld [tilespmem:s10+$0x30];
	v7 =	vmin.f32 v7, $8.388933000e+06;
	v8 =	vmin.f32 v8, $8.388933000e+06;
	v4 =	vadd.s32 v2, v4  }
0x2b5: {  	v9 =	vmin.f32 v9, $8.388933000e+06;
	v17 =	vadd.s32 v2, v5;
	v5 =	vmul.f32 $3.200000000e+01, v13  }
0x2b6: {  	v10 =	vmin.f32 v10, $8.388933000e+06;
	v13 =	vld [tilespmem:s10+$0x40];
	v18 =	vadd.s32 v2, v6;
	v19 =	vadd.s32 v2, v7  }
0x2b7: {  	v20 =	vld [tilespmem:s10+$0x50];
	v7 =	vadd.s32 v2, v8;
	v6 =	vadd.s32 v2, v9;
	v9 =	vadd.f32 $2.925000000e+02, v5  }
0x2b8: {  	v8 =	vld [tilespmem:s10+$0x60];
	v5 =	vadd.s32 v2, v10;
	v10 =	vmul.f32 $3.200000000e+01, v15;
	v15 =	vadd.f32 $8.388608000e+06, v12  }
0x2b9: {  	v16 =	vmul.f32 $3.200000000e+01, v16;
	v11 =	vmin.f32 v11, $8.388933000e+06;
	[tilespmem:v4+s26+$0x0] =	vst.idx.add.f32.msk $0xffff, v3  }
0x2ba: {  	v12 =	vadd.f32 $2.925000000e+02, v14;
	v15 =	vmax.f32 v15, $8.388868000e+06;
	v4 =	vadd.s32 v2, v11;
	[tilespmem:v17+s26+$0x0] =	vst.idx.add.f32.msk $0xffff, v3  }
0x2bb: {  	s15 =	simm.s32 $0x100;
	v11 =	vadd.f32 $8.388608000e+06, v9;
	v9 =	vadd.f32 $2.925000000e+02, v10;
	v14 =	vmul.f32 $3.200000000e+01, v13;
	[tilespmem:v18+s26+$0x0] =	vst.idx.add.f32.msk $0xffff, v3  }
0x2bc: {  	s12 =	simm.s32 $0x40;
	s14 =	simm.s32 $0x800;
	s10 =	simm.s32 $0x8;
	v10 =	vadd.f32 $2.925000000e+02, v16;
	v13 =	vmul.f32 $3.200000000e+01, v20;
	v15 =	vmin.f32 v15, $8.388933000e+06;
	[tilespmem:v19+s26+$0x0] =	vst.idx.add.f32.msk $0xffff, v3  }
.LBB2_29:
0x2bd: {  	s16 =	sand.u32 $0x3000, s15;
	s17 =	sand.u32 $0xC00, s14;
	s10 =	sadd.s32 $0x8, s10;
	v14 =	vadd.f32 $2.925000000e+02, v14;
	v8 =	vmul.f32 $3.200000000e+01, v8;
	v15 =	vadd.s32 v2, v15;
	[tilespmem:v7+s26+$0x0] =	vst.idx.add.f32.msk $0xffff, v3  }
0x2be: {  	s18 =	sand.u32 $0x380, s12;
	v7 =	vmax.f32 v11, $8.388868000e+06;
	v11 =	vadd.f32 $8.388608000e+06, v12;
	s16 =	sor.u32 s17, s16;
	p0 =	slt.u32 s10, $0x3F8;
	v12 =	vadd.f32 $2.925000000e+02, v13;
	[tilespmem:v6+s26+$0x0] =	vst.idx.add.f32.msk $0xffff, v3  }
0x2bf: {  	v6 =	vmin.f32 v7, $8.388933000e+06;
	v7 =	vadd.f32 $8.388608000e+06, v9;
	s16 =	sor.u32 s18, s16;
	v8 =	vadd.f32 $2.925000000e+02, v8;
	[tilespmem:v5+s26+$0x0] =	vst.idx.add.f32.msk $0xffff, v3  }
0x2c0: {  	v10 =	vadd.f32 $8.388608000e+06, v10;
	v9 =	vmax.f32 v11, $8.388868000e+06;
	v11 =	vadd.f32 $8.388608000e+06, v14;
	v5 =	vld [tilespmem:s16+$0x70]  }
0x2c1: {  	v7 =	vmax.f32 v7, $8.388868000e+06;
	v12 =	vadd.f32 $8.388608000e+06, v12;
	v13 =	vld [tilespmem:s16+$0x0];
	v8 =	vadd.f32 $8.388608000e+06, v8  }
0x2c2: {  	v9 =	vmin.f32 v9, $8.388933000e+06;
	v10 =	vmax.f32 v10, $8.388868000e+06;
	v11 =	vmax.f32 v11, $8.388868000e+06;
	[tilespmem:v15+s26+$0x0] =	vst.idx.add.f32.msk $0xffff, v3  }
0x2c3: {  	v7 =	vmin.f32 v7, $8.388933000e+06;
	v12 =	vmax.f32 v12, $8.388868000e+06;
	v14 =	vld [tilespmem:s16+$0x10];
	v8 =	vmax.f32 v8, $8.388868000e+06  }
0x2c4: {  	v10 =	vmin.f32 v10, $8.388933000e+06;
	v11 =	vmin.f32 v11, $8.388933000e+06;
	v12 =	vmin.f32 v12, $8.388933000e+06;
	v15 =	vld [tilespmem:s16+$0x20]  }
0x2c5: {  	v17 =	vadd.s32 v2, v6;
	v18 =	vmin.f32 v8, $8.388933000e+06;
	v16 =	vld [tilespmem:s16+$0x30];
	v5 =	vmul.f32 $3.200000000e+01, v5  }
0x2c6: {  	v19 =	vadd.s32 v2, v9;
	v20 =	vadd.s32 v2, v7;
	v8 =	vmul.f32 $3.200000000e+01, v13;
	v13 =	vld [tilespmem:s16+$0x40]  }
0x2c7: {  	v7 =	vadd.s32 v2, v10;
	v6 =	vadd.s32 v2, v11;
	v21 =	vld [tilespmem:s16+$0x50];
	v9 =	vadd.f32 $2.925000000e+02, v5  }
.Ltmp13:
0x2c8: {  	v5 =	vadd.s32 v2, v12;
	v10 =	vadd.f32 $2.925000000e+02, v8;
	v14 =	vmul.f32 $3.200000000e+01, v14;
	v8 =	vld [tilespmem:s16+$0x60];
	(pc) =	sbr.rel @p0 .LBB2_29-.Ltmp13, $4  }
0x2c9: {  	v15 =	vmul.f32 $3.200000000e+01, v15;
	v22 =	vadd.f32 $8.388608000e+06, v9;
	[tilespmem:v4+s26+$0x0] =	vst.idx.add.f32.msk $0xffff, v3;
	v4 =	vadd.s32 v2, v18  }
0x2ca: {  	v11 =	vadd.f32 $8.388608000e+06, v10;
	v12 =	vadd.f32 $2.925000000e+02, v14;
	v10 =	vmul.f32 $3.200000000e+01, v16;
	[tilespmem:v17+s26+$0x0] =	vst.idx.add.f32.msk $0xffff, v3  }
0x2cb: {  	v9 =	vadd.f32 $2.925000000e+02, v15;
	v14 =	vmul.f32 $3.200000000e+01, v13;
	v15 =	vmax.f32 v22, $8.388868000e+06;
	[tilespmem:v19+s26+$0x0] =	vst.idx.add.f32.msk $0xffff, v3  }
0x2cc: {  	s12 =	sadd.s32 $0x20, s12;
	s14 =	sadd.s32 $0x400, s14;
	s15 =	sadd.s32 $0x80, s15;
	v10 =	vadd.f32 $2.925000000e+02, v10;
	v13 =	vmul.f32 $3.200000000e+01, v21;
	v15 =	vmin.f32 v15, $8.388933000e+06;
	[tilespmem:v20+s26+$0x0] =	vst.idx.add.f32.msk $0xffff, v3  }
0x2cd: {  	v14 =	vadd.f32 $2.925000000e+02, v14;
	v8 =	vmul.f32 $3.200000000e+01, v8  }
0x2ce: {  	v15 =	vadd.s32 v2, v15;
	v11 =	vmax.f32 v11, $8.388868000e+06;
	v12 =	vadd.f32 $8.388608000e+06, v12  }
0x2cf: {  	v9 =	vadd.f32 $8.388608000e+06, v9;
	v13 =	vadd.f32 $2.925000000e+02, v13;
	v11 =	vmin.f32 v11, $8.388933000e+06  }
0x2d0: {  	v10 =	vadd.f32 $8.388608000e+06, v10;
	v8 =	vadd.f32 $2.925000000e+02, v8;
	v12 =	vmax.f32 v12, $8.388868000e+06  }
0x2d1: {  	v14 =	vadd.f32 $8.388608000e+06, v14;
	v9 =	vmax.f32 v9, $8.388868000e+06;
	v11 =	vadd.s32 v2, v11  }
0x2d2: {  	[tilespmem:v6+s26+$0x0] =	vst.idx.add.f32.msk $0xffff, v3;
	v13 =	vadd.f32 $8.388608000e+06, v13;
	v6 =	vmax.f32 v10, $8.388868000e+06;
	v9 =	vmin.f32 v9, $8.388933000e+06  }
0x2d3: {  	[tilespmem:v7+s26+$0x0] =	vst.idx.add.f32.msk $0xffff, v3;
	v7 =	vadd.f32 $8.388608000e+06, v8;
	v8 =	vmin.f32 v12, $8.388933000e+06;
	v9 =	vadd.s32 v2, v9  }
0x2d4: {  	[tilespmem:v5+s26+$0x0] =	vst.idx.add.f32.msk $0xffff, v3;
	v5 =	vmax.f32 v14, $8.388868000e+06;
	v6 =	vmin.f32 v6, $8.388933000e+06;
	v8 =	vadd.s32 v2, v8  }
0x2d5: {  	[tilespmem:v4+s26+$0x0] =	vst.idx.add.f32.msk $0xffff, v3;
	v10 =	vmax.f32 v13, $8.388868000e+06;
	v5 =	vmin.f32 v5, $8.388933000e+06;
	v6 =	vadd.s32 v2, v6  }
0x2d6: {  	[tilespmem:v15+s26+$0x0] =	vst.idx.add.f32.msk $0xffff, v3;
	v7 =	vmax.f32 v7, $8.388868000e+06;
	v10 =	vmin.f32 v10, $8.388933000e+06;
	v5 =	vadd.s32 v2, v5  }
0x2d7: {  	v4 =	vmin.f32 v7, $8.388933000e+06;
	v7 =	vadd.s32 v2, v10;
	[tilespmem:v11+s26+$0x0] =	vst.idx.add.f32.msk $0xffff, v3  }
0x2d8: {  	v4 =	vadd.s32 v2, v4;
	[tilespmem:v9+s26+$0x0] =	vst.idx.add.f32.msk $0xffff, v3  }
0x2d9: {  	[tilespmem:v8+s26+$0x0] =	vst.idx.add.f32.msk $0xffff, v3  }
0x2da: {  	p0 =	seq.s32 s2, $0x7;
	[tilespmem:v6+s26+$0x0] =	vst.idx.add.f32.msk $0xffff, v3  }
0x2db: {  	s6 =	sadd.s32 @!p0 s6, s11;
	[tilespmem:v5+s26+$0x0] =	vst.idx.add.f32.msk $0xffff, v3  }
0x2dc: {  	s6 =	sshrl.u32 @!p0 s6, $0x3;
	[tilespmem:v7+s26+$0x0] =	vst.idx.add.f32.msk $0xffff, v3  }
0x2dd: {  	s14 =	simm.s32 $0x0;
	s10 =	simm.s32 @!p0 $0x0;
	s6 =	sadd.s32 @!p0 s3, s6;
	[tilespmem:v4+s26+$0x0] =	vst.idx.add.f32.msk $0xffff, v3  }
0x2de: {  	[tilespmem:s10], [sflag:$0x1] =	stream.linear.gather @!p0 [hbm4b:s6+s10], $0x4000, $0x38;
	[tilespmem:$0x9C00] =	vst v63  }
0x2df: {  	s15 =	sand.u32 $0x3000, s14;
	s12 =	sand.u32 $0xC00, s14;
	_ =	swait.ge [sflag:s28], $0x4000  }
0x2e0: {  	s6 =	sand.u32 $0x380, s14;
	s10 =	sor.u32 s12, s15;
	[sflag:s28] =	ssyncset.done $0x0  }
0x2e1: {  	s6 =	sor.u32 s6, s10;
	[sflag:s28] =	ssyncadd.s32 $0xFFFFC000  }
0x2e2: {  	v4 =	vld [tilespmem:s6+$0x4070]  }
0x2e3: {  	v5 =	vld [tilespmem:s6+$0x4000]  }
0x2e4: {  	v6 =	vld [tilespmem:s6+$0x4010]  }
0x2e5: {  	v7 =	vld [tilespmem:s6+$0x4020]  }
0x2e6: {  	v8 =	vld [tilespmem:s6+$0x4030]  }
0x2e7: {  	v9 =	vld [tilespmem:s6+$0x4040]  }
0x2e8: {  	v10 =	vld [tilespmem:s6+$0x4050]  }
0x2e9: {  	v11 =	vld [tilespmem:s6+$0x4060]  }
0x2ea: {  	s16 =	simm.s32 $0x400;
	s17 =	simm.s32 $0x80;
	v4 =	vmul.f32 $3.200000000e+01, v4;
	v5 =	vmul.f32 $3.200000000e+01, v5  }
0x2eb: {  	s18 =	simm.s32 $0x20;
	s10 =	sand.u32 $0x3000, s17;
	s6 =	sand.u32 $0xC00, s16;
	v6 =	vmul.f32 $3.200000000e+01, v6;
	v7 =	vmul.f32 $3.200000000e+01, v7  }
0x2ec: {  	s12 =	sand.u32 $0x380, s18;
	s6 =	sor.u32 s6, s10;
	v8 =	vmul.f32 $3.200000000e+01, v8;
	v9 =	vmul.f32 $3.200000000e+01, v9  }
0x2ed: {  	s6 =	sor.u32 s12, s6;
	v10 =	vmul.f32 $3.200000000e+01, v10;
	v4 =	vadd.f32 $2.925000000e+02, v4;
	v5 =	vadd.f32 $2.925000000e+02, v5  }
0x2ee: {  	v12 =	vld [tilespmem:s6+$0x4070];
	v11 =	vmul.f32 $3.200000000e+01, v11;
	v6 =	vadd.f32 $2.925000000e+02, v6;
	v7 =	vadd.f32 $2.925000000e+02, v7  }
0x2ef: {  	v14 =	vld [tilespmem:s6+$0x4010];
	v8 =	vadd.f32 $2.925000000e+02, v8;
	v9 =	vadd.f32 $2.925000000e+02, v9  }
0x2f0: {  	v10 =	vadd.f32 $2.925000000e+02, v10;
	v11 =	vadd.f32 $2.925000000e+02, v11  }
0x2f1: {  	v4 =	vadd.f32 $8.388608000e+06, v4;
	v5 =	vadd.f32 $8.388608000e+06, v5  }
0x2f2: {  	v6 =	vadd.f32 $8.388608000e+06, v6;
	v7 =	vadd.f32 $8.388608000e+06, v7  }
0x2f3: {  	v12 =	vmul.f32 $3.200000000e+01, v12;
	v8 =	vadd.f32 $8.388608000e+06, v8;
	v9 =	vadd.f32 $8.388608000e+06, v9  }
0x2f4: {  	v14 =	vmul.f32 $3.200000000e+01, v14;
	v10 =	vadd.f32 $8.388608000e+06, v10;
	v11 =	vadd.f32 $8.388608000e+06, v11  }
0x2f5: {  	v13 =	vld [tilespmem:s6+$0x4000];
	v12 =	vadd.f32 $2.925000000e+02, v12;
	v4 =	vmax.f32 v4, $8.388868000e+06;
	v5 =	vmax.f32 v5, $8.388868000e+06  }
0x2f6: {  	v6 =	vmax.f32 v6, $8.388868000e+06;
	v7 =	vmax.f32 v7, $8.388868000e+06;
	v8 =	vmax.f32 v8, $8.388868000e+06  }
0x2f7: {  	v9 =	vmax.f32 v9, $8.388868000e+06;
	v10 =	vmax.f32 v10, $8.388868000e+06;
	v11 =	vmax.f32 v11, $8.388868000e+06  }
0x2f8: {  	v15 =	vld [tilespmem:s6+$0x4020];
	v4 =	vmin.f32 v4, $8.388933000e+06;
	v5 =	vmin.f32 v5, $8.388933000e+06;
	v6 =	vmin.f32 v6, $8.388933000e+06  }
0x2f9: {  	v16 =	vld [tilespmem:s6+$0x4030];
	v7 =	vmin.f32 v7, $8.388933000e+06;
	v8 =	vmin.f32 v8, $8.388933000e+06;
	v4 =	vadd.s32 v2, v4  }
0x2fa: {  	v9 =	vmin.f32 v9, $8.388933000e+06;
	v17 =	vadd.s32 v2, v5;
	v5 =	vmul.f32 $3.200000000e+01, v13  }
0x2fb: {  	v10 =	vmin.f32 v10, $8.388933000e+06;
	v13 =	vld [tilespmem:s6+$0x4040];
	v18 =	vadd.s32 v2, v6;
	v19 =	vadd.s32 v2, v7  }
0x2fc: {  	v20 =	vld [tilespmem:s6+$0x4050];
	v7 =	vadd.s32 v2, v8;
	v6 =	vadd.s32 v2, v9;
	v9 =	vadd.f32 $2.925000000e+02, v5  }
0x2fd: {  	v8 =	vld [tilespmem:s6+$0x4060];
	v5 =	vadd.s32 v2, v10;
	v10 =	vmul.f32 $3.200000000e+01, v15;
	v15 =	vadd.f32 $8.388608000e+06, v12  }
0x2fe: {  	v16 =	vmul.f32 $3.200000000e+01, v16;
	v11 =	vmin.f32 v11, $8.388933000e+06;
	[tilespmem:v4+s26+$0x0] =	vst.idx.add.f32.msk $0xffff, v3  }
0x2ff: {  	v12 =	vadd.f32 $2.925000000e+02, v14;
	v15 =	vmax.f32 v15, $8.388868000e+06;
	v4 =	vadd.s32 v2, v11;
	[tilespmem:v17+s26+$0x0] =	vst.idx.add.f32.msk $0xffff, v3  }
0x300: {  	s14 =	simm.s32 $0x100;
	v11 =	vadd.f32 $8.388608000e+06, v9;
	v9 =	vadd.f32 $2.925000000e+02, v10;
	v14 =	vmul.f32 $3.200000000e+01, v13;
	[tilespmem:v18+s26+$0x0] =	vst.idx.add.f32.msk $0xffff, v3  }
0x301: {  	s10 =	simm.s32 $0x40;
	s12 =	simm.s32 $0x800;
	s6 =	simm.s32 $0x8;
	v10 =	vadd.f32 $2.925000000e+02, v16;
	v13 =	vmul.f32 $3.200000000e+01, v20;
	v15 =	vmin.f32 v15, $8.388933000e+06;
	[tilespmem:v19+s26+$0x0] =	vst.idx.add.f32.msk $0xffff, v3  }
.LBB2_31:
0x302: {  	s15 =	sand.u32 $0x3000, s14;
	s16 =	sand.u32 $0xC00, s12;
	s6 =	sadd.s32 $0x8, s6;
	v14 =	vadd.f32 $2.925000000e+02, v14;
	v8 =	vmul.f32 $3.200000000e+01, v8;
	v15 =	vadd.s32 v2, v15;
	[tilespmem:v7+s26+$0x0] =	vst.idx.add.f32.msk $0xffff, v3  }
0x303: {  	s17 =	sand.u32 $0x380, s10;
	v7 =	vmax.f32 v11, $8.388868000e+06;
	v11 =	vadd.f32 $8.388608000e+06, v12;
	s15 =	sor.u32 s16, s15;
	p0 =	slt.u32 s6, $0x3F8;
	v12 =	vadd.f32 $2.925000000e+02, v13;
	[tilespmem:v6+s26+$0x0] =	vst.idx.add.f32.msk $0xffff, v3  }
0x304: {  	v6 =	vmin.f32 v7, $8.388933000e+06;
	v7 =	vadd.f32 $8.388608000e+06, v9;
	s15 =	sor.u32 s17, s15;
	v8 =	vadd.f32 $2.925000000e+02, v8;
	[tilespmem:v5+s26+$0x0] =	vst.idx.add.f32.msk $0xffff, v3  }
0x305: {  	v10 =	vadd.f32 $8.388608000e+06, v10;
	v9 =	vmax.f32 v11, $8.388868000e+06;
	v11 =	vadd.f32 $8.388608000e+06, v14;
	v5 =	vld [tilespmem:s15+$0x4070]  }
0x306: {  	v7 =	vmax.f32 v7, $8.388868000e+06;
	v12 =	vadd.f32 $8.388608000e+06, v12;
	v13 =	vld [tilespmem:s15+$0x4000];
	v8 =	vadd.f32 $8.388608000e+06, v8  }
0x307: {  	v9 =	vmin.f32 v9, $8.388933000e+06;
	v10 =	vmax.f32 v10, $8.388868000e+06;
	v11 =	vmax.f32 v11, $8.388868000e+06;
	[tilespmem:v15+s26+$0x0] =	vst.idx.add.f32.msk $0xffff, v3  }
0x308: {  	v7 =	vmin.f32 v7, $8.388933000e+06;
	v12 =	vmax.f32 v12, $8.388868000e+06;
	v14 =	vld [tilespmem:s15+$0x4010];
	v8 =	vmax.f32 v8, $8.388868000e+06  }
0x309: {  	v10 =	vmin.f32 v10, $8.388933000e+06;
	v11 =	vmin.f32 v11, $8.388933000e+06;
	v12 =	vmin.f32 v12, $8.388933000e+06;
	v15 =	vld [tilespmem:s15+$0x4020]  }
0x30a: {  	v17 =	vadd.s32 v2, v6;
	v18 =	vmin.f32 v8, $8.388933000e+06;
	v16 =	vld [tilespmem:s15+$0x4030];
	v5 =	vmul.f32 $3.200000000e+01, v5  }
0x30b: {  	v19 =	vadd.s32 v2, v9;
	v20 =	vadd.s32 v2, v7;
	v8 =	vmul.f32 $3.200000000e+01, v13;
	v13 =	vld [tilespmem:s15+$0x4040]  }
0x30c: {  	v7 =	vadd.s32 v2, v10;
	v6 =	vadd.s32 v2, v11;
	v21 =	vld [tilespmem:s15+$0x4050];
	v9 =	vadd.f32 $2.925000000e+02, v5  }
.Ltmp14:
0x30d: {  	v5 =	vadd.s32 v2, v12;
	v10 =	vadd.f32 $2.925000000e+02, v8;
	v14 =	vmul.f32 $3.200000000e+01, v14;
	v8 =	vld [tilespmem:s15+$0x4060];
	(pc) =	sbr.rel @p0 .LBB2_31-.Ltmp14, $4  }
0x30e: {  	v15 =	vmul.f32 $3.200000000e+01, v15;
	v22 =	vadd.f32 $8.388608000e+06, v9;
	[tilespmem:v4+s26+$0x0] =	vst.idx.add.f32.msk $0xffff, v3;
	v4 =	vadd.s32 v2, v18  }
0x30f: {  	v11 =	vadd.f32 $8.388608000e+06, v10;
	v12 =	vadd.f32 $2.925000000e+02, v14;
	v10 =	vmul.f32 $3.200000000e+01, v16;
	[tilespmem:v17+s26+$0x0] =	vst.idx.add.f32.msk $0xffff, v3  }
0x310: {  	v9 =	vadd.f32 $2.925000000e+02, v15;
	v14 =	vmul.f32 $3.200000000e+01, v13;
	v15 =	vmax.f32 v22, $8.388868000e+06;
	[tilespmem:v19+s26+$0x0] =	vst.idx.add.f32.msk $0xffff, v3  }
0x311: {  	s10 =	sadd.s32 $0x20, s10;
	s12 =	sadd.s32 $0x400, s12;
	s14 =	sadd.s32 $0x80, s14;
	v10 =	vadd.f32 $2.925000000e+02, v10;
	v13 =	vmul.f32 $3.200000000e+01, v21;
	v15 =	vmin.f32 v15, $8.388933000e+06;
	[tilespmem:v20+s26+$0x0] =	vst.idx.add.f32.msk $0xffff, v3  }
0x312: {  	v14 =	vadd.f32 $2.925000000e+02, v14;
	v8 =	vmul.f32 $3.200000000e+01, v8  }
0x313: {  	v15 =	vadd.s32 v2, v15;
	v11 =	vmax.f32 v11, $8.388868000e+06;
	v12 =	vadd.f32 $8.388608000e+06, v12  }
0x314: {  	v9 =	vadd.f32 $8.388608000e+06, v9;
	v13 =	vadd.f32 $2.925000000e+02, v13;
	v11 =	vmin.f32 v11, $8.388933000e+06  }
0x315: {  	v10 =	vadd.f32 $8.388608000e+06, v10;
	v8 =	vadd.f32 $2.925000000e+02, v8;
	v12 =	vmax.f32 v12, $8.388868000e+06  }
0x316: {  	v14 =	vadd.f32 $8.388608000e+06, v14;
	v9 =	vmax.f32 v9, $8.388868000e+06;
	v11 =	vadd.s32 v2, v11  }
0x317: {  	[tilespmem:v7+s26+$0x0] =	vst.idx.add.f32.msk $0xffff, v3;
	v13 =	vadd.f32 $8.388608000e+06, v13;
	v60 =	vmin.f32 v12, $8.388933000e+06;
	v61 =	vmax.f32 v10, $8.388868000e+06  }
0x318: {  	[tilespmem:v6+s26+$0x0] =	vst.idx.add.f32.msk $0xffff, v3;
	v9 =	vmin.f32 v9, $8.388933000e+06;
	v59 =	vadd.f32 $8.388608000e+06, v8;
	v8 =	vadd.s32 v2, v60  }
0x319: {  	[tilespmem:v5+s26+$0x0] =	vst.idx.add.f32.msk $0xffff, v3;
	v5 =	vmax.f32 v14, $8.388868000e+06;
	v6 =	vmin.f32 v61, $8.388933000e+06;
	v9 =	vadd.s32 v2, v9  }
0x31a: {  	[tilespmem:v4+s26+$0x0] =	vst.idx.add.f32.msk $0xffff, v3;
	v62 =	vmax.f32 v13, $8.388868000e+06;
	v5 =	vmin.f32 v5, $8.388933000e+06;
	v6 =	vadd.s32 v2, v6  }
0x31b: {  	[tilespmem:v15+s26+$0x0] =	vst.idx.add.f32.msk $0xffff, v3;
	v7 =	vmax.f32 v59, $8.388868000e+06;
	v10 =	vmin.f32 v62, $8.388933000e+06;
	v5 =	vadd.s32 v2, v5  }
0x31c: {  	s2 =	sadd.s32 $0x1, s2;
	v4 =	vmin.f32 v7, $8.388933000e+06;
	v63 =	vadd.s32 v2, v10;
	[tilespmem:v11+s26+$0x0] =	vst.idx.add.f32.msk $0xffff, v3  }
0x31d: {  	p0 =	sne.s32 s2, $0x8;
	v4 =	vadd.s32 v2, v4;
	[tilespmem:v8+s26+$0x0] =	vst.idx.add.f32.msk $0xffff, v3  }
.Ltmp15:
0x31e: {  	[tilespmem:v9+s26+$0x0] =	vst.idx.add.f32.msk $0xffff, v3;
	(pc) =	sbr.rel @p0 .LBB2_28-.Ltmp15, $4  }
0x31f: {  	[tilespmem:v6+s26+$0x0] =	vst.idx.add.f32.msk $0xffff, v3  }
0x320: {  	[tilespmem:v5+s26+$0x0] =	vst.idx.add.f32.msk $0xffff, v3  }
0x321: {  	[tilespmem:v63+s26+$0x0] =	vst.idx.add.f32.msk $0xffff, v3  }
0x322: {  	[tilespmem:v4+s26+$0x0] =	vst.idx.add.f32.msk $0xffff, v3  }
0x323: {  	s31 =	simm.s32 $0x0;
	s2 =	rddreg [dreg:$0x9]  }
0x324: {  	[tilespmem:s31], [sflag:$0x1] =	stream.linear.gather [hbm4b:s2+s31], $0x4000, $0x38;
	[tilespmem:$0x9C00] =	vst v63  }
0x325: {  	s2 =	simm.s32 $0x0  }
.LBB2_34:
0x326: {  	s6 =	sshll.u32 s2, $0xF  }
0x327: {  	s10 =	sadd.s32 s6, s9  }
0x328: {  	s10 =	sadd.s32 $0x4000, s10  }
0x329: {  	s10 =	sshrl.u32 s10, $0x3  }
0x32a: {  	s10 =	sadd.s32 s3, s10  }
0x32b: {  	[tilespmem:s24], [sflag:$0x2] =	stream.linear.gather [hbm4b:s10+s31], $0x4000, $0x38;
	[tilespmem:$0x9C00] =	vst v63  }
0x32c: {  	s15 =	sand.u32 $0x3000, s31;
	s12 =	sand.u32 $0xC00, s31;
	_ =	swait.ge [sflag:s25], $0x4000  }
0x32d: {  	s14 =	sand.u32 $0x380, s31;
	s10 =	sor.u32 s12, s15;
	[sflag:s25] =	ssyncset.done $0x0  }
0x32e: {  	s10 =	sor.u32 s14, s10;
	[sflag:s25] =	ssyncadd.s32 $0xFFFFC000  }
0x32f: {  	v4 =	vld [tilespmem:s10+$0x70]  }
0x330: {  	v5 =	vld [tilespmem:s10+$0x0]  }
0x331: {  	v6 =	vld [tilespmem:s10+$0x10]  }
0x332: {  	v7 =	vld [tilespmem:s10+$0x20]  }
0x333: {  	v8 =	vld [tilespmem:s10+$0x30]  }
0x334: {  	v9 =	vld [tilespmem:s10+$0x40]  }
0x335: {  	v10 =	vld [tilespmem:s10+$0x50]  }
0x336: {  	v11 =	vld [tilespmem:s10+$0x60]  }
0x337: {  	s16 =	simm.s32 $0x400;
	s17 =	simm.s32 $0x80;
	v4 =	vmul.f32 $3.200000000e+01, v4;
	v5 =	vmul.f32 $3.200000000e+01, v5  }
0x338: {  	s18 =	simm.s32 $0x20;
	s12 =	sand.u32 $0x3000, s17;
	s10 =	sand.u32 $0xC00, s16;
	v6 =	vmul.f32 $3.200000000e+01, v6;
	v7 =	vmul.f32 $3.200000000e+01, v7  }
0x339: {  	s14 =	sand.u32 $0x380, s18;
	s10 =	sor.u32 s10, s12;
	v8 =	vmul.f32 $3.200000000e+01, v8;
	v9 =	vmul.f32 $3.200000000e+01, v9  }
0x33a: {  	s10 =	sor.u32 s14, s10;
	v10 =	vmul.f32 $3.200000000e+01, v10;
	v4 =	vadd.f32 $3.575000000e+02, v4;
	v5 =	vadd.f32 $3.575000000e+02, v5  }
0x33b: {  	v12 =	vld [tilespmem:s10+$0x70];
	v11 =	vmul.f32 $3.200000000e+01, v11;
	v6 =	vadd.f32 $3.575000000e+02, v6;
	v7 =	vadd.f32 $3.575000000e+02, v7  }
0x33c: {  	v14 =	vld [tilespmem:s10+$0x10];
	v8 =	vadd.f32 $3.575000000e+02, v8;
	v9 =	vadd.f32 $3.575000000e+02, v9  }
0x33d: {  	v10 =	vadd.f32 $3.575000000e+02, v10;
	v11 =	vadd.f32 $3.575000000e+02, v11  }
0x33e: {  	v4 =	vadd.f32 $8.388608000e+06, v4;
	v5 =	vadd.f32 $8.388608000e+06, v5  }
0x33f: {  	v6 =	vadd.f32 $8.388608000e+06, v6;
	v7 =	vadd.f32 $8.388608000e+06, v7  }
0x340: {  	v12 =	vmul.f32 $3.200000000e+01, v12;
	v8 =	vadd.f32 $8.388608000e+06, v8;
	v9 =	vadd.f32 $8.388608000e+06, v9  }
0x341: {  	v14 =	vmul.f32 $3.200000000e+01, v14;
	v10 =	vadd.f32 $8.388608000e+06, v10;
	v11 =	vadd.f32 $8.388608000e+06, v11  }
0x342: {  	v13 =	vld [tilespmem:s10+$0x0];
	v12 =	vadd.f32 $3.575000000e+02, v12;
	v4 =	vmax.f32 v4, $8.388933000e+06;
	v5 =	vmax.f32 v5, $8.388933000e+06  }
0x343: {  	v6 =	vmax.f32 v6, $8.388933000e+06;
	v7 =	vmax.f32 v7, $8.388933000e+06;
	v8 =	vmax.f32 v8, $8.388933000e+06  }
0x344: {  	v9 =	vmax.f32 v9, $8.388933000e+06;
	v10 =	vmax.f32 v10, $8.388933000e+06;
	v11 =	vmax.f32 v11, $8.388933000e+06  }
0x345: {  	v15 =	vld [tilespmem:s10+$0x20];
	v4 =	vmin.f32 v4, $8.388998000e+06;
	v5 =	vmin.f32 v5, $8.388998000e+06;
	v6 =	vmin.f32 v6, $8.388998000e+06  }
0x346: {  	v16 =	vld [tilespmem:s10+$0x30];
	v7 =	vmin.f32 v7, $8.388998000e+06;
	v8 =	vmin.f32 v8, $8.388998000e+06;
	v4 =	vadd.s32 v2, v4  }
0x347: {  	v9 =	vmin.f32 v9, $8.388998000e+06;
	v17 =	vadd.s32 v2, v5;
	v5 =	vmul.f32 $3.200000000e+01, v13  }
0x348: {  	v10 =	vmin.f32 v10, $8.388998000e+06;
	v13 =	vld [tilespmem:s10+$0x40];
	v18 =	vadd.s32 v2, v6;
	v19 =	vadd.s32 v2, v7  }
0x349: {  	v20 =	vld [tilespmem:s10+$0x50];
	v7 =	vadd.s32 v2, v8;
	v6 =	vadd.s32 v2, v9;
	v9 =	vadd.f32 $3.575000000e+02, v5  }
0x34a: {  	v8 =	vld [tilespmem:s10+$0x60];
	v5 =	vadd.s32 v2, v10;
	v10 =	vmul.f32 $3.200000000e+01, v15;
	v15 =	vadd.f32 $8.388608000e+06, v12  }
0x34b: {  	v16 =	vmul.f32 $3.200000000e+01, v16;
	v11 =	vmin.f32 v11, $8.388998000e+06;
	[tilespmem:v4+s26+$0x0] =	vst.idx.add.f32.msk $0xffff, v3  }
0x34c: {  	v12 =	vadd.f32 $3.575000000e+02, v14;
	v15 =	vmax.f32 v15, $8.388933000e+06;
	v4 =	vadd.s32 v2, v11;
	[tilespmem:v17+s26+$0x0] =	vst.idx.add.f32.msk $0xffff, v3  }
0x34d: {  	s15 =	simm.s32 $0x100;
	v11 =	vadd.f32 $8.388608000e+06, v9;
	v9 =	vadd.f32 $3.575000000e+02, v10;
	v14 =	vmul.f32 $3.200000000e+01, v13;
	[tilespmem:v18+s26+$0x0] =	vst.idx.add.f32.msk $0xffff, v3  }
0x34e: {  	s12 =	simm.s32 $0x40;
	s14 =	simm.s32 $0x800;
	s10 =	simm.s32 $0x8;
	v10 =	vadd.f32 $3.575000000e+02, v16;
	v13 =	vmul.f32 $3.200000000e+01, v20;
	v15 =	vmin.f32 v15, $8.388998000e+06;
	[tilespmem:v19+s26+$0x0] =	vst.idx.add.f32.msk $0xffff, v3  }
.LBB2_35:
0x34f: {  	s16 =	sand.u32 $0x3000, s15;
	s17 =	sand.u32 $0xC00, s14;
	s10 =	sadd.s32 $0x8, s10;
	v14 =	vadd.f32 $3.575000000e+02, v14;
	v8 =	vmul.f32 $3.200000000e+01, v8;
	v15 =	vadd.s32 v2, v15;
	[tilespmem:v7+s26+$0x0] =	vst.idx.add.f32.msk $0xffff, v3  }
0x350: {  	s18 =	sand.u32 $0x380, s12;
	v7 =	vmax.f32 v11, $8.388933000e+06;
	v11 =	vadd.f32 $8.388608000e+06, v12;
	s16 =	sor.u32 s17, s16;
	p0 =	slt.u32 s10, $0x3F8;
	v12 =	vadd.f32 $3.575000000e+02, v13;
	[tilespmem:v6+s26+$0x0] =	vst.idx.add.f32.msk $0xffff, v3  }
0x351: {  	v6 =	vmin.f32 v7, $8.388998000e+06;
	v7 =	vadd.f32 $8.388608000e+06, v9;
	s16 =	sor.u32 s18, s16;
	v8 =	vadd.f32 $3.575000000e+02, v8;
	[tilespmem:v5+s26+$0x0] =	vst.idx.add.f32.msk $0xffff, v3  }
0x352: {  	v10 =	vadd.f32 $8.388608000e+06, v10;
	v9 =	vmax.f32 v11, $8.388933000e+06;
	v11 =	vadd.f32 $8.388608000e+06, v14;
	v5 =	vld [tilespmem:s16+$0x70]  }
0x353: {  	v7 =	vmax.f32 v7, $8.388933000e+06;
	v12 =	vadd.f32 $8.388608000e+06, v12;
	v13 =	vld [tilespmem:s16+$0x0];
	v8 =	vadd.f32 $8.388608000e+06, v8  }
0x354: {  	v9 =	vmin.f32 v9, $8.388998000e+06;
	v10 =	vmax.f32 v10, $8.388933000e+06;
	v11 =	vmax.f32 v11, $8.388933000e+06;
	[tilespmem:v15+s26+$0x0] =	vst.idx.add.f32.msk $0xffff, v3  }
0x355: {  	v7 =	vmin.f32 v7, $8.388998000e+06;
	v12 =	vmax.f32 v12, $8.388933000e+06;
	v14 =	vld [tilespmem:s16+$0x10];
	v8 =	vmax.f32 v8, $8.388933000e+06  }
0x356: {  	v10 =	vmin.f32 v10, $8.388998000e+06;
	v11 =	vmin.f32 v11, $8.388998000e+06;
	v12 =	vmin.f32 v12, $8.388998000e+06;
	v15 =	vld [tilespmem:s16+$0x20]  }
0x357: {  	v17 =	vadd.s32 v2, v6;
	v18 =	vmin.f32 v8, $8.388998000e+06;
	v16 =	vld [tilespmem:s16+$0x30];
	v5 =	vmul.f32 $3.200000000e+01, v5  }
0x358: {  	v19 =	vadd.s32 v2, v9;
	v20 =	vadd.s32 v2, v7;
	v8 =	vmul.f32 $3.200000000e+01, v13;
	v13 =	vld [tilespmem:s16+$0x40]  }
0x359: {  	v7 =	vadd.s32 v2, v10;
	v6 =	vadd.s32 v2, v11;
	v21 =	vld [tilespmem:s16+$0x50];
	v9 =	vadd.f32 $3.575000000e+02, v5  }
.Ltmp16:
0x35a: {  	v5 =	vadd.s32 v2, v12;
	v10 =	vadd.f32 $3.575000000e+02, v8;
	v14 =	vmul.f32 $3.200000000e+01, v14;
	v8 =	vld [tilespmem:s16+$0x60];
	(pc) =	sbr.rel @p0 .LBB2_35-.Ltmp16, $4  }
0x35b: {  	v15 =	vmul.f32 $3.200000000e+01, v15;
	v22 =	vadd.f32 $8.388608000e+06, v9;
	[tilespmem:v4+s26+$0x0] =	vst.idx.add.f32.msk $0xffff, v3;
	v4 =	vadd.s32 v2, v18  }
0x35c: {  	v11 =	vadd.f32 $8.388608000e+06, v10;
	v12 =	vadd.f32 $3.575000000e+02, v14;
	v10 =	vmul.f32 $3.200000000e+01, v16;
	[tilespmem:v17+s26+$0x0] =	vst.idx.add.f32.msk $0xffff, v3  }
0x35d: {  	v9 =	vadd.f32 $3.575000000e+02, v15;
	v14 =	vmul.f32 $3.200000000e+01, v13;
	v15 =	vmax.f32 v22, $8.388933000e+06;
	[tilespmem:v19+s26+$0x0] =	vst.idx.add.f32.msk $0xffff, v3  }
0x35e: {  	s12 =	sadd.s32 $0x20, s12;
	s14 =	sadd.s32 $0x400, s14;
	s15 =	sadd.s32 $0x80, s15;
	v10 =	vadd.f32 $3.575000000e+02, v10;
	v13 =	vmul.f32 $3.200000000e+01, v21;
	v15 =	vmin.f32 v15, $8.388998000e+06;
	[tilespmem:v20+s26+$0x0] =	vst.idx.add.f32.msk $0xffff, v3  }
0x35f: {  	v14 =	vadd.f32 $3.575000000e+02, v14;
	v8 =	vmul.f32 $3.200000000e+01, v8  }
0x360: {  	v15 =	vadd.s32 v2, v15;
	v11 =	vmax.f32 v11, $8.388933000e+06;
	v12 =	vadd.f32 $8.388608000e+06, v12  }
0x361: {  	v9 =	vadd.f32 $8.388608000e+06, v9;
	v13 =	vadd.f32 $3.575000000e+02, v13;
	v11 =	vmin.f32 v11, $8.388998000e+06  }
0x362: {  	v10 =	vadd.f32 $8.388608000e+06, v10;
	v8 =	vadd.f32 $3.575000000e+02, v8;
	v12 =	vmax.f32 v12, $8.388933000e+06  }
0x363: {  	v14 =	vadd.f32 $8.388608000e+06, v14;
	v9 =	vmax.f32 v9, $8.388933000e+06;
	v11 =	vadd.s32 v2, v11  }
0x364: {  	[tilespmem:v6+s26+$0x0] =	vst.idx.add.f32.msk $0xffff, v3;
	v13 =	vadd.f32 $8.388608000e+06, v13;
	v6 =	vmax.f32 v10, $8.388933000e+06;
	v9 =	vmin.f32 v9, $8.388998000e+06  }
0x365: {  	[tilespmem:v7+s26+$0x0] =	vst.idx.add.f32.msk $0xffff, v3;
	v7 =	vadd.f32 $8.388608000e+06, v8;
	v8 =	vmin.f32 v12, $8.388998000e+06;
	v9 =	vadd.s32 v2, v9  }
0x366: {  	[tilespmem:v5+s26+$0x0] =	vst.idx.add.f32.msk $0xffff, v3;
	v5 =	vmax.f32 v14, $8.388933000e+06;
	v6 =	vmin.f32 v6, $8.388998000e+06;
	v8 =	vadd.s32 v2, v8  }
0x367: {  	[tilespmem:v4+s26+$0x0] =	vst.idx.add.f32.msk $0xffff, v3;
	v10 =	vmax.f32 v13, $8.388933000e+06;
	v5 =	vmin.f32 v5, $8.388998000e+06;
	v6 =	vadd.s32 v2, v6  }
0x368: {  	[tilespmem:v15+s26+$0x0] =	vst.idx.add.f32.msk $0xffff, v3;
	v7 =	vmax.f32 v7, $8.388933000e+06;
	v10 =	vmin.f32 v10, $8.388998000e+06;
	v5 =	vadd.s32 v2, v5  }
0x369: {  	v4 =	vmin.f32 v7, $8.388998000e+06;
	v7 =	vadd.s32 v2, v10;
	[tilespmem:v11+s26+$0x0] =	vst.idx.add.f32.msk $0xffff, v3  }
0x36a: {  	v4 =	vadd.s32 v2, v4;
	[tilespmem:v9+s26+$0x0] =	vst.idx.add.f32.msk $0xffff, v3  }
0x36b: {  	[tilespmem:v8+s26+$0x0] =	vst.idx.add.f32.msk $0xffff, v3  }
0x36c: {  	p0 =	seq.s32 s2, $0x7;
	[tilespmem:v6+s26+$0x0] =	vst.idx.add.f32.msk $0xffff, v3  }
0x36d: {  	s6 =	sadd.s32 @!p0 s6, s13;
	[tilespmem:v5+s26+$0x0] =	vst.idx.add.f32.msk $0xffff, v3  }
0x36e: {  	s6 =	sshrl.u32 @!p0 s6, $0x3;
	[tilespmem:v7+s26+$0x0] =	vst.idx.add.f32.msk $0xffff, v3  }
0x36f: {  	s14 =	simm.s32 $0x0;
	s10 =	simm.s32 @!p0 $0x0;
	s6 =	sadd.s32 @!p0 s3, s6;
	[tilespmem:v4+s26+$0x0] =	vst.idx.add.f32.msk $0xffff, v3  }
0x370: {  	[tilespmem:s10], [sflag:$0x1] =	stream.linear.gather @!p0 [hbm4b:s6+s10], $0x4000, $0x38;
	[tilespmem:$0x9C00] =	vst v63  }
0x371: {  	s15 =	sand.u32 $0x3000, s14;
	s12 =	sand.u32 $0xC00, s14;
	_ =	swait.ge [sflag:s28], $0x4000  }
0x372: {  	s6 =	sand.u32 $0x380, s14;
	s10 =	sor.u32 s12, s15;
	[sflag:s28] =	ssyncset.done $0x0  }
0x373: {  	s6 =	sor.u32 s6, s10;
	[sflag:s28] =	ssyncadd.s32 $0xFFFFC000  }
0x374: {  	v4 =	vld [tilespmem:s6+$0x4070]  }
0x375: {  	v5 =	vld [tilespmem:s6+$0x4000]  }
0x376: {  	v6 =	vld [tilespmem:s6+$0x4010]  }
0x377: {  	v7 =	vld [tilespmem:s6+$0x4020]  }
0x378: {  	v8 =	vld [tilespmem:s6+$0x4030]  }
0x379: {  	v9 =	vld [tilespmem:s6+$0x4040]  }
0x37a: {  	v10 =	vld [tilespmem:s6+$0x4050]  }
0x37b: {  	v11 =	vld [tilespmem:s6+$0x4060]  }
0x37c: {  	s16 =	simm.s32 $0x400;
	s17 =	simm.s32 $0x80;
	v4 =	vmul.f32 $3.200000000e+01, v4;
	v5 =	vmul.f32 $3.200000000e+01, v5  }
0x37d: {  	s18 =	simm.s32 $0x20;
	s10 =	sand.u32 $0x3000, s17;
	s6 =	sand.u32 $0xC00, s16;
	v6 =	vmul.f32 $3.200000000e+01, v6;
	v7 =	vmul.f32 $3.200000000e+01, v7  }
0x37e: {  	s12 =	sand.u32 $0x380, s18;
	s6 =	sor.u32 s6, s10;
	v8 =	vmul.f32 $3.200000000e+01, v8;
	v9 =	vmul.f32 $3.200000000e+01, v9  }
0x37f: {  	s6 =	sor.u32 s12, s6;
	v10 =	vmul.f32 $3.200000000e+01, v10;
	v4 =	vadd.f32 $3.575000000e+02, v4;
	v5 =	vadd.f32 $3.575000000e+02, v5  }
0x380: {  	v12 =	vld [tilespmem:s6+$0x4070];
	v11 =	vmul.f32 $3.200000000e+01, v11;
	v6 =	vadd.f32 $3.575000000e+02, v6;
	v7 =	vadd.f32 $3.575000000e+02, v7  }
0x381: {  	v14 =	vld [tilespmem:s6+$0x4010];
	v8 =	vadd.f32 $3.575000000e+02, v8;
	v9 =	vadd.f32 $3.575000000e+02, v9  }
0x382: {  	v10 =	vadd.f32 $3.575000000e+02, v10;
	v11 =	vadd.f32 $3.575000000e+02, v11  }
0x383: {  	v4 =	vadd.f32 $8.388608000e+06, v4;
	v5 =	vadd.f32 $8.388608000e+06, v5  }
0x384: {  	v6 =	vadd.f32 $8.388608000e+06, v6;
	v7 =	vadd.f32 $8.388608000e+06, v7  }
0x385: {  	v12 =	vmul.f32 $3.200000000e+01, v12;
	v8 =	vadd.f32 $8.388608000e+06, v8;
	v9 =	vadd.f32 $8.388608000e+06, v9  }
0x386: {  	v14 =	vmul.f32 $3.200000000e+01, v14;
	v10 =	vadd.f32 $8.388608000e+06, v10;
	v11 =	vadd.f32 $8.388608000e+06, v11  }
0x387: {  	v13 =	vld [tilespmem:s6+$0x4000];
	v12 =	vadd.f32 $3.575000000e+02, v12;
	v4 =	vmax.f32 v4, $8.388933000e+06;
	v5 =	vmax.f32 v5, $8.388933000e+06  }
0x388: {  	v6 =	vmax.f32 v6, $8.388933000e+06;
	v7 =	vmax.f32 v7, $8.388933000e+06;
	v8 =	vmax.f32 v8, $8.388933000e+06  }
0x389: {  	v9 =	vmax.f32 v9, $8.388933000e+06;
	v10 =	vmax.f32 v10, $8.388933000e+06;
	v11 =	vmax.f32 v11, $8.388933000e+06  }
0x38a: {  	v15 =	vld [tilespmem:s6+$0x4020];
	v4 =	vmin.f32 v4, $8.388998000e+06;
	v5 =	vmin.f32 v5, $8.388998000e+06;
	v6 =	vmin.f32 v6, $8.388998000e+06  }
0x38b: {  	v16 =	vld [tilespmem:s6+$0x4030];
	v7 =	vmin.f32 v7, $8.388998000e+06;
	v8 =	vmin.f32 v8, $8.388998000e+06;
	v4 =	vadd.s32 v2, v4  }
0x38c: {  	v9 =	vmin.f32 v9, $8.388998000e+06;
	v17 =	vadd.s32 v2, v5;
	v5 =	vmul.f32 $3.200000000e+01, v13  }
0x38d: {  	v10 =	vmin.f32 v10, $8.388998000e+06;
	v13 =	vld [tilespmem:s6+$0x4040];
	v18 =	vadd.s32 v2, v6;
	v19 =	vadd.s32 v2, v7  }
0x38e: {  	v20 =	vld [tilespmem:s6+$0x4050];
	v7 =	vadd.s32 v2, v8;
	v6 =	vadd.s32 v2, v9;
	v9 =	vadd.f32 $3.575000000e+02, v5  }
0x38f: {  	v8 =	vld [tilespmem:s6+$0x4060];
	v5 =	vadd.s32 v2, v10;
	v10 =	vmul.f32 $3.200000000e+01, v15;
	v15 =	vadd.f32 $8.388608000e+06, v12  }
0x390: {  	v16 =	vmul.f32 $3.200000000e+01, v16;
	v11 =	vmin.f32 v11, $8.388998000e+06;
	[tilespmem:v4+s26+$0x0] =	vst.idx.add.f32.msk $0xffff, v3  }
0x391: {  	v12 =	vadd.f32 $3.575000000e+02, v14;
	v15 =	vmax.f32 v15, $8.388933000e+06;
	v4 =	vadd.s32 v2, v11;
	[tilespmem:v17+s26+$0x0] =	vst.idx.add.f32.msk $0xffff, v3  }
0x392: {  	s14 =	simm.s32 $0x100;
	v11 =	vadd.f32 $8.388608000e+06, v9;
	v9 =	vadd.f32 $3.575000000e+02, v10;
	v14 =	vmul.f32 $3.200000000e+01, v13;
	[tilespmem:v18+s26+$0x0] =	vst.idx.add.f32.msk $0xffff, v3  }
0x393: {  	s10 =	simm.s32 $0x40;
	s12 =	simm.s32 $0x800;
	s6 =	simm.s32 $0x8;
	v10 =	vadd.f32 $3.575000000e+02, v16;
	v13 =	vmul.f32 $3.200000000e+01, v20;
	v15 =	vmin.f32 v15, $8.388998000e+06;
	[tilespmem:v19+s26+$0x0] =	vst.idx.add.f32.msk $0xffff, v3  }
.LBB2_37:
0x394: {  	s15 =	sand.u32 $0x3000, s14;
	s16 =	sand.u32 $0xC00, s12;
	s6 =	sadd.s32 $0x8, s6;
	v14 =	vadd.f32 $3.575000000e+02, v14;
	v8 =	vmul.f32 $3.200000000e+01, v8;
	v15 =	vadd.s32 v2, v15;
	[tilespmem:v7+s26+$0x0] =	vst.idx.add.f32.msk $0xffff, v3  }
0x395: {  	s17 =	sand.u32 $0x380, s10;
	v7 =	vmax.f32 v11, $8.388933000e+06;
	v11 =	vadd.f32 $8.388608000e+06, v12;
	s15 =	sor.u32 s16, s15;
	p0 =	slt.u32 s6, $0x3F8;
	v12 =	vadd.f32 $3.575000000e+02, v13;
	[tilespmem:v6+s26+$0x0] =	vst.idx.add.f32.msk $0xffff, v3  }
0x396: {  	v6 =	vmin.f32 v7, $8.388998000e+06;
	v7 =	vadd.f32 $8.388608000e+06, v9;
	s15 =	sor.u32 s17, s15;
	v8 =	vadd.f32 $3.575000000e+02, v8;
	[tilespmem:v5+s26+$0x0] =	vst.idx.add.f32.msk $0xffff, v3  }
0x397: {  	v10 =	vadd.f32 $8.388608000e+06, v10;
	v9 =	vmax.f32 v11, $8.388933000e+06;
	v11 =	vadd.f32 $8.388608000e+06, v14;
	v5 =	vld [tilespmem:s15+$0x4070]  }
0x398: {  	v7 =	vmax.f32 v7, $8.388933000e+06;
	v12 =	vadd.f32 $8.388608000e+06, v12;
	v13 =	vld [tilespmem:s15+$0x4000];
	v8 =	vadd.f32 $8.388608000e+06, v8  }
0x399: {  	v9 =	vmin.f32 v9, $8.388998000e+06;
	v10 =	vmax.f32 v10, $8.388933000e+06;
	v11 =	vmax.f32 v11, $8.388933000e+06;
	[tilespmem:v15+s26+$0x0] =	vst.idx.add.f32.msk $0xffff, v3  }
0x39a: {  	v7 =	vmin.f32 v7, $8.388998000e+06;
	v12 =	vmax.f32 v12, $8.388933000e+06;
	v14 =	vld [tilespmem:s15+$0x4010];
	v8 =	vmax.f32 v8, $8.388933000e+06  }
0x39b: {  	v10 =	vmin.f32 v10, $8.388998000e+06;
	v11 =	vmin.f32 v11, $8.388998000e+06;
	v12 =	vmin.f32 v12, $8.388998000e+06;
	v15 =	vld [tilespmem:s15+$0x4020]  }
0x39c: {  	v17 =	vadd.s32 v2, v6;
	v18 =	vmin.f32 v8, $8.388998000e+06;
	v16 =	vld [tilespmem:s15+$0x4030];
	v5 =	vmul.f32 $3.200000000e+01, v5  }
0x39d: {  	v19 =	vadd.s32 v2, v9;
	v20 =	vadd.s32 v2, v7;
	v8 =	vmul.f32 $3.200000000e+01, v13;
	v13 =	vld [tilespmem:s15+$0x4040]  }
0x39e: {  	v7 =	vadd.s32 v2, v10;
	v6 =	vadd.s32 v2, v11;
	v21 =	vld [tilespmem:s15+$0x4050];
	v9 =	vadd.f32 $3.575000000e+02, v5  }
.Ltmp17:
0x39f: {  	v5 =	vadd.s32 v2, v12;
	v10 =	vadd.f32 $3.575000000e+02, v8;
	v14 =	vmul.f32 $3.200000000e+01, v14;
	v8 =	vld [tilespmem:s15+$0x4060];
	(pc) =	sbr.rel @p0 .LBB2_37-.Ltmp17, $4  }
0x3a0: {  	v15 =	vmul.f32 $3.200000000e+01, v15;
	v22 =	vadd.f32 $8.388608000e+06, v9;
	[tilespmem:v4+s26+$0x0] =	vst.idx.add.f32.msk $0xffff, v3;
	v4 =	vadd.s32 v2, v18  }
0x3a1: {  	v11 =	vadd.f32 $8.388608000e+06, v10;
	v12 =	vadd.f32 $3.575000000e+02, v14;
	v10 =	vmul.f32 $3.200000000e+01, v16;
	[tilespmem:v17+s26+$0x0] =	vst.idx.add.f32.msk $0xffff, v3  }
0x3a2: {  	v9 =	vadd.f32 $3.575000000e+02, v15;
	v14 =	vmul.f32 $3.200000000e+01, v13;
	v15 =	vmax.f32 v22, $8.388933000e+06;
	[tilespmem:v19+s26+$0x0] =	vst.idx.add.f32.msk $0xffff, v3  }
0x3a3: {  	s10 =	sadd.s32 $0x20, s10;
	s12 =	sadd.s32 $0x400, s12;
	s14 =	sadd.s32 $0x80, s14;
	v10 =	vadd.f32 $3.575000000e+02, v10;
	v13 =	vmul.f32 $3.200000000e+01, v21;
	v15 =	vmin.f32 v15, $8.388998000e+06;
	[tilespmem:v20+s26+$0x0] =	vst.idx.add.f32.msk $0xffff, v3  }
0x3a4: {  	v14 =	vadd.f32 $3.575000000e+02, v14;
	v8 =	vmul.f32 $3.200000000e+01, v8  }
0x3a5: {  	v15 =	vadd.s32 v2, v15;
	v11 =	vmax.f32 v11, $8.388933000e+06;
	v12 =	vadd.f32 $8.388608000e+06, v12  }
0x3a6: {  	v9 =	vadd.f32 $8.388608000e+06, v9;
	v13 =	vadd.f32 $3.575000000e+02, v13;
	v11 =	vmin.f32 v11, $8.388998000e+06  }
0x3a7: {  	v10 =	vadd.f32 $8.388608000e+06, v10;
	v8 =	vadd.f32 $3.575000000e+02, v8;
	v12 =	vmax.f32 v12, $8.388933000e+06  }
0x3a8: {  	v14 =	vadd.f32 $8.388608000e+06, v14;
	v9 =	vmax.f32 v9, $8.388933000e+06;
	v11 =	vadd.s32 v2, v11  }
0x3a9: {  	[tilespmem:v7+s26+$0x0] =	vst.idx.add.f32.msk $0xffff, v3;
	v13 =	vadd.f32 $8.388608000e+06, v13;
	v60 =	vmin.f32 v12, $8.388998000e+06;
	v61 =	vmax.f32 v10, $8.388933000e+06  }
0x3aa: {  	[tilespmem:v6+s26+$0x0] =	vst.idx.add.f32.msk $0xffff, v3;
	v9 =	vmin.f32 v9, $8.388998000e+06;
	v59 =	vadd.f32 $8.388608000e+06, v8;
	v8 =	vadd.s32 v2, v60  }
0x3ab: {  	[tilespmem:v5+s26+$0x0] =	vst.idx.add.f32.msk $0xffff, v3;
	v5 =	vmax.f32 v14, $8.388933000e+06;
	v6 =	vmin.f32 v61, $8.388998000e+06;
	v9 =	vadd.s32 v2, v9  }
0x3ac: {  	[tilespmem:v4+s26+$0x0] =	vst.idx.add.f32.msk $0xffff, v3;
	v62 =	vmax.f32 v13, $8.388933000e+06;
	v5 =	vmin.f32 v5, $8.388998000e+06;
	v6 =	vadd.s32 v2, v6  }
0x3ad: {  	[tilespmem:v15+s26+$0x0] =	vst.idx.add.f32.msk $0xffff, v3;
	v7 =	vmax.f32 v59, $8.388933000e+06;
	v10 =	vmin.f32 v62, $8.388998000e+06;
	v5 =	vadd.s32 v2, v5  }
0x3ae: {  	s2 =	sadd.s32 $0x1, s2;
	v4 =	vmin.f32 v7, $8.388998000e+06;
	v63 =	vadd.s32 v2, v10;
	[tilespmem:v11+s26+$0x0] =	vst.idx.add.f32.msk $0xffff, v3  }
0x3af: {  	p0 =	sne.s32 s2, $0x8;
	v4 =	vadd.s32 v2, v4;
	[tilespmem:v8+s26+$0x0] =	vst.idx.add.f32.msk $0xffff, v3  }
.Ltmp18:
0x3b0: {  	[tilespmem:v9+s26+$0x0] =	vst.idx.add.f32.msk $0xffff, v3;
	(pc) =	sbr.rel @p0 .LBB2_34-.Ltmp18, $4  }
0x3b1: {  	[tilespmem:v6+s26+$0x0] =	vst.idx.add.f32.msk $0xffff, v3  }
0x3b2: {  	[tilespmem:v5+s26+$0x0] =	vst.idx.add.f32.msk $0xffff, v3  }
0x3b3: {  	[tilespmem:v63+s26+$0x0] =	vst.idx.add.f32.msk $0xffff, v3  }
0x3b4: {  	[tilespmem:v4+s26+$0x0] =	vst.idx.add.f32.msk $0xffff, v3  }
0x3b5: {  	s2 =	simm.s32 $0x0  }
0x3b6: {  	s6 =	simm.s32 $0x0;
	s2 =	smul.u32 $0x41, s2  }
0x3b7: {  	s10 =	sand.u32 $0x3F, s6  }
0x3b8: {  	s2 =	sadd.s32 s2, s10  }
0x3b9: {  	s2 =	sadd.s32 $0x1, s2  }
0x3ba: {  	v4 =	vadd.s32 s2, v0;
	_ =	sdelay $0x4  }
0x3bb: {  	v4 =	vld.idx.msk [tilespmem:v4+s26+$0x0], $0xffff;
	_ =	sdelay $0x4  }
0x3bc: {  	(xrf2) =	vadd.scan.msk.f32 $0xffff, v4;
	_ =	sdelay $0x3  }
0x3bd: {  	s12 =	simm.s32 $0x0;
	s10 =	simm.s32 $0x2;
	s2 =	simm.s32 $0x1  }
.LBB2_40:
0x3be: {  	p0 =	sne.s32 s10, $0x17F;
	s12 =	smul.u32 $0x41, s12  }
0x3bf: {  	s14 =	sand.u32 $0x3F, s2;
	s15 =	sand.u32 $0xFFFFFFC0, s6  }
0x3c0: {  	s12 =	sadd.s32 s12, s14;
	s14 =	sadd.s32 s15, s6;
	s6 =	smov.u32 s2  }
0x3c1: {  	s2 =	smov.u32 s10;
	s12 =	sadd.s32 $0x1, s12;
	v4 =	vmov s14  }
0x3c2: {  	v5 =	vadd.s32 s12, v0  }
0x3c3: {  	v6, _, _ =	vpop (xrf2)  }
0x3c4: {  	v6 =	vbroadcast v6, $0xF;
	_ =	sdelay $0x1  }
0x3c5: {  	[tilespmem:v4+s29+$0x0] =	vst.idx.msk $0x1, v6  }
0x3c6: {  	v4 =	vld.idx.msk [tilespmem:v5+s26+$0x0], $0xffff;
	_ =	sdelay $0x5  }
.Ltmp19:
0x3c7: {  	(xrf2) =	vadd.scan.msk.f32 $0xffff, v4;
	(pc) =	sbr.rel @p0 .LBB2_40-.Ltmp19, $2  }
0x3c8: {  	_ =	sdelay $0x2  }
0x3c9: {  	s10 =	sadd.s32 $0x1, s10;
	s12 =	sshrl.u32 s2, $0x6  }
0x3ca: {  	s10 =	smul.u32 $0x41, s12  }
0x3cb: {  	s31 =	sand.u32 $0x3F, s2;
	s14 =	sand.u32 $0xFFFFFFC0, s6  }
0x3cc: {  	s6 =	sadd.s32 s14, s6;
	s10 =	sadd.s32 s10, s31  }
0x3cd: {  	v4 =	vmov s6;
	s10 =	sadd.s32 $0x1, s10  }
0x3ce: {  	v5 =	vadd.s32 s10, v0  }
0x3cf: {  	v6, _, _ =	vpop (xrf2)  }
0x3d0: {  	v6 =	vbroadcast v6, $0xF;
	_ =	sdelay $0x1  }
0x3d1: {  	[tilespmem:v4+s29+$0x0] =	vst.idx.msk $0x1, v6  }
0x3d2: {  	v4 =	vld.idx.msk [tilespmem:v5+s26+$0x0], $0xffff;
	_ =	sdelay $0x4  }
0x3d3: {  	(xrf2) =	vadd.scan.msk.f32 $0xffff, v4;
	_ =	sdelay $0x5  }
0x3d4: {  	s10 =	sand.u32 $0xFFFFFFC0, s2  }
0x3d5: {  	s2 =	sadd.s32 s10, s2  }
0x3d6: {  	v4 =	vmov s2;
	_ =	sdelay $0x1  }
0x3d7: {  	v5, _, _ =	vpop (xrf2)  }
0x3d8: {  	v5 =	vbroadcast v5, $0xF;
	_ =	sdelay $0x1  }
0x3d9: {  	s12 =	rddreg [dreg:$0xa];
	[tilespmem:v4+s29+$0x0] =	vst.idx.msk $0x1, v5  }
0x3da: {  	[hbm4b:s12+s4] =	stream.linear.scatter [tilespmem:s29], [sflag:$0x3], $0x80, $0x38;
	[tilespmem:$0x9C00] =	vst v63  }
0x3db: {  	_ =	swait.ge [sflag:s30], $0x80  }
0x3dc: {  	[sflag:s30] =	ssyncset.done $0x0  }
0x3dd: {  	s15 =	simm.s32 $0x9980;
	s14 =	rddreg [dreg:$0xb];
	[sflag:s30] =	ssyncadd.s32 $0xFFFFFF80  }
0x3de: {  	[hbm4b:s14+s4] =	stream.linear.scatter [tilespmem:s15], [sflag:$0x3], $0x80, $0x38;
	[tilespmem:$0x9C00] =	vst v63  }
0x3df: {  	_ =	swait.ge [sflag:s30], $0x80  }
0x3e0: {  	[sflag:s30] =	ssyncset.done $0x0  }
0x3e1: {  	s16 =	simm.s32 $0x9A00;
	[sflag:s30] =	ssyncadd.s32 $0xFFFFFF80  }
0x3e2: {  	[hbm4b:s19+s4] =	stream.linear.scatter [tilespmem:s16], [sflag:$0x3], $0x80, $0x38;
	[tilespmem:$0x9C00] =	vst v63  }
0x3e3: {  	_ =	swait.ge [sflag:s30], $0x80  }
0x3e4: {  	[sflag:s30] =	ssyncset.done $0x0  }
0x3e5: {  	s17 =	simm.s32 $0x9A80;
	[sflag:s30] =	ssyncadd.s32 $0xFFFFFF80  }
0x3e6: {  	[hbm4b:s20+s4] =	stream.linear.scatter [tilespmem:s17], [sflag:$0x3], $0x80, $0x38;
	[tilespmem:$0x9C00] =	vst v63  }
0x3e7: {  	_ =	swait.ge [sflag:s30], $0x80  }
0x3e8: {  	[sflag:s30] =	ssyncset.done $0x0  }
0x3e9: {  	s18 =	simm.s32 $0x9B00;
	[sflag:s30] =	ssyncadd.s32 $0xFFFFFF80  }
0x3ea: {  	[hbm4b:s21+s4] =	stream.linear.scatter [tilespmem:s18], [sflag:$0x3], $0x80, $0x38;
	[tilespmem:$0x9C00] =	vst v63  }
0x3eb: {  	s0 =	sadd.s32 $0x1, s0;
	_ =	swait.ge [sflag:s30], $0x80  }
0x3ec: {  	p0 =	sne.s32 s0, s23;
	[sflag:s30] =	ssyncset.done $0x0  }
.Ltmp20:
0x3ed: {  	s31 =	simm.s32 $0x9B80;
	[sflag:s30] =	ssyncadd.s32 $0xFFFFFF80;
	(pc) =	sbr.rel @p0 .LBB2_1-.Ltmp20, $4  }
0x3ee: {  	[hbm4b:s22+s4] =	stream.linear.scatter [tilespmem:s31], [sflag:$0x3], $0x80, $0x38;
	[tilespmem:$0x9C00] =	vst v63  }
0x3ef: {  	_ =	swait.ge [sflag:s30], $0x80  }
0x3f0: {  	[sflag:s30] =	ssyncset.done $0x0  }
0x3f1: {  	[sflag:s30] =	ssyncadd.s32 $0xFFFFFF80  }
0x3f2: {  	_ =	sfence.sel $0x180000  }
0x3f3: {  	[bflag:$0x0] =	sbarrier.arrive $0xFFFF  }
0x3f4: {  	_ =	strace $0x90000047  }
0x3f5: {  	s0 =	stileid.u32;
	[bflag:$0x2] =	sbarrier.arrive $0xFFFF  }
0x3f6: {  	p0 =	sne.s32 s0, $0x0;
	s0 =	rddreg [dreg:$0x3]  }
0x3f7: {  	s0 =	sadd.s32 @!p0 $0x100000, s0  }
0x3f8: {  	[sflag:s0] =	ssyncadd.tile.s32 @!p0 $0x1;
	_ =	shalt  }
.Lfunc_end2:
_tile_overlayer_lowered:
.L_overlay_start_2:
0x3f9: {  	(tag) =	ssettag $0x2  }
0x3fa: {  	s0 =	rddreg [dreg:$0x0];
	s2 =	stileid.u32  }
0x3fb: {  	s1 =	rddreg [dreg:$0x1];
	p0 =	sne.s32 s2, $0x0  }
0x3fc: {  	s3 =	rddreg [dreg:$0x2];
	[bflag:$0x3] =	sbarrier.arrive $0xFFFF;
	s2 =	simm.s32 @!p0 $0x1C03  }
0x3fd: {  	[timem:s3], [sflag:s2] =	dma.local @!p0 [hbm:s0], s1  }
0x3fe: {  	s0 =	simm.s32 @!p0 $0x3  }
0x3ff: {  	_ =	swait.ge @!p0 [sflag:s0], s1  }
0x400: {  	s1 =	ssub.s32 @!p0 $0x0, s1;
	[sflag:s0] =	ssyncset.done @!p0 $0x0  }
0x401: {  	[sflag:s0] =	ssyncadd.s32 @!p0 s1  }
0x402: {  	[bflag:$0x3] =	sbarrier.arrive $0xFFFF  }
0x403: {  	_ =	shalt  }

</sc_bundles>
